<compile_context>
chip_gen: v7x
topology: tpu7x:2x2x1
jax: 0.10.2.dev20260603
libtpu: 0.0.44.dev20260713+nightly
codegen_flags: <defaults>
</compile_context>

<pallas_src>
import jax
import jax.numpy as jnp
from jax import lax
from jax.experimental import pallas as pl
from jax.experimental.pallas import tpu as pltpu
from jax.experimental.pallas import tpu_sc as plsc

F_UNARY = 128
F_BIN = 16
NODES = 10000
EDGES = 320000

NCORES = 2
NSUB = 16
GROUP = 128
NGROUPS = EDGES // GROUP
GP_SUB = 160
NGROUPS_PAD = GP_SUB * NSUB
IDX_CHUNK = 16
NBLK = GP_SUB // IDX_CHUNK
ACC_ROWS = 10240
ROWS_SUB = ACC_ROWS // NSUB
B_ROWS = EDGES // (NCORES * NSUB)


def _sc_body(z_hbm, d_hbm, idx_hbm, outp_hbm,
             acc, ib0, ib1, db0, db1, sr0, sr1, si0, si1):
    c = lax.axis_index("core")
    s = lax.axis_index("subcore")
    row0 = s * ROWS_SUB
    g0 = s * GP_SUB

    ibs = (ib0, ib1)
    dbs = (db0, db1)
    srs = (sr0, sr1)
    sis = (si0, si1)

    def read_slice(g_rel):
        gg = jnp.minimum(g0 + g_rel, NGROUPS - 1)
        e0 = pl.multiple_of(gg * GROUP, GROUP)
        return d_hbm.at[c, pl.ds(e0, GROUP)]

    def idx_slice(blk):
        return idx_hbm.at[c, s, pl.ds(blk * IDX_CHUNK, IDX_CHUNK)]

    pltpu.async_copy(idx_slice(0), ib0, si0)
    pltpu.async_copy(idx_slice(1), ib1, si1)
    pltpu.async_copy(read_slice(0), db0, sr0)
    pltpu.async_copy(read_slice(1), db1, sr1)

    pltpu.sync_copy(z_hbm, acc.at[pl.ds(row0, ROWS_SUB)])
    plsc.subcore_barrier()

    for blk in range(NBLK):
        p = blk % 2
        pltpu.make_async_copy(idx_slice(0), ibs[p], sis[p]).wait()

        @pl.loop(0, IDX_CHUNK, step=2)
        def _(j2, _blk=blk, _p=p):
            for b in (0, 1):
                g = _blk * IDX_CHUNK + j2 + b
                pltpu.make_async_copy(read_slice(0), dbs[b], srs[b]).wait()
                pltpu.sync_copy(dbs[b], acc.at[ibs[_p].at[j2 + b]], add=True)
                pltpu.async_copy(read_slice(g + 2), dbs[b], srs[b])

        if blk + 2 < NBLK:
            pltpu.async_copy(idx_slice(blk + 2), ibs[p], sis[p])

    pltpu.make_async_copy(read_slice(0), db0, sr0).wait()
    pltpu.make_async_copy(read_slice(0), db1, sr1).wait()

    plsc.subcore_barrier()
    pltpu.sync_copy(acc.at[pl.ds(row0, ROWS_SUB)],
                    outp_hbm.at[c, pl.ds(row0, ROWS_SUB)])


def _merge_body(p_ref, o_ref):
    o_ref[...] = p_ref[0] + p_ref[1]


E_BLK = 2560


def _tr_body(d_ref, u_ref, b_ref):
    u_ref[0] = lax.transpose(d_ref[pl.ds(0, F_UNARY), :], (1, 0))
    u_ref[1] = lax.transpose(d_ref[pl.ds(F_UNARY, F_UNARY), :], (1, 0))
    b_ref[...] = d_ref[pl.ds(2 * F_UNARY, F_BIN), :]


def kernel(unary, binary, deltas, index1, index2):
    del unary, binary
    d_t = jnp.transpose(deltas)
    tr = pl.pallas_call(
        _tr_body,
        grid=(EDGES // E_BLK,),
        in_specs=[pl.BlockSpec((2 * F_UNARY + F_BIN, E_BLK),
                               lambda i: (0, i))],
        out_specs=(pl.BlockSpec((NCORES, E_BLK, F_UNARY),
                                lambda i: (0, i, 0)),
                   pl.BlockSpec((F_BIN, E_BLK), lambda i: (0, i))),
        out_shape=(jax.ShapeDtypeStruct((NCORES, EDGES, F_UNARY),
                                        jnp.float32),
                   jax.ShapeDtypeStruct((F_BIN, EDGES), jnp.float32)),
    )
    uxy, b_t = tr(d_t)
    b = jnp.transpose(b_t)

    idx = jnp.concatenate(
        [index1.reshape(1, EDGES), index2.reshape(1, EDGES)], axis=0)
    pad = NGROUPS_PAD * GROUP - EDGES
    idx = jnp.pad(idx, ((0, 0), (0, pad)), constant_values=NODES)
    idx = idx.reshape(NCORES, NSUB, GP_SUB, GROUP)
    zeros = jnp.zeros((ROWS_SUB, F_UNARY), jnp.float32)

    mesh = plsc.VectorSubcoreMesh(core_axis_name="core",
                                  subcore_axis_name="subcore")
    sc_fn = pl.kernel(
        _sc_body,
        out_type=jax.ShapeDtypeStruct((NCORES, ACC_ROWS, F_UNARY),
                                      jnp.float32),
        mesh=mesh,
        scratch_types=[
            pltpu.VMEM_SHARED((ACC_ROWS, F_UNARY), jnp.float32),
            pltpu.VMEM((IDX_CHUNK, GROUP), jnp.int32),
            pltpu.VMEM((IDX_CHUNK, GROUP), jnp.int32),
            pltpu.VMEM((GROUP, F_UNARY), jnp.float32),
            pltpu.VMEM((GROUP, F_UNARY), jnp.float32),
            pltpu.SemaphoreType.DMA,
            pltpu.SemaphoreType.DMA,
            pltpu.SemaphoreType.DMA,
            pltpu.SemaphoreType.DMA,
        ],
    )
    outp = sc_fn(zeros, uxy, idx)

    merge = pl.pallas_call(
        _merge_body,
        grid=(NODES // 400,),
        in_specs=[pl.BlockSpec((NCORES, 400, F_UNARY), lambda i: (0, i, 0))],
        out_specs=pl.BlockSpec((400, F_UNARY), lambda i: (i, 0)),
        out_shape=jax.ShapeDtypeStruct((NODES, F_UNARY), jnp.float32),
    )
    out = merge(outp)
    return (out, b)

# --- scband reference (transcript-rebuilt; emitter-appended) ---
"""Pipeline reference for scband-group-by-40939628265915 (READ-ONLY COPY).

The authoritative reference and input builder live on the scoring server;
editing this copy changes nothing except your own understanding.
"""

import jax, jax.numpy as jnp
import numpy as np

N_UNARY = 128
N_NODES = 10000
N_EDGES = 320000
N_BINARY = 16

def setup_inputs(seed: int = 0) -> dict:
    key = jax.random.key(seed)
    k1, k2, k3, k4, k5 = jax.random.split(key, 5)
    unary = jax.random.normal(k1, (N_NODES, N_UNARY), dtype=jnp.float32)
    binary = jax.random.normal(k2, (N_EDGES, N_BINARY), dtype=jnp.float32)
    deltas = jax.random.normal(k3, (N_EDGES, 2 * N_UNARY + N_BINARY), dtype=jnp.float32)
    index1 = jax.random.randint(k4, (N_EDGES, 1), 0, N_NODES, dtype=jnp.int64 if jax.config.read('jax_enable_x64') else jnp.int32).astype(jnp.int32)
    index2 = jax.random.randint(k5, (N_EDGES, 1), 0, N_NODES, dtype=jnp.int32)
    return {"unary": unary, "binary": binary, "deltas": deltas, "index1": index1, "index2": index2}

def reference(unary, binary, deltas, index1, index2):
    n_unary = N_UNARY
    ux = deltas[:, :n_unary]
    uy = deltas[:, n_unary:2 * n_unary]
    b = deltas[:, 2 * n_unary:]
    # tf.scatter_nd with duplicate indices performs scatter-ADD into a zero tensor of `shape`.
    out1 = jnp.zeros(unary.shape, dtype=unary.dtype).at[index1[:, 0]].add(ux)
    out2 = jnp.zeros(unary.shape, dtype=unary.dtype).at[index2[:, 0]].add(uy)
    return (out1 + out2, b)

if __name__ == "__main__":
    import jax
    _d = setup_inputs()
    print(jax.jit(kernel)(*tuple(_d.values())))

</pallas_src>

<mosaic_0001>
#map = affine_map<(d0, d1) -> (0, 0)>
#map1 = affine_map<(d0, d1) -> (0, 0, 0)>
#map2 = affine_map<(d0, d1) -> (0, 0, 0, 0)>
module attributes {stable_mosaic.version = 14 : i64} {
  func.func @_sc_body(%arg0: i32, %arg1: i32, %arg2: memref<640x128xf32, #tpu.memory_space<hbm>>, %arg3: memref<2x320000x128xf32, #tpu.memory_space<hbm>>, %arg4: memref<2x16x160x128xi32, #tpu.memory_space<hbm>>, %arg5: memref<2x10240x128xf32, #tpu.memory_space<hbm>>, %arg6: memref<10240x128xf32, #tpu.memory_space<vmem_shared>>, %arg7: memref<16x128xi32, #tpu.memory_space<vmem>>, %arg8: memref<16x128xi32, #tpu.memory_space<vmem>>, %arg9: memref<128x128xf32, #tpu.memory_space<vmem>>, %arg10: memref<128x128xf32, #tpu.memory_space<vmem>>, %arg11: memref<!tpu.dma_semaphore, #tpu.memory_space<semaphore_mem>>, %arg12: memref<!tpu.dma_semaphore, #tpu.memory_space<semaphore_mem>>, %arg13: memref<!tpu.dma_semaphore, #tpu.memory_space<semaphore_mem>>, %arg14: memref<!tpu.dma_semaphore, #tpu.memory_space<semaphore_mem>>) attributes {dimension_semantics = [#tpu.dimension_semantics<core_parallel>, #tpu.dimension_semantics<subcore_parallel>], iteration_bounds = array<i64: 2, 16>, scalar_prefetch = 0 : i64, scratch_operands = 9 : i64, tpu.core_type = #tpu.core_type<sc_vector_subcore>, window_params = [{transform_indices = #map}, {transform_indices = #map1}, {transform_indices = #map2}, {transform_indices = #map1}]} {
    %mul3A = arith.constant 640 : i32
    %mul3A_0 = arith.muli %arg1, %mul3A : i32
    %mul3A_1 = arith.constant 160 : i32
    %mul3A_2 = arith.muli %arg1, %mul3A_1 : i32
    %dma_start3A = arith.constant 0 : i32
    %dma_start3A_3 = arith.constant 0 : i32
    %dma_start3A_4 = tpu.memref_slice %arg4[%arg0, %arg1, %dma_start3A, %dma_start3A_3] : memref<2x16x160x128xi32, #tpu.memory_space<hbm>> -> memref<1x1x16x128xi32, #tpu.memory_space<hbm>>
    %dma_start3A_5 = tpu.memref_squeeze %dma_start3A_4 : memref<1x1x16x128xi32, #tpu.memory_space<hbm>> -> memref<16x128xi32, #tpu.memory_space<hbm>>
    %dma_start3A_6 = arith.constant 0 : i32
    %dma_start3A_7 = arith.constant 0 : i32
    %dma_start3A_8 = tpu.memref_slice %arg4[%arg0, %arg1, %dma_start3A_6, %dma_start3A_7] : memref<2x16x160x128xi32, #tpu.memory_space<hbm>> -> memref<1x1x16x128xi32, #tpu.memory_space<hbm>>
    %dma_start3A_9 = tpu.memref_squeeze %dma_start3A_8 : memref<1x1x16x128xi32, #tpu.memory_space<hbm>> -> memref<16x128xi32, #tpu.memory_space<hbm>>
    tpu.enqueue_dma source(%dma_start3A_9 : memref<16x128xi32, #tpu.memory_space<hbm>>) target(%arg7 : memref<16x128xi32, #tpu.memory_space<vmem>>) target_semaphore(%arg13 : memref<!tpu.dma_semaphore, #tpu.memory_space<semaphore_mem>>)
    %dma_start3A_10 = arith.constant 16 : i32
    %dma_start3A_11 = arith.constant 0 : i32
    %dma_start3A_12 = tpu.memref_slice %arg4[%arg0, %arg1, %dma_start3A_10, %dma_start3A_11] : memref<2x16x160x128xi32, #tpu.memory_space<hbm>> -> memref<1x1x16x128xi32, #tpu.memory_space<hbm>>
    %dma_start3A_13 = tpu.memref_squeeze %dma_start3A_12 : memref<1x1x16x128xi32, #tpu.memory_space<hbm>> -> memref<16x128xi32, #tpu.memory_space<hbm>>
    %dma_start3A_14 = arith.constant 16 : i32
    %dma_start3A_15 = arith.constant 0 : i32
    %dma_start3A_16 = tpu.memref_slice %arg4[%arg0, %arg1, %dma_start3A_14, %dma_start3A_15] : memref<2x16x160x128xi32, #tpu.memory_space<hbm>> -> memref<1x1x16x128xi32, #tpu.memory_space<hbm>>
    %dma_start3A_17 = tpu.memref_squeeze %dma_start3A_16 : memref<1x1x16x128xi32, #tpu.memory_space<hbm>> -> memref<16x128xi32, #tpu.memory_space<hbm>>
    tpu.enqueue_dma source(%dma_start3A_17 : memref<16x128xi32, #tpu.memory_space<hbm>>) target(%arg8 : memref<16x128xi32, #tpu.memory_space<vmem>>) target_semaphore(%arg14 : memref<!tpu.dma_semaphore, #tpu.memory_space<semaphore_mem>>)
    %add3A = arith.constant 0 : i32
    %add3A_18 = arith.addi %mul3A_2, %add3A : i32
    %min3A = arith.constant 2499 : i32
    %min3A_19 = arith.minsi %add3A_18, %min3A : i32
    %mul3A_20 = arith.constant 128 : i32
    %mul3A_21 = arith.muli %min3A_19, %mul3A_20 : i32
    %multiple_of3A = tpu.assume_multiple %mul3A_21, 128 : i32
    %dma_start3A_22 = arith.constant 0 : i32
    %dma_start3A_23 = tpu.memref_slice %arg3[%arg0, %multiple_of3A, %dma_start3A_22] : memref<2x320000x128xf32, #tpu.memory_space<hbm>> -> memref<1x128x128xf32, #tpu.memory_space<hbm>>
    %dma_start3A_24 = tpu.memref_squeeze %dma_start3A_23 : memref<1x128x128xf32, #tpu.memory_space<hbm>> -> memref<128x128xf32, #tpu.memory_space<hbm>>
    %dma_start3A_25 = arith.constant 0 : i32
    %dma_start3A_26 = tpu.memref_slice %arg3[%arg0, %multiple_of3A, %dma_start3A_25] : memref<2x320000x128xf32, #tpu.memory_space<hbm>> -> memref<1x128x128xf32, #tpu.memory_space<hbm>>
    %dma_start3A_27 = tpu.memref_squeeze %dma_start3A_26 : memref<1x128x128xf32, #tpu.memory_space<hbm>> -> memref<128x128xf32, #tpu.memory_space<hbm>>
    tpu.enqueue_dma source(%dma_start3A_27 : memref<128x128xf32, #tpu.memory_space<hbm>>) target(%arg9 : memref<128x128xf32, #tpu.memory_space<vmem>>) target_semaphore(%arg11 : memref<!tpu.dma_semaphore, #tpu.memory_space<semaphore_mem>>)
    %add3A_28 = arith.constant 1 : i32
    %add3A_29 = arith.addi %mul3A_2, %add3A_28 : i32
    %min3A_30 = arith.constant 2499 : i32
    %min3A_31 = arith.minsi %add3A_29, %min3A_30 : i32
    %mul3A_32 = arith.constant 128 : i32
    %mul3A_33 = arith.muli %min3A_31, %mul3A_32 : i32
    %multiple_of3A_34 = tpu.assume_multiple %mul3A_33, 128 : i32
    %dma_start3A_35 = arith.constant 0 : i32
    %dma_start3A_36 = tpu.memref_slice %arg3[%arg0, %multiple_of3A_34, %dma_start3A_35] : memref<2x320000x128xf32, #tpu.memory_space<hbm>> -> memref<1x128x128xf32, #tpu.memory_space<hbm>>
    %dma_start3A_37 = tpu.memref_squeeze %dma_start3A_36 : memref<1x128x128xf32, #tpu.memory_space<hbm>> -> memref<128x128xf32, #tpu.memory_space<hbm>>
    %dma_start3A_38 = arith.constant 0 : i32
    %dma_start3A_39 = tpu.memref_slice %arg3[%arg0, %multiple_of3A_34, %dma_start3A_38] : memref<2x320000x128xf32, #tpu.memory_space<hbm>> -> memref<1x128x128xf32, #tpu.memory_space<hbm>>
    %dma_start3A_40 = tpu.memref_squeeze %dma_start3A_39 : memref<1x128x128xf32, #tpu.memory_space<hbm>> -> memref<128x128xf32, #tpu.memory_space<hbm>>
    tpu.enqueue_dma source(%dma_start3A_40 : memref<128x128xf32, #tpu.memory_space<hbm>>) target(%arg10 : memref<128x128xf32, #tpu.memory_space<vmem>>) target_semaphore(%arg12 : memref<!tpu.dma_semaphore, #tpu.memory_space<semaphore_mem>>)
    "tpu.region"() ({
      %run_scoped3A = tpu.sem_alloc : memref<!tpu.dma_semaphore, #tpu.memory_space<semaphore_mem>>
      %dma_start3A_260 = arith.constant 0 : i32
      %dma_start3A_261 = tpu.memref_slice %arg6[%mul3A_0, %dma_start3A_260] : memref<10240x128xf32, #tpu.memory_space<vmem_shared>> -> memref<640x128xf32, #tpu.memory_space<vmem_shared>>
      tpu.enqueue_dma source(%arg2 : memref<640x128xf32, #tpu.memory_space<hbm>>) target(%dma_start3A_261 : memref<640x128xf32, #tpu.memory_space<vmem_shared>>) target_semaphore(%run_scoped3A : memref<!tpu.dma_semaphore, #tpu.memory_space<semaphore_mem>>)
      %dma_wait3A_262 = arith.constant 0 : i32
      %dma_wait3A_263 = tpu.memref_slice %arg6[%mul3A_0, %dma_wait3A_262] : memref<10240x128xf32, #tpu.memory_space<vmem_shared>> -> memref<640x128xf32, #tpu.memory_space<vmem_shared>>
      tpu.wait_dma2 semaphore(%run_scoped3A : memref<!tpu.dma_semaphore, #tpu.memory_space<semaphore_mem>>) src(%arg2 : memref<640x128xf32, #tpu.memory_space<hbm>>) dst(%dma_wait3A_263 : memref<640x128xf32, #tpu.memory_space<vmem_shared>>)
      tpu.yield
    }) : () -> ()
    %barrier3A = arith.constant 0 : index
    tpu.barrier barrier_id(%barrier3A)
    %dma_wait3A = arith.constant 0 : i32
    %dma_wait3A_41 = arith.constant 0 : i32
    %dma_wait3A_42 = tpu.memref_slice %arg4[%arg0, %arg1, %dma_wait3A, %dma_wait3A_41] : memref<2x16x160x128xi32, #tpu.memory_space<hbm>> -> memref<1x1x16x128xi32, #tpu.memory_space<hbm>>
    %dma_wait3A_43 = tpu.memref_squeeze %dma_wait3A_42 : memref<1x1x16x128xi32, #tpu.memory_space<hbm>> -> memref<16x128xi32, #tpu.memory_space<hbm>>
    %dma_wait3A_44 = arith.constant 0 : i32
    %dma_wait3A_45 = arith.constant 0 : i32
    %dma_wait3A_46 = tpu.memref_slice %arg4[%arg0, %arg1, %dma_wait3A_44, %dma_wait3A_45] : memref<2x16x160x128xi32, #tpu.memory_space<hbm>> -> memref<1x1x16x128xi32, #tpu.memory_space<hbm>>
    %dma_wait3A_47 = tpu.memref_squeeze %dma_wait3A_46 : memref<1x1x16x128xi32, #tpu.memory_space<hbm>> -> memref<16x128xi32, #tpu.memory_space<hbm>>
    tpu.wait_dma2 semaphore(%arg13 : memref<!tpu.dma_semaphore, #tpu.memory_space<semaphore_mem>>) src(%dma_wait3A_47 : memref<16x128xi32, #tpu.memory_space<hbm>>) dst(%arg7 : memref<16x128xi32, #tpu.memory_space<vmem>>)
    %scan3A = arith.constant 0 : i32
    %scan3A_48 = arith.constant 8 : i32
    %scan3A_49 = arith.addi %scan3A, %scan3A_48 : i32
    %scan3A_50 = arith.constant 1 : i32
    scf.for %scan3A_260 = %scan3A to %scan3A_49 step %scan3A_50  : i32 {
      %mul3A_261 = arith.constant 2 : i32
      %mul3A_262 = arith.muli %scan3A_260, %mul3A_261 : i32
      %add3A_263 = arith.constant 0 : i32
      %add3A_264 = arith.addi %add3A_263, %mul3A_262 : i32
      %add3A_265 = arith.constant 0 : i32
      %add3A_266 = arith.addi %add3A_265, %add3A_264 : i32
      %add3A_267 = arith.constant 0 : i32
      %add3A_268 = arith.addi %add3A_266, %add3A_267 : i32
      %add3A_269 = arith.constant 0 : i32
      %add3A_270 = arith.addi %mul3A_2, %add3A_269 : i32
      %min3A_271 = arith.constant 2499 : i32
      %min3A_272 = arith.minsi %add3A_270, %min3A_271 : i32
      %mul3A_273 = arith.constant 128 : i32
      %mul3A_274 = arith.muli %min3A_272, %mul3A_273 : i32
      %multiple_of3A_275 = tpu.assume_multiple %mul3A_274, 128 : i32
      %dma_wait3A_276 = arith.constant 0 : i32
      %dma_wait3A_277 = tpu.memref_slice %arg3[%arg0, %multiple_of3A_275, %dma_wait3A_276] : memref<2x320000x128xf32, #tpu.memory_space<hbm>> -> memref<1x128x128xf32, #tpu.memory_space<hbm>>
      %dma_wait3A_278 = tpu.memref_squeeze %dma_wait3A_277 : memref<1x128x128xf32, #tpu.memory_space<hbm>> -> memref<128x128xf32, #tpu.memory_space<hbm>>
      %dma_wait3A_279 = arith.constant 0 : i32
      %dma_wait3A_280 = tpu.memref_slice %arg3[%arg0, %multiple_of3A_275, %dma_wait3A_279] : memref<2x320000x128xf32, #tpu.memory_space<hbm>> -> memref<1x128x128xf32, #tpu.memory_space<hbm>>
      %dma_wait3A_281 = tpu.memref_squeeze %dma_wait3A_280 : memref<1x128x128xf32, #tpu.memory_space<hbm>> -> memref<128x128xf32, #tpu.memory_space<hbm>>
      tpu.wait_dma2 semaphore(%arg11 : memref<!tpu.dma_semaphore, #tpu.memory_space<semaphore_mem>>) src(%dma_wait3A_281 : memref<128x128xf32, #tpu.memory_space<hbm>>) dst(%arg9 : memref<128x128xf32, #tpu.memory_space<vmem>>)
      %add3A_282 = arith.constant 0 : i32
      %add3A_283 = arith.addi %add3A_264, %add3A_282 : i32
      "tpu.region"() ({
        %run_scoped3A = tpu.sem_alloc : memref<!tpu.dma_semaphore, #tpu.memory_space<semaphore_mem>>
        %dma_start3A_331 = arith.constant 0 : i32
        %dma_start3A_332 = tpu.memref_slice %arg7[%add3A_283, %dma_start3A_331] : memref<16x128xi32, #tpu.memory_space<vmem>> -> memref<1x128xi32, #tpu.memory_space<vmem>>
        %dma_start3A_333 = tpu.memref_squeeze %dma_start3A_332 : memref<1x128xi32, #tpu.memory_space<vmem>> -> memref<128xi32, #tpu.memory_space<vmem>>
        %dma_start3A_334 = arith.constant 0 : i32
        %dma_start3A_335 = arith.constant 0 : i32
        %dma_start3A_336 = tpu.memref_slice %arg6[%dma_start3A_334, %dma_start3A_335] : memref<10240x128xf32, #tpu.memory_space<vmem_shared>> -> memref<10240x128xf32, #tpu.memory_space<vmem_shared>>
        tpu.enqueue_indirect_dma source(%arg9 : memref<128x128xf32, #tpu.memory_space<vmem>>) target(%dma_start3A_336 : memref<10240x128xf32, #tpu.memory_space<vmem_shared>>) offsets(%dma_start3A_333 : memref<128xi32, #tpu.memory_space<vmem>>) semaphore(%run_scoped3A : memref<!tpu.dma_semaphore, #tpu.memory_space<semaphore_mem>>) {add = true}
        %dma_wait3A_337 = arith.constant 0 : i32
        %dma_wait3A_338 = tpu.memref_slice %arg7[%add3A_283, %dma_wait3A_337] : memref<16x128xi32, #tpu.memory_space<vmem>> -> memref<1x128xi32, #tpu.memory_space<vmem>>
        %dma_wait3A_339 = tpu.memref_squeeze %dma_wait3A_338 : memref<1x128xi32, #tpu.memory_space<vmem>> -> memref<128xi32, #tpu.memory_space<vmem>>
        %dma_wait3A_340 = arith.constant 0 : i32
        %dma_wait3A_341 = arith.constant 0 : i32
        %dma_wait3A_342 = tpu.memref_slice %arg6[%dma_wait3A_340, %dma_wait3A_341] : memref<10240x128xf32, #tpu.memory_space<vmem_shared>> -> memref<10240x128xf32, #tpu.memory_space<vmem_shared>>
        tpu.wait_indirect_dma semaphore(%run_scoped3A : memref<!tpu.dma_semaphore, #tpu.memory_space<semaphore_mem>>) src(%arg9 : memref<128x128xf32, #tpu.memory_space<vmem>>) dst(%dma_wait3A_342 : memref<10240x128xf32, #tpu.memory_space<vmem_shared>>)
        tpu.yield
      }) : () -> ()
      %add3A_284 = arith.constant 2 : i32
      %add3A_285 = arith.addi %add3A_268, %add3A_284 : i32
      %add3A_286 = arith.addi %mul3A_2, %add3A_285 : i32
      %min3A_287 = arith.constant 2499 : i32
      %min3A_288 = arith.minsi %add3A_286, %min3A_287 : i32
      %mul3A_289 = arith.constant 128 : i32
      %mul3A_290 = arith.muli %min3A_288, %mul3A_289 : i32
      %multiple_of3A_291 = tpu.assume_multiple %mul3A_290, 128 : i32
      %dma_start3A_292 = arith.constant 0 : i32
      %dma_start3A_293 = tpu.memref_slice %arg3[%arg0, %multiple_of3A_291, %dma_start3A_292] : memref<2x320000x128xf32, #tpu.memory_space<hbm>> -> memref<1x128x128xf32, #tpu.memory_space<hbm>>
      %dma_start3A_294 = tpu.memref_squeeze %dma_start3A_293 : memref<1x128x128xf32, #tpu.memory_space<hbm>> -> memref<128x128xf32, #tpu.memory_space<hbm>>
      %dma_start3A_295 = arith.constant 0 : i32
      %dma_start3A_296 = tpu.memref_slice %arg3[%arg0, %multiple_of3A_291, %dma_start3A_295] : memref<2x320000x128xf32, #tpu.memory_space<hbm>> -> memref<1x128x128xf32, #tpu.memory_space<hbm>>
      %dma_start3A_297 = tpu.memref_squeeze %dma_start3A_296 : memref<1x128x128xf32, #tpu.memory_space<hbm>> -> memref<128x128xf32, #tpu.memory_space<hbm>>
      tpu.enqueue_dma source(%dma_start3A_297 : memref<128x128xf32, #tpu.memory_space<hbm>>) target(%arg9 : memref<128x128xf32, #tpu.memory_space<vmem>>) target_semaphore(%arg11 : memref<!tpu.dma_semaphore, #tpu.memory_space<semaphore_mem>>)
      %add3A_298 = arith.constant 0 : i32
      %add3A_299 = arith.addi %add3A_298, %add3A_264 : i32
      %add3A_300 = arith.constant 1 : i32
      %add3A_301 = arith.addi %add3A_299, %add3A_300 : i32
      %add3A_302 = arith.constant 0 : i32
      %add3A_303 = arith.addi %mul3A_2, %add3A_302 : i32
      %min3A_304 = arith.constant 2499 : i32
      %min3A_305 = arith.minsi %add3A_303, %min3A_304 : i32
      %mul3A_306 = arith.constant 128 : i32
      %mul3A_307 = arith.muli %min3A_305, %mul3A_306 : i32
      %multiple_of3A_308 = tpu.assume_multiple %mul3A_307, 128 : i32
      %dma_wait3A_309 = arith.constant 0 : i32
      %dma_wait3A_310 = tpu.memref_slice %arg3[%arg0, %multiple_of3A_308, %dma_wait3A_309] : memref<2x320000x128xf32, #tpu.memory_space<hbm>> -> memref<1x128x128xf32, #tpu.memory_space<hbm>>
      %dma_wait3A_311 = tpu.memref_squeeze %dma_wait3A_310 : memref<1x128x128xf32, #tpu.memory_space<hbm>> -> memref<128x128xf32, #tpu.memory_space<hbm>>
      %dma_wait3A_312 = arith.constant 0 : i32
      %dma_wait3A_313 = tpu.memref_slice %arg3[%arg0, %multiple_of3A_308, %dma_wait3A_312] : memref<2x320000x128xf32, #tpu.memory_space<hbm>> -> memref<1x128x128xf32, #tpu.memory_space<hbm>>
      %dma_wait3A_314 = tpu.memref_squeeze %dma_wait3A_313 : memref<1x128x128xf32, #tpu.memory_space<hbm>> -> memref<128x128xf32, #tpu.memory_space<hbm>>
      tpu.wait_dma2 semaphore(%arg12 : memref<!tpu.dma_semaphore, #tpu.memory_space<semaphore_mem>>) src(%dma_wait3A_314 : memref<128x128xf32, #tpu.memory_space<hbm>>) dst(%arg10 : memref<128x128xf32, #tpu.memory_space<vmem>>)
      %add3A_315 = arith.constant 1 : i32
      %add3A_316 = arith.addi %add3A_264, %add3A_315 : i32
      "tpu.region"() ({
        %run_scoped3A = tpu.sem_alloc : memref<!tpu.dma_semaphore, #tpu.memory_space<semaphore_mem>>
        %dma_start3A_331 = arith.constant 0 : i32
        %dma_start3A_332 = tpu.memref_slice %arg7[%add3A_316, %dma_start3A_331] : memref<16x128xi32, #tpu.memory_space<vmem>> -> memref<1x128xi32, #tpu.memory_space<vmem>>
        %dma_start3A_333 = tpu.memref_squeeze %dma_start3A_332 : memref<1x128xi32, #tpu.memory_space<vmem>> -> memref<128xi32, #tpu.memory_space<vmem>>
        %dma_start3A_334 = arith.constant 0 : i32
        %dma_start3A_335 = arith.constant 0 : i32
        %dma_start3A_336 = tpu.memref_slice %arg6[%dma_start3A_334, %dma_start3A_335] : memref<10240x128xf32, #tpu.memory_space<vmem_shared>> -> memref<10240x128xf32, #tpu.memory_space<vmem_shared>>
        tpu.enqueue_indirect_dma source(%arg10 : memref<128x128xf32, #tpu.memory_space<vmem>>) target(%dma_start3A_336 : memref<10240x128xf32, #tpu.memory_space<vmem_shared>>) offsets(%dma_start3A_333 : memref<128xi32, #tpu.memory_space<vmem>>) semaphore(%run_scoped3A : memref<!tpu.dma_semaphore, #tpu.memory_space<semaphore_mem>>) {add = true}
        %dma_wait3A_337 = arith.constant 0 : i32
        %dma_wait3A_338 = tpu.memref_slice %arg7[%add3A_316, %dma_wait3A_337] : memref<16x128xi32, #tpu.memory_space<vmem>> -> memref<1x128xi32, #tpu.memory_space<vmem>>
        %dma_wait3A_339 = tpu.memref_squeeze %dma_wait3A_338 : memref<1x128xi32, #tpu.memory_space<vmem>> -> memref<128xi32, #tpu.memory_space<vmem>>
        %dma_wait3A_340 = arith.constant 0 : i32
        %dma_wait3A_341 = arith.constant 0 : i32
        %dma_wait3A_342 = tpu.memref_slice %arg6[%dma_wait3A_340, %dma_wait3A_341] : memref<10240x128xf32, #tpu.memory_space<vmem_shared>> -> memref<10240x128xf32, #tpu.memory_space<vmem_shared>>
        tpu.wait_indirect_dma semaphore(%run_scoped3A : memref<!tpu.dma_semaphore, #tpu.memory_space<semaphore_mem>>) src(%arg10 : memref<128x128xf32, #tpu.memory_space<vmem>>) dst(%dma_wait3A_342 : memref<10240x128xf32, #tpu.memory_space<vmem_shared>>)
        tpu.yield
      }) : () -> ()
      %add3A_317 = arith.constant 2 : i32
      %add3A_318 = arith.addi %add3A_301, %add3A_317 : i32
      %add3A_319 = arith.addi %mul3A_2, %add3A_318 : i32
      %min3A_320 = arith.constant 2499 : i32
      %min3A_321 = arith.minsi %add3A_319, %min3A_320 : i32
      %mul3A_322 = arith.constant 128 : i32
      %mul3A_323 = arith.muli %min3A_321, %mul3A_322 : i32
      %multiple_of3A_324 = tpu.assume_multiple %mul3A_323, 128 : i32
      %dma_start3A_325 = arith.constant 0 : i32
      %dma_start3A_326 = tpu.memref_slice %arg3[%arg0, %multiple_of3A_324, %dma_start3A_325] : memref<2x320000x128xf32, #tpu.memory_space<hbm>> -> memref<1x128x128xf32, #tpu.memory_space<hbm>>
      %dma_start3A_327 = tpu.memref_squeeze %dma_start3A_326 : memref<1x128x128xf32, #tpu.memory_space<hbm>> -> memref<128x128xf32, #tpu.memory_space<hbm>>
      %dma_start3A_328 = arith.constant 0 : i32
      %dma_start3A_329 = tpu.memref_slice %arg3[%arg0, %multiple_of3A_324, %dma_start3A_328] : memref<2x320000x128xf32, #tpu.memory_space<hbm>> -> memref<1x128x128xf32, #tpu.memory_space<hbm>>
      %dma_start3A_330 = tpu.memref_squeeze %dma_start3A_329 : memref<1x128x128xf32, #tpu.memory_space<hbm>> -> memref<128x128xf32, #tpu.memory_space<hbm>>
      tpu.enqueue_dma source(%dma_start3A_330 : memref<128x128xf32, #tpu.memory_space<hbm>>) target(%arg10 : memref<128x128xf32, #tpu.memory_space<vmem>>) target_semaphore(%arg12 : memref<!tpu.dma_semaphore, #tpu.memory_space<semaphore_mem>>)
    }
    %scan3A_51 = arith.constant 8 : i32
    %dma_start3A_52 = arith.constant 32 : i32
    %dma_start3A_53 = arith.constant 0 : i32
    %dma_start3A_54 = tpu.memref_slice %arg4[%arg0, %arg1, %dma_start3A_52, %dma_start3A_53] : memref<2x16x160x128xi32, #tpu.memory_space<hbm>> -> memref<1x1x16x128xi32, #tpu.memory_space<hbm>>
    %dma_start3A_55 = tpu.memref_squeeze %dma_start3A_54 : memref<1x1x16x128xi32, #tpu.memory_space<hbm>> -> memref<16x128xi32, #tpu.memory_space<hbm>>
    %dma_start3A_56 = arith.constant 32 : i32
    %dma_start3A_57 = arith.constant 0 : i32
    %dma_start3A_58 = tpu.memref_slice %arg4[%arg0, %arg1, %dma_start3A_56, %dma_start3A_57] : memref<2x16x160x128xi32, #tpu.memory_space<hbm>> -> memref<1x1x16x128xi32, #tpu.memory_space<hbm>>
    %dma_start3A_59 = tpu.memref_squeeze %dma_start3A_58 : memref<1x1x16x128xi32, #tpu.memory_space<hbm>> -> memref<16x128xi32, #tpu.memory_space<hbm>>
    tpu.enqueue_dma source(%dma_start3A_59 : memref<16x128xi32, #tpu.memory_space<hbm>>) target(%arg7 : memref<16x128xi32, #tpu.memory_space<vmem>>) target_semaphore(%arg13 : memref<!tpu.dma_semaphore, #tpu.memory_space<semaphore_mem>>)
    %dma_wait3A_60 = arith.constant 0 : i32
    %dma_wait3A_61 = arith.constant 0 : i32
    %dma_wait3A_62 = tpu.memref_slice %arg4[%arg0, %arg1, %dma_wait3A_60, %dma_wait3A_61] : memref<2x16x160x128xi32, #tpu.memory_space<hbm>> -> memref<1x1x16x128xi32, #tpu.memory_space<hbm>>
    %dma_wait3A_63 = tpu.memref_squeeze %dma_wait3A_62 : memref<1x1x16x128xi32, #tpu.memory_space<hbm>> -> memref<16x128xi32, #tpu.memory_space<hbm>>
    %dma_wait3A_64 = arith.constant 0 : i32
    %dma_wait3A_65 = arith.constant 0 : i32
    %dma_wait3A_66 = tpu.memref_slice %arg4[%arg0, %arg1, %dma_wait3A_64, %dma_wait3A_65] : memref<2x16x160x128xi32, #tpu.memory_space<hbm>> -> memref<1x1x16x128xi32, #tpu.memory_space<hbm>>
    %dma_wait3A_67 = tpu.memref_squeeze %dma_wait3A_66 : memref<1x1x16x128xi32, #tpu.memory_space<hbm>> -> memref<16x128xi32, #tpu.memory_space<hbm>>
    tpu.wait_dma2 semaphore(%arg14 : memref<!tpu.dma_semaphore, #tpu.memory_space<semaphore_mem>>) src(%dma_wait3A_67 : memref<16x128xi32, #tpu.memory_space<hbm>>) dst(%arg8 : memref<16x128xi32, #tpu.memory_space<vmem>>)
    %scan3A_68 = arith.constant 0 : i32
    %scan3A_69 = arith.constant 8 : i32
    %scan3A_70 = arith.addi %scan3A_68, %scan3A_69 : i32
    %scan3A_71 = arith.constant 1 : i32
    scf.for %scan3A_260 = %scan3A_68 to %scan3A_70 step %scan3A_71  : i32 {
      %mul3A_261 = arith.constant 2 : i32
      %mul3A_262 = arith.muli %scan3A_260, %mul3A_261 : i32
      %add3A_263 = arith.constant 0 : i32
      %add3A_264 = arith.addi %add3A_263, %mul3A_262 : i32
      %add3A_265 = arith.constant 16 : i32
      %add3A_266 = arith.addi %add3A_265, %add3A_264 : i32
      %add3A_267 = arith.constant 0 : i32
      %add3A_268 = arith.addi %add3A_266, %add3A_267 : i32
      %add3A_269 = arith.constant 0 : i32
      %add3A_270 = arith.addi %mul3A_2, %add3A_269 : i32
      %min3A_271 = arith.constant 2499 : i32
      %min3A_272 = arith.minsi %add3A_270, %min3A_271 : i32
      %mul3A_273 = arith.constant 128 : i32
      %mul3A_274 = arith.muli %min3A_272, %mul3A_273 : i32
      %multiple_of3A_275 = tpu.assume_multiple %mul3A_274, 128 : i32
      %dma_wait3A_276 = arith.constant 0 : i32
      %dma_wait3A_277 = tpu.memref_slice %arg3[%arg0, %multiple_of3A_275, %dma_wait3A_276] : memref<2x320000x128xf32, #tpu.memory_space<hbm>> -> memref<1x128x128xf32, #tpu.memory_space<hbm>>
      %dma_wait3A_278 = tpu.memref_squeeze %dma_wait3A_277 : memref<1x128x128xf32, #tpu.memory_space<hbm>> -> memref<128x128xf32, #tpu.memory_space<hbm>>
      %dma_wait3A_279 = arith.constant 0 : i32
      %dma_wait3A_280 = tpu.memref_slice %arg3[%arg0, %multiple_of3A_275, %dma_wait3A_279] : memref<2x320000x128xf32, #tpu.memory_space<hbm>> -> memref<1x128x128xf32, #tpu.memory_space<hbm>>
      %dma_wait3A_281 = tpu.memref_squeeze %dma_wait3A_280 : memref<1x128x128xf32, #tpu.memory_space<hbm>> -> memref<128x128xf32, #tpu.memory_space<hbm>>
      tpu.wait_dma2 semaphore(%arg11 : memref<!tpu.dma_semaphore, #tpu.memory_space<semaphore_mem>>) src(%dma_wait3A_281 : memref<128x128xf32, #tpu.memory_space<hbm>>) dst(%arg9 : memref<128x128xf32, #tpu.memory_space<vmem>>)
      %add3A_282 = arith.constant 0 : i32
      %add3A_283 = arith.addi %add3A_264, %add3A_282 : i32
      "tpu.region"() ({
        %run_scoped3A = tpu.sem_alloc : memref<!tpu.dma_semaphore, #tpu.memory_space<semaphore_mem>>
        %dma_start3A_331 = arith.constant 0 : i32
        %dma_start3A_332 = tpu.memref_slice %arg8[%add3A_283, %dma_start3A_331] : memref<16x128xi32, #tpu.memory_space<vmem>> -> memref<1x128xi32, #tpu.memory_space<vmem>>
        %dma_start3A_333 = tpu.memref_squeeze %dma_start3A_332 : memref<1x128xi32, #tpu.memory_space<vmem>> -> memref<128xi32, #tpu.memory_space<vmem>>
        %dma_start3A_334 = arith.constant 0 : i32
        %dma_start3A_335 = arith.constant 0 : i32
        %dma_start3A_336 = tpu.memref_slice %arg6[%dma_start3A_334, %dma_start3A_335] : memref<10240x128xf32, #tpu.memory_space<vmem_shared>> -> memref<10240x128xf32, #tpu.memory_space<vmem_shared>>
        tpu.enqueue_indirect_dma source(%arg9 : memref<128x128xf32, #tpu.memory_space<vmem>>) target(%dma_start3A_336 : memref<10240x128xf32, #tpu.memory_space<vmem_shared>>) offsets(%dma_start3A_333 : memref<128xi32, #tpu.memory_space<vmem>>) semaphore(%run_scoped3A : memref<!tpu.dma_semaphore, #tpu.memory_space<semaphore_mem>>) {add = true}
        %dma_wait3A_337 = arith.constant 0 : i32
        %dma_wait3A_338 = tpu.memref_slice %arg8[%add3A_283, %dma_wait3A_337] : memref<16x128xi32, #tpu.memory_space<vmem>> -> memref<1x128xi32, #tpu.memory_space<vmem>>
        %dma_wait3A_339 = tpu.memref_squeeze %dma_wait3A_338 : memref<1x128xi32, #tpu.memory_space<vmem>> -> memref<128xi32, #tpu.memory_space<vmem>>
        %dma_wait3A_340 = arith.constant 0 : i32
        %dma_wait3A_341 = arith.constant 0 : i32
        %dma_wait3A_342 = tpu.memref_slice %arg6[%dma_wait3A_340, %dma_wait3A_341] : memref<10240x128xf32, #tpu.memory_space<vmem_shared>> -> memref<10240x128xf32, #tpu.memory_space<vmem_shared>>
        tpu.wait_indirect_dma semaphore(%run_scoped3A : memref<!tpu.dma_semaphore, #tpu.memory_space<semaphore_mem>>) src(%arg9 : memref<128x128xf32, #tpu.memory_space<vmem>>) dst(%dma_wait3A_342 : memref<10240x128xf32, #tpu.memory_space<vmem_shared>>)
        tpu.yield
      }) : () -> ()
      %add3A_284 = arith.constant 2 : i32
      %add3A_285 = arith.addi %add3A_268, %add3A_284 : i32
      %add3A_286 = arith.addi %mul3A_2, %add3A_285 : i32
      %min3A_287 = arith.constant 2499 : i32
      %min3A_288 = arith.minsi %add3A_286, %min3A_287 : i32
      %mul3A_289 = arith.constant 128 : i32
      %mul3A_290 = arith.muli %min3A_288, %mul3A_289 : i32
      %multiple_of3A_291 = tpu.assume_multiple %mul3A_290, 128 : i32
      %dma_start3A_292 = arith.constant 0 : i32
      %dma_start3A_293 = tpu.memref_slice %arg3[%arg0, %multiple_of3A_291, %dma_start3A_292] : memref<2x320000x128xf32, #tpu.memory_space<hbm>> -> memref<1x128x128xf32, #tpu.memory_space<hbm>>
      %dma_start3A_294 = tpu.memref_squeeze %dma_start3A_293 : memref<1x128x128xf32, #tpu.memory_space<hbm>> -> memref<128x128xf32, #tpu.memory_space<hbm>>
      %dma_start3A_295 = arith.constant 0 : i32
      %dma_start3A_296 = tpu.memref_slice %arg3[%arg0, %multiple_of3A_291, %dma_start3A_295] : memref<2x320000x128xf32, #tpu.memory_space<hbm>> -> memref<1x128x128xf32, #tpu.memory_space<hbm>>
      %dma_start3A_297 = tpu.memref_squeeze %dma_start3A_296 : memref<1x128x128xf32, #tpu.memory_space<hbm>> -> memref<128x128xf32, #tpu.memory_space<hbm>>
      tpu.enqueue_dma source(%dma_start3A_297 : memref<128x128xf32, #tpu.memory_space<hbm>>) target(%arg9 : memref<128x128xf32, #tpu.memory_space<vmem>>) target_semaphore(%arg11 : memref<!tpu.dma_semaphore, #tpu.memory_space<semaphore_mem>>)
      %add3A_298 = arith.constant 16 : i32
      %add3A_299 = arith.addi %add3A_298, %add3A_264 : i32
      %add3A_300 = arith.constant 1 : i32
      %add3A_301 = arith.addi %add3A_299, %add3A_300 : i32
      %add3A_302 = arith.constant 0 : i32
      %add3A_303 = arith.addi %mul3A_2, %add3A_302 : i32
      %min3A_304 = arith.constant 2499 : i32
      %min3A_305 = arith.minsi %add3A_303, %min3A_304 : i32
      %mul3A_306 = arith.constant 128 : i32
      %mul3A_307 = arith.muli %min3A_305, %mul3A_306 : i32
      %multiple_of3A_308 = tpu.assume_multiple %mul3A_307, 128 : i32
      %dma_wait3A_309 = arith.constant 0 : i32
      %dma_wait3A_310 = tpu.memref_slice %arg3[%arg0, %multiple_of3A_308, %dma_wait3A_309] : memref<2x320000x128xf32, #tpu.memory_space<hbm>> -> memref<1x128x128xf32, #tpu.memory_space<hbm>>
      %dma_wait3A_311 = tpu.memref_squeeze %dma_wait3A_310 : memref<1x128x128xf32, #tpu.memory_space<hbm>> -> memref<128x128xf32, #tpu.memory_space<hbm>>
      %dma_wait3A_312 = arith.constant 0 : i32
      %dma_wait3A_313 = tpu.memref_slice %arg3[%arg0, %multiple_of3A_308, %dma_wait3A_312] : memref<2x320000x128xf32, #tpu.memory_space<hbm>> -> memref<1x128x128xf32, #tpu.memory_space<hbm>>
      %dma_wait3A_314 = tpu.memref_squeeze %dma_wait3A_313 : memref<1x128x128xf32, #tpu.memory_space<hbm>> -> memref<128x128xf32, #tpu.memory_space<hbm>>
      tpu.wait_dma2 semaphore(%arg12 : memref<!tpu.dma_semaphore, #tpu.memory_space<semaphore_mem>>) src(%dma_wait3A_314 : memref<128x128xf32, #tpu.memory_space<hbm>>) dst(%arg10 : memref<128x128xf32, #tpu.memory_space<vmem>>)
      %add3A_315 = arith.constant 1 : i32
      %add3A_316 = arith.addi %add3A_264, %add3A_315 : i32
      "tpu.region"() ({
        %run_scoped3A = tpu.sem_alloc : memref<!tpu.dma_semaphore, #tpu.memory_space<semaphore_mem>>
        %dma_start3A_331 = arith.constant 0 : i32
        %dma_start3A_332 = tpu.memref_slice %arg8[%add3A_316, %dma_start3A_331] : memref<16x128xi32, #tpu.memory_space<vmem>> -> memref<1x128xi32, #tpu.memory_space<vmem>>
        %dma_start3A_333 = tpu.memref_squeeze %dma_start3A_332 : memref<1x128xi32, #tpu.memory_space<vmem>> -> memref<128xi32, #tpu.memory_space<vmem>>
        %dma_start3A_334 = arith.constant 0 : i32
        %dma_start3A_335 = arith.constant 0 : i32
        %dma_start3A_336 = tpu.memref_slice %arg6[%dma_start3A_334, %dma_start3A_335] : memref<10240x128xf32, #tpu.memory_space<vmem_shared>> -> memref<10240x128xf32, #tpu.memory_space<vmem_shared>>
        tpu.enqueue_indirect_dma source(%arg10 : memref<128x128xf32, #tpu.memory_space<vmem>>) target(%dma_start3A_336 : memref<10240x128xf32, #tpu.memory_space<vmem_shared>>) offsets(%dma_start3A_333 : memref<128xi32, #tpu.memory_space<vmem>>) semaphore(%run_scoped3A : memref<!tpu.dma_semaphore, #tpu.memory_space<semaphore_mem>>) {add = true}
        %dma_wait3A_337 = arith.constant 0 : i32
        %dma_wait3A_338 = tpu.memref_slice %arg8[%add3A_316, %dma_wait3A_337] : memref<16x128xi32, #tpu.memory_space<vmem>> -> memref<1x128xi32, #tpu.memory_space<vmem>>
        %dma_wait3A_339 = tpu.memref_squeeze %dma_wait3A_338 : memref<1x128xi32, #tpu.memory_space<vmem>> -> memref<128xi32, #tpu.memory_space<vmem>>
        %dma_wait3A_340 = arith.constant 0 : i32
        %dma_wait3A_341 = arith.constant 0 : i32
        %dma_wait3A_342 = tpu.memref_slice %arg6[%dma_wait3A_340, %dma_wait3A_341] : memref<10240x128xf32, #tpu.memory_space<vmem_shared>> -> memref<10240x128xf32, #tpu.memory_space<vmem_shared>>
        tpu.wait_indirect_dma semaphore(%run_scoped3A : memref<!tpu.dma_semaphore, #tpu.memory_space<semaphore_mem>>) src(%arg10 : memref<128x128xf32, #tpu.memory_space<vmem>>) dst(%dma_wait3A_342 : memref<10240x128xf32, #tpu.memory_space<vmem_shared>>)
        tpu.yield
      }) : () -> ()
      %add3A_317 = arith.constant 2 : i32
      %add3A_318 = arith.addi %add3A_301, %add3A_317 : i32
      %add3A_319 = arith.addi %mul3A_2, %add3A_318 : i32
      %min3A_320 = arith.constant 2499 : i32
      %min3A_321 = arith.minsi %add3A_319, %min3A_320 : i32
      %mul3A_322 = arith.constant 128 : i32
      %mul3A_323 = arith.muli %min3A_321, %mul3A_322 : i32
      %multiple_of3A_324 = tpu.assume_multiple %mul3A_323, 128 : i32
      %dma_start3A_325 = arith.constant 0 : i32
      %dma_start3A_326 = tpu.memref_slice %arg3[%arg0, %multiple_of3A_324, %dma_start3A_325] : memref<2x320000x128xf32, #tpu.memory_space<hbm>> -> memref<1x128x128xf32, #tpu.memory_space<hbm>>
      %dma_start3A_327 = tpu.memref_squeeze %dma_start3A_326 : memref<1x128x128xf32, #tpu.memory_space<hbm>> -> memref<128x128xf32, #tpu.memory_space<hbm>>
      %dma_start3A_328 = arith.constant 0 : i32
      %dma_start3A_329 = tpu.memref_slice %arg3[%arg0, %multiple_of3A_324, %dma_start3A_328] : memref<2x320000x128xf32, #tpu.memory_space<hbm>> -> memref<1x128x128xf32, #tpu.memory_space<hbm>>
      %dma_start3A_330 = tpu.memref_squeeze %dma_start3A_329 : memref<1x128x128xf32, #tpu.memory_space<hbm>> -> memref<128x128xf32, #tpu.memory_space<hbm>>
      tpu.enqueue_dma source(%dma_start3A_330 : memref<128x128xf32, #tpu.memory_space<hbm>>) target(%arg10 : memref<128x128xf32, #tpu.memory_space<vmem>>) target_semaphore(%arg12 : memref<!tpu.dma_semaphore, #tpu.memory_space<semaphore_mem>>)
    }
    %scan3A_72 = arith.constant 8 : i32
    %dma_start3A_73 = arith.constant 48 : i32
    %dma_start3A_74 = arith.constant 0 : i32
    %dma_start3A_75 = tpu.memref_slice %arg4[%arg0, %arg1, %dma_start3A_73, %dma_start3A_74] : memref<2x16x160x128xi32, #tpu.memory_space<hbm>> -> memref<1x1x16x128xi32, #tpu.memory_space<hbm>>
    %dma_start3A_76 = tpu.memref_squeeze %dma_start3A_75 : memref<1x1x16x128xi32, #tpu.memory_space<hbm>> -> memref<16x128xi32, #tpu.memory_space<hbm>>
    %dma_start3A_77 = arith.constant 48 : i32
    %dma_start3A_78 = arith.constant 0 : i32
    %dma_start3A_79 = tpu.memref_slice %arg4[%arg0, %arg1, %dma_start3A_77, %dma_start3A_78] : memref<2x16x160x128xi32, #tpu.memory_space<hbm>> -> memref<1x1x16x128xi32, #tpu.memory_space<hbm>>
    %dma_start3A_80 = tpu.memref_squeeze %dma_start3A_79 : memref<1x1x16x128xi32, #tpu.memory_space<hbm>> -> memref<16x128xi32, #tpu.memory_space<hbm>>
    tpu.enqueue_dma source(%dma_start3A_80 : memref<16x128xi32, #tpu.memory_space<hbm>>) target(%arg8 : memref<16x128xi32, #tpu.memory_space<vmem>>) target_semaphore(%arg14 : memref<!tpu.dma_semaphore, #tpu.memory_space<semaphore_mem>>)
    %dma_wait3A_81 = arith.constant 0 : i32
    %dma_wait3A_82 = arith.constant 0 : i32
    %dma_wait3A_83 = tpu.memref_slice %arg4[%arg0, %arg1, %dma_wait3A_81, %dma_wait3A_82] : memref<2x16x160x128xi32, #tpu.memory_space<hbm>> -> memref<1x1x16x128xi32, #tpu.memory_space<hbm>>
    %dma_wait3A_84 = tpu.memref_squeeze %dma_wait3A_83 : memref<1x1x16x128xi32, #tpu.memory_space<hbm>> -> memref<16x128xi32, #tpu.memory_space<hbm>>
    %dma_wait3A_85 = arith.constant 0 : i32
    %dma_wait3A_86 = arith.constant 0 : i32
    %dma_wait3A_87 = tpu.memref_slice %arg4[%arg0, %arg1, %dma_wait3A_85, %dma_wait3A_86] : memref<2x16x160x128xi32, #tpu.memory_space<hbm>> -> memref<1x1x16x128xi32, #tpu.memory_space<hbm>>
    %dma_wait3A_88 = tpu.memref_squeeze %dma_wait3A_87 : memref<1x1x16x128xi32, #tpu.memory_space<hbm>> -> memref<16x128xi32, #tpu.memory_space<hbm>>
    tpu.wait_dma2 semaphore(%arg13 : memref<!tpu.dma_semaphore, #tpu.memory_space<semaphore_mem>>) src(%dma_wait3A_88 : memref<16x128xi32, #tpu.memory_space<hbm>>) dst(%arg7 : memref<16x128xi32, #tpu.memory_space<vmem>>)
    %scan3A_89 = arith.constant 0 : i32
    %scan3A_90 = arith.constant 8 : i32
    %scan3A_91 = arith.addi %scan3A_89, %scan3A_90 : i32
    %scan3A_92 = arith.constant 1 : i32
    scf.for %scan3A_260 = %scan3A_89 to %scan3A_91 step %scan3A_92  : i32 {
      %mul3A_261 = arith.constant 2 : i32
      %mul3A_262 = arith.muli %scan3A_260, %mul3A_261 : i32
      %add3A_263 = arith.constant 0 : i32
      %add3A_264 = arith.addi %add3A_263, %mul3A_262 : i32
      %add3A_265 = arith.constant 32 : i32
      %add3A_266 = arith.addi %add3A_265, %add3A_264 : i32
      %add3A_267 = arith.constant 0 : i32
      %add3A_268 = arith.addi %add3A_266, %add3A_267 : i32
      %add3A_269 = arith.constant 0 : i32
      %add3A_270 = arith.addi %mul3A_2, %add3A_269 : i32
      %min3A_271 = arith.constant 2499 : i32
      %min3A_272 = arith.minsi %add3A_270, %min3A_271 : i32
      %mul3A_273 = arith.constant 128 : i32
      %mul3A_274 = arith.muli %min3A_272, %mul3A_273 : i32
      %multiple_of3A_275 = tpu.assume_multiple %mul3A_274, 128 : i32
      %dma_wait3A_276 = arith.constant 0 : i32
      %dma_wait3A_277 = tpu.memref_slice %arg3[%arg0, %multiple_of3A_275, %dma_wait3A_276] : memref<2x320000x128xf32, #tpu.memory_space<hbm>> -> memref<1x128x128xf32, #tpu.memory_space<hbm>>
      %dma_wait3A_278 = tpu.memref_squeeze %dma_wait3A_277 : memref<1x128x128xf32, #tpu.memory_space<hbm>> -> memref<128x128xf32, #tpu.memory_space<hbm>>
      %dma_wait3A_279 = arith.constant 0 : i32
      %dma_wait3A_280 = tpu.memref_slice %arg3[%arg0, %multiple_of3A_275, %dma_wait3A_279] : memref<2x320000x128xf32, #tpu.memory_space<hbm>> -> memref<1x128x128xf32, #tpu.memory_space<hbm>>
      %dma_wait3A_281 = tpu.memref_squeeze %dma_wait3A_280 : memref<1x128x128xf32, #tpu.memory_space<hbm>> -> memref<128x128xf32, #tpu.memory_space<hbm>>
      tpu.wait_dma2 semaphore(%arg11 : memref<!tpu.dma_semaphore, #tpu.memory_space<semaphore_mem>>) src(%dma_wait3A_281 : memref<128x128xf32, #tpu.memory_space<hbm>>) dst(%arg9 : memref<128x128xf32, #tpu.memory_space<vmem>>)
      %add3A_282 = arith.constant 0 : i32
      %add3A_283 = arith.addi %add3A_264, %add3A_282 : i32
      "tpu.region"() ({
        %run_scoped3A = tpu.sem_alloc : memref<!tpu.dma_semaphore, #tpu.memory_space<semaphore_mem>>
        %dma_start3A_331 = arith.constant 0 : i32
        %dma_start3A_332 = tpu.memref_slice %arg7[%add3A_283, %dma_start3A_331] : memref<16x128xi32, #tpu.memory_space<vmem>> -> memref<1x128xi32, #tpu.memory_space<vmem>>
        %dma_start3A_333 = tpu.memref_squeeze %dma_start3A_332 : memref<1x128xi32, #tpu.memory_space<vmem>> -> memref<128xi32, #tpu.memory_space<vmem>>
        %dma_start3A_334 = arith.constant 0 : i32
        %dma_start3A_335 = arith.constant 0 : i32
        %dma_start3A_336 = tpu.memref_slice %arg6[%dma_start3A_334, %dma_start3A_335] : memref<10240x128xf32, #tpu.memory_space<vmem_shared>> -> memref<10240x128xf32, #tpu.memory_space<vmem_shared>>
        tpu.enqueue_indirect_dma source(%arg9 : memref<128x128xf32, #tpu.memory_space<vmem>>) target(%dma_start3A_336 : memref<10240x128xf32, #tpu.memory_space<vmem_shared>>) offsets(%dma_start3A_333 : memref<128xi32, #tpu.memory_space<vmem>>) semaphore(%run_scoped3A : memref<!tpu.dma_semaphore, #tpu.memory_space<semaphore_mem>>) {add = true}
        %dma_wait3A_337 = arith.constant 0 : i32
        %dma_wait3A_338 = tpu.memref_slice %arg7[%add3A_283, %dma_wait3A_337] : memref<16x128xi32, #tpu.memory_space<vmem>> -> memref<1x128xi32, #tpu.memory_space<vmem>>
        %dma_wait3A_339 = tpu.memref_squeeze %dma_wait3A_338 : memref<1x128xi32, #tpu.memory_space<vmem>> -> memref<128xi32, #tpu.memory_space<vmem>>
        %dma_wait3A_340 = arith.constant 0 : i32
        %dma_wait3A_341 = arith.constant 0 : i32
        %dma_wait3A_342 = tpu.memref_slice %arg6[%dma_wait3A_340, %dma_wait3A_341] : memref<10240x128xf32, #tpu.memory_space<vmem_shared>> -> memref<10240x128xf32, #tpu.memory_space<vmem_shared>>
        tpu.wait_indirect_dma semaphore(%run_scoped3A : memref<!tpu.dma_semaphore, #tpu.memory_space<semaphore_mem>>) src(%arg9 : memref<128x128xf32, #tpu.memory_space<vmem>>) dst(%dma_wait3A_342 : memref<10240x128xf32, #tpu.memory_space<vmem_shared>>)
        tpu.yield
      }) : () -> ()
      %add3A_284 = arith.constant 2 : i32
      %add3A_285 = arith.addi %add3A_268, %add3A_284 : i32
      %add3A_286 = arith.addi %mul3A_2, %add3A_285 : i32
      %min3A_287 = arith.constant 2499 : i32
      %min3A_288 = arith.minsi %add3A_286, %min3A_287 : i32
      %mul3A_289 = arith.constant 128 : i32
      %mul3A_290 = arith.muli %min3A_288, %mul3A_289 : i32
      %multiple_of3A_291 = tpu.assume_multiple %mul3A_290, 128 : i32
      %dma_start3A_292 = arith.constant 0 : i32
      %dma_start3A_293 = tpu.memref_slice %arg3[%arg0, %multiple_of3A_291, %dma_start3A_292] : memref<2x320000x128xf32, #tpu.memory_space<hbm>> -> memref<1x128x128xf32, #tpu.memory_space<hbm>>
      %dma_start3A_294 = tpu.memref_squeeze %dma_start3A_293 : memref<1x128x128xf32, #tpu.memory_space<hbm>> -> memref<128x128xf32, #tpu.memory_space<hbm>>
      %dma_start3A_295 = arith.constant 0 : i32
      %dma_start3A_296 = tpu.memref_slice %arg3[%arg0, %multiple_of3A_291, %dma_start3A_295] : memref<2x320000x128xf32, #tpu.memory_space<hbm>> -> memref<1x128x128xf32, #tpu.memory_space<hbm>>
      %dma_start3A_297 = tpu.memref_squeeze %dma_start3A_296 : memref<1x128x128xf32, #tpu.memory_space<hbm>> -> memref<128x128xf32, #tpu.memory_space<hbm>>
      tpu.enqueue_dma source(%dma_start3A_297 : memref<128x128xf32, #tpu.memory_space<hbm>>) target(%arg9 : memref<128x128xf32, #tpu.memory_space<vmem>>) target_semaphore(%arg11 : memref<!tpu.dma_semaphore, #tpu.memory_space<semaphore_mem>>)
      %add3A_298 = arith.constant 32 : i32
      %add3A_299 = arith.addi %add3A_298, %add3A_264 : i32
      %add3A_300 = arith.constant 1 : i32
      %add3A_301 = arith.addi %add3A_299, %add3A_300 : i32
      %add3A_302 = arith.constant 0 : i32
      %add3A_303 = arith.addi %mul3A_2, %add3A_302 : i32
      %min3A_304 = arith.constant 2499 : i32
      %min3A_305 = arith.minsi %add3A_303, %min3A_304 : i32
      %mul3A_306 = arith.constant 128 : i32
      %mul3A_307 = arith.muli %min3A_305, %mul3A_306 : i32
      %multiple_of3A_308 = tpu.assume_multiple %mul3A_307, 128 : i32
      %dma_wait3A_309 = arith.constant 0 : i32
      %dma_wait3A_310 = tpu.memref_slice %arg3[%arg0, %multiple_of3A_308, %dma_wait3A_309] : memref<2x320000x128xf32, #tpu.memory_space<hbm>> -> memref<1x128x128xf32, #tpu.memory_space<hbm>>
      %dma_wait3A_311 = tpu.memref_squeeze %dma_wait3A_310 : memref<1x128x128xf32, #tpu.memory_space<hbm>> -> memref<128x128xf32, #tpu.memory_space<hbm>>
      %dma_wait3A_312 = arith.constant 0 : i32
      %dma_wait3A_313 = tpu.memref_slice %arg3[%arg0, %multiple_of3A_308, %dma_wait3A_312] : memref<2x320000x128xf32, #tpu.memory_space<hbm>> -> memref<1x128x128xf32, #tpu.memory_space<hbm>>
      %dma_wait3A_314 = tpu.memref_squeeze %dma_wait3A_313 : memref<1x128x128xf32, #tpu.memory_space<hbm>> -> memref<128x128xf32, #tpu.memory_space<hbm>>
      tpu.wait_dma2 semaphore(%arg12 : memref<!tpu.dma_semaphore, #tpu.memory_space<semaphore_mem>>) src(%dma_wait3A_314 : memref<128x128xf32, #tpu.memory_space<hbm>>) dst(%arg10 : memref<128x128xf32, #tpu.memory_space<vmem>>)
      %add3A_315 = arith.constant 1 : i32
      %add3A_316 = arith.addi %add3A_264, %add3A_315 : i32
      "tpu.region"() ({
        %run_scoped3A = tpu.sem_alloc : memref<!tpu.dma_semaphore, #tpu.memory_space<semaphore_mem>>
        %dma_start3A_331 = arith.constant 0 : i32
        %dma_start3A_332 = tpu.memref_slice %arg7[%add3A_316, %dma_start3A_331] : memref<16x128xi32, #tpu.memory_space<vmem>> -> memref<1x128xi32, #tpu.memory_space<vmem>>
        %dma_start3A_333 = tpu.memref_squeeze %dma_start3A_332 : memref<1x128xi32, #tpu.memory_space<vmem>> -> memref<128xi32, #tpu.memory_space<vmem>>
        %dma_start3A_334 = arith.constant 0 : i32
        %dma_start3A_335 = arith.constant 0 : i32
        %dma_start3A_336 = tpu.memref_slice %arg6[%dma_start3A_334, %dma_start3A_335] : memref<10240x128xf32, #tpu.memory_space<vmem_shared>> -> memref<10240x128xf32, #tpu.memory_space<vmem_shared>>
        tpu.enqueue_indirect_dma source(%arg10 : memref<128x128xf32, #tpu.memory_space<vmem>>) target(%dma_start3A_336 : memref<10240x128xf32, #tpu.memory_space<vmem_shared>>) offsets(%dma_start3A_333 : memref<128xi32, #tpu.memory_space<vmem>>) semaphore(%run_scoped3A : memref<!tpu.dma_semaphore, #tpu.memory_space<semaphore_mem>>) {add = true}
        %dma_wait3A_337 = arith.constant 0 : i32
        %dma_wait3A_338 = tpu.memref_slice %arg7[%add3A_316, %dma_wait3A_337] : memref<16x128xi32, #tpu.memory_space<vmem>> -> memref<1x128xi32, #tpu.memory_space<vmem>>
        %dma_wait3A_339 = tpu.memref_squeeze %dma_wait3A_338 : memref<1x128xi32, #tpu.memory_space<vmem>> -> memref<128xi32, #tpu.memory_space<vmem>>
        %dma_wait3A_340 = arith.constant 0 : i32
        %dma_wait3A_341 = arith.constant 0 : i32
        %dma_wait3A_342 = tpu.memref_slice %arg6[%dma_wait3A_340, %dma_wait3A_341] : memref<10240x128xf32, #tpu.memory_space<vmem_shared>> -> memref<10240x128xf32, #tpu.memory_space<vmem_shared>>
        tpu.wait_indirect_dma semaphore(%run_scoped3A : memref<!tpu.dma_semaphore, #tpu.memory_space<semaphore_mem>>) src(%arg10 : memref<128x128xf32, #tpu.memory_space<vmem>>) dst(%dma_wait3A_342 : memref<10240x128xf32, #tpu.memory_space<vmem_shared>>)
        tpu.yield
      }) : () -> ()
      %add3A_317 = arith.constant 2 : i32
      %add3A_318 = arith.addi %add3A_301, %add3A_317 : i32
      %add3A_319 = arith.addi %mul3A_2, %add3A_318 : i32
      %min3A_320 = arith.constant 2499 : i32
      %min3A_321 = arith.minsi %add3A_319, %min3A_320 : i32
      %mul3A_322 = arith.constant 128 : i32
      %mul3A_323 = arith.muli %min3A_321, %mul3A_322 : i32
      %multiple_of3A_324 = tpu.assume_multiple %mul3A_323, 128 : i32
      %dma_start3A_325 = arith.constant 0 : i32
      %dma_start3A_326 = tpu.memref_slice %arg3[%arg0, %multiple_of3A_324, %dma_start3A_325] : memref<2x320000x128xf32, #tpu.memory_space<hbm>> -> memref<1x128x128xf32, #tpu.memory_space<hbm>>
      %dma_start3A_327 = tpu.memref_squeeze %dma_start3A_326 : memref<1x128x128xf32, #tpu.memory_space<hbm>> -> memref<128x128xf32, #tpu.memory_space<hbm>>
      %dma_start3A_328 = arith.constant 0 : i32
      %dma_start3A_329 = tpu.memref_slice %arg3[%arg0, %multiple_of3A_324, %dma_start3A_328] : memref<2x320000x128xf32, #tpu.memory_space<hbm>> -> memref<1x128x128xf32, #tpu.memory_space<hbm>>
      %dma_start3A_330 = tpu.memref_squeeze %dma_start3A_329 : memref<1x128x128xf32, #tpu.memory_space<hbm>> -> memref<128x128xf32, #tpu.memory_space<hbm>>
      tpu.enqueue_dma source(%dma_start3A_330 : memref<128x128xf32, #tpu.memory_space<hbm>>) target(%arg10 : memref<128x128xf32, #tpu.memory_space<vmem>>) target_semaphore(%arg12 : memref<!tpu.dma_semaphore, #tpu.memory_space<semaphore_mem>>)
    }
    %scan3A_93 = arith.constant 8 : i32
    %dma_start3A_94 = arith.constant 64 : i32
    %dma_start3A_95 = arith.constant 0 : i32
    %dma_start3A_96 = tpu.memref_slice %arg4[%arg0, %arg1, %dma_start3A_94, %dma_start3A_95] : memref<2x16x160x128xi32, #tpu.memory_space<hbm>> -> memref<1x1x16x128xi32, #tpu.memory_space<hbm>>
    %dma_start3A_97 = tpu.memref_squeeze %dma_start3A_96 : memref<1x1x16x128xi32, #tpu.memory_space<hbm>> -> memref<16x128xi32, #tpu.memory_space<hbm>>
    %dma_start3A_98 = arith.constant 64 : i32
    %dma_start3A_99 = arith.constant 0 : i32
    %dma_start3A_100 = tpu.memref_slice %arg4[%arg0, %arg1, %dma_start3A_98, %dma_start3A_99] : memref<2x16x160x128xi32, #tpu.memory_space<hbm>> -> memref<1x1x16x128xi32, #tpu.memory_space<hbm>>
    %dma_start3A_101 = tpu.memref_squeeze %dma_start3A_100 : memref<1x1x16x128xi32, #tpu.memory_space<hbm>> -> memref<16x128xi32, #tpu.memory_space<hbm>>
    tpu.enqueue_dma source(%dma_start3A_101 : memref<16x128xi32, #tpu.memory_space<hbm>>) target(%arg7 : memref<16x128xi32, #tpu.memory_space<vmem>>) target_semaphore(%arg13 : memref<!tpu.dma_semaphore, #tpu.memory_space<semaphore_mem>>)
    %dma_wait3A_102 = arith.constant 0 : i32
    %dma_wait3A_103 = arith.constant 0 : i32
    %dma_wait3A_104 = tpu.memref_slice %arg4[%arg0, %arg1, %dma_wait3A_102, %dma_wait3A_103] : memref<2x16x160x128xi32, #tpu.memory_space<hbm>> -> memref<1x1x16x128xi32, #tpu.memory_space<hbm>>
    %dma_wait3A_105 = tpu.memref_squeeze %dma_wait3A_104 : memref<1x1x16x128xi32, #tpu.memory_space<hbm>> -> memref<16x128xi32, #tpu.memory_space<hbm>>
    %dma_wait3A_106 = arith.constant 0 : i32
    %dma_wait3A_107 = arith.constant 0 : i32
    %dma_wait3A_108 = tpu.memref_slice %arg4[%arg0, %arg1, %dma_wait3A_106, %dma_wait3A_107] : memref<2x16x160x128xi32, #tpu.memory_space<hbm>> -> memref<1x1x16x128xi32, #tpu.memory_space<hbm>>
    %dma_wait3A_109 = tpu.memref_squeeze %dma_wait3A_108 : memref<1x1x16x128xi32, #tpu.memory_space<hbm>> -> memref<16x128xi32, #tpu.memory_space<hbm>>
    tpu.wait_dma2 semaphore(%arg14 : memref<!tpu.dma_semaphore, #tpu.memory_space<semaphore_mem>>) src(%dma_wait3A_109 : memref<16x128xi32, #tpu.memory_space<hbm>>) dst(%arg8 : memref<16x128xi32, #tpu.memory_space<vmem>>)
    %scan3A_110 = arith.constant 0 : i32
    %scan3A_111 = arith.constant 8 : i32
    %scan3A_112 = arith.addi %scan3A_110, %scan3A_111 : i32
    %scan3A_113 = arith.constant 1 : i32
    scf.for %scan3A_260 = %scan3A_110 to %scan3A_112 step %scan3A_113  : i32 {
      %mul3A_261 = arith.constant 2 : i32
      %mul3A_262 = arith.muli %scan3A_260, %mul3A_261 : i32
      %add3A_263 = arith.constant 0 : i32
      %add3A_264 = arith.addi %add3A_263, %mul3A_262 : i32
      %add3A_265 = arith.constant 48 : i32
      %add3A_266 = arith.addi %add3A_265, %add3A_264 : i32
      %add3A_267 = arith.constant 0 : i32
      %add3A_268 = arith.addi %add3A_266, %add3A_267 : i32
      %add3A_269 = arith.constant 0 : i32
      %add3A_270 = arith.addi %mul3A_2, %add3A_269 : i32
      %min3A_271 = arith.constant 2499 : i32
      %min3A_272 = arith.minsi %add3A_270, %min3A_271 : i32
      %mul3A_273 = arith.constant 128 : i32
      %mul3A_274 = arith.muli %min3A_272, %mul3A_273 : i32
      %multiple_of3A_275 = tpu.assume_multiple %mul3A_274, 128 : i32
      %dma_wait3A_276 = arith.constant 0 : i32
      %dma_wait3A_277 = tpu.memref_slice %arg3[%arg0, %multiple_of3A_275, %dma_wait3A_276] : memref<2x320000x128xf32, #tpu.memory_space<hbm>> -> memref<1x128x128xf32, #tpu.memory_space<hbm>>
      %dma_wait3A_278 = tpu.memref_squeeze %dma_wait3A_277 : memref<1x128x128xf32, #tpu.memory_space<hbm>> -> memref<128x128xf32, #tpu.memory_space<hbm>>
      %dma_wait3A_279 = arith.constant 0 : i32
      %dma_wait3A_280 = tpu.memref_slice %arg3[%arg0, %multiple_of3A_275, %dma_wait3A_279] : memref<2x320000x128xf32, #tpu.memory_space<hbm>> -> memref<1x128x128xf32, #tpu.memory_space<hbm>>
      %dma_wait3A_281 = tpu.memref_squeeze %dma_wait3A_280 : memref<1x128x128xf32, #tpu.memory_space<hbm>> -> memref<128x128xf32, #tpu.memory_space<hbm>>
      tpu.wait_dma2 semaphore(%arg11 : memref<!tpu.dma_semaphore, #tpu.memory_space<semaphore_mem>>) src(%dma_wait3A_281 : memref<128x128xf32, #tpu.memory_space<hbm>>) dst(%arg9 : memref<128x128xf32, #tpu.memory_space<vmem>>)
      %add3A_282 = arith.constant 0 : i32
      %add3A_283 = arith.addi %add3A_264, %add3A_282 : i32
      "tpu.region"() ({
        %run_scoped3A = tpu.sem_alloc : memref<!tpu.dma_semaphore, #tpu.memory_space<semaphore_mem>>
        %dma_start3A_331 = arith.constant 0 : i32
        %dma_start3A_332 = tpu.memref_slice %arg8[%add3A_283, %dma_start3A_331] : memref<16x128xi32, #tpu.memory_space<vmem>> -> memref<1x128xi32, #tpu.memory_space<vmem>>
        %dma_start3A_333 = tpu.memref_squeeze %dma_start3A_332 : memref<1x128xi32, #tpu.memory_space<vmem>> -> memref<128xi32, #tpu.memory_space<vmem>>
        %dma_start3A_334 = arith.constant 0 : i32
        %dma_start3A_335 = arith.constant 0 : i32
        %dma_start3A_336 = tpu.memref_slice %arg6[%dma_start3A_334, %dma_start3A_335] : memref<10240x128xf32, #tpu.memory_space<vmem_shared>> -> memref<10240x128xf32, #tpu.memory_space<vmem_shared>>
        tpu.enqueue_indirect_dma source(%arg9 : memref<128x128xf32, #tpu.memory_space<vmem>>) target(%dma_start3A_336 : memref<10240x128xf32, #tpu.memory_space<vmem_shared>>) offsets(%dma_start3A_333 : memref<128xi32, #tpu.memory_space<vmem>>) semaphore(%run_scoped3A : memref<!tpu.dma_semaphore, #tpu.memory_space<semaphore_mem>>) {add = true}
        %dma_wait3A_337 = arith.constant 0 : i32
        %dma_wait3A_338 = tpu.memref_slice %arg8[%add3A_283, %dma_wait3A_337] : memref<16x128xi32, #tpu.memory_space<vmem>> -> memref<1x128xi32, #tpu.memory_space<vmem>>
        %dma_wait3A_339 = tpu.memref_squeeze %dma_wait3A_338 : memref<1x128xi32, #tpu.memory_space<vmem>> -> memref<128xi32, #tpu.memory_space<vmem>>
        %dma_wait3A_340 = arith.constant 0 : i32
        %dma_wait3A_341 = arith.constant 0 : i32
        %dma_wait3A_342 = tpu.memref_slice %arg6[%dma_wait3A_340, %dma_wait3A_341] : memref<10240x128xf32, #tpu.memory_space<vmem_shared>> -> memref<10240x128xf32, #tpu.memory_space<vmem_shared>>
        tpu.wait_indirect_dma semaphore(%run_scoped3A : memref<!tpu.dma_semaphore, #tpu.memory_space<semaphore_mem>>) src(%arg9 : memref<128x128xf32, #tpu.memory_space<vmem>>) dst(%dma_wait3A_342 : memref<10240x128xf32, #tpu.memory_space<vmem_shared>>)
        tpu.yield
      }) : () -> ()
      %add3A_284 = arith.constant 2 : i32
      %add3A_285 = arith.addi %add3A_268, %add3A_284 : i32
      %add3A_286 = arith.addi %mul3A_2, %add3A_285 : i32
      %min3A_287 = arith.constant 2499 : i32
      %min3A_288 = arith.minsi %add3A_286, %min3A_287 : i32
      %mul3A_289 = arith.constant 128 : i32
      %mul3A_290 = arith.muli %min3A_288, %mul3A_289 : i32
      %multiple_of3A_291 = tpu.assume_multiple %mul3A_290, 128 : i32
      %dma_start3A_292 = arith.constant 0 : i32
      %dma_start3A_293 = tpu.memref_slice %arg3[%arg0, %multiple_of3A_291, %dma_start3A_292] : memref<2x320000x128xf32, #tpu.memory_space<hbm>> -> memref<1x128x128xf32, #tpu.memory_space<hbm>>
      %dma_start3A_294 = tpu.memref_squeeze %dma_start3A_293 : memref<1x128x128xf32, #tpu.memory_space<hbm>> -> memref<128x128xf32, #tpu.memory_space<hbm>>
      %dma_start3A_295 = arith.constant 0 : i32
      %dma_start3A_296 = tpu.memref_slice %arg3[%arg0, %multiple_of3A_291, %dma_start3A_295] : memref<2x320000x128xf32, #tpu.memory_space<hbm>> -> memref<1x128x128xf32, #tpu.memory_space<hbm>>
      %dma_start3A_297 = tpu.memref_squeeze %dma_start3A_296 : memref<1x128x128xf32, #tpu.memory_space<hbm>> -> memref<128x128xf32, #tpu.memory_space<hbm>>
      tpu.enqueue_dma source(%dma_start3A_297 : memref<128x128xf32, #tpu.memory_space<hbm>>) target(%arg9 : memref<128x128xf32, #tpu.memory_space<vmem>>) target_semaphore(%arg11 : memref<!tpu.dma_semaphore, #tpu.memory_space<semaphore_mem>>)
      %add3A_298 = arith.constant 48 : i32
      %add3A_299 = arith.addi %add3A_298, %add3A_264 : i32
      %add3A_300 = arith.constant 1 : i32
      %add3A_301 = arith.addi %add3A_299, %add3A_300 : i32
      %add3A_302 = arith.constant 0 : i32
      %add3A_303 = arith.addi %mul3A_2, %add3A_302 : i32
      %min3A_304 = arith.constant 2499 : i32
      %min3A_305 = arith.minsi %add3A_303, %min3A_304 : i32
      %mul3A_306 = arith.constant 128 : i32
      %mul3A_307 = arith.muli %min3A_305, %mul3A_306 : i32
      %multiple_of3A_308 = tpu.assume_multiple %mul3A_307, 128 : i32
      %dma_wait3A_309 = arith.constant 0 : i32
      %dma_wait3A_310 = tpu.memref_slice %arg3[%arg0, %multiple_of3A_308, %dma_wait3A_309] : memref<2x320000x128xf32, #tpu.memory_space<hbm>> -> memref<1x128x128xf32, #tpu.memory_space<hbm>>
      %dma_wait3A_311 = tpu.memref_squeeze %dma_wait3A_310 : memref<1x128x128xf32, #tpu.memory_space<hbm>> -> memref<128x128xf32, #tpu.memory_space<hbm>>
      %dma_wait3A_312 = arith.constant 0 : i32
      %dma_wait3A_313 = tpu.memref_slice %arg3[%arg0, %multiple_of3A_308, %dma_wait3A_312] : memref<2x320000x128xf32, #tpu.memory_space<hbm>> -> memref<1x128x128xf32, #tpu.memory_space<hbm>>
      %dma_wait3A_314 = tpu.memref_squeeze %dma_wait3A_313 : memref<1x128x128xf32, #tpu.memory_space<hbm>> -> memref<128x128xf32, #tpu.memory_space<hbm>>
      tpu.wait_dma2 semaphore(%arg12 : memref<!tpu.dma_semaphore, #tpu.memory_space<semaphore_mem>>) src(%dma_wait3A_314 : memref<128x128xf32, #tpu.memory_space<hbm>>) dst(%arg10 : memref<128x128xf32, #tpu.memory_space<vmem>>)
      %add3A_315 = arith.constant 1 : i32
      %add3A_316 = arith.addi %add3A_264, %add3A_315 : i32
      "tpu.region"() ({
        %run_scoped3A = tpu.sem_alloc : memref<!tpu.dma_semaphore, #tpu.memory_space<semaphore_mem>>
        %dma_start3A_331 = arith.constant 0 : i32
        %dma_start3A_332 = tpu.memref_slice %arg8[%add3A_316, %dma_start3A_331] : memref<16x128xi32, #tpu.memory_space<vmem>> -> memref<1x128xi32, #tpu.memory_space<vmem>>
        %dma_start3A_333 = tpu.memref_squeeze %dma_start3A_332 : memref<1x128xi32, #tpu.memory_space<vmem>> -> memref<128xi32, #tpu.memory_space<vmem>>
        %dma_start3A_334 = arith.constant 0 : i32
        %dma_start3A_335 = arith.constant 0 : i32
        %dma_start3A_336 = tpu.memref_slice %arg6[%dma_start3A_334, %dma_start3A_335] : memref<10240x128xf32, #tpu.memory_space<vmem_shared>> -> memref<10240x128xf32, #tpu.memory_space<vmem_shared>>
        tpu.enqueue_indirect_dma source(%arg10 : memref<128x128xf32, #tpu.memory_space<vmem>>) target(%dma_start3A_336 : memref<10240x128xf32, #tpu.memory_space<vmem_shared>>) offsets(%dma_start3A_333 : memref<128xi32, #tpu.memory_space<vmem>>) semaphore(%run_scoped3A : memref<!tpu.dma_semaphore, #tpu.memory_space<semaphore_mem>>) {add = true}
        %dma_wait3A_337 = arith.constant 0 : i32
        %dma_wait3A_338 = tpu.memref_slice %arg8[%add3A_316, %dma_wait3A_337] : memref<16x128xi32, #tpu.memory_space<vmem>> -> memref<1x128xi32, #tpu.memory_space<vmem>>
        %dma_wait3A_339 = tpu.memref_squeeze %dma_wait3A_338 : memref<1x128xi32, #tpu.memory_space<vmem>> -> memref<128xi32, #tpu.memory_space<vmem>>
        %dma_wait3A_340 = arith.constant 0 : i32
        %dma_wait3A_341 = arith.constant 0 : i32
        %dma_wait3A_342 = tpu.memref_slice %arg6[%dma_wait3A_340, %dma_wait3A_341] : memref<10240x128xf32, #tpu.memory_space<vmem_shared>> -> memref<10240x128xf32, #tpu.memory_space<vmem_shared>>
        tpu.wait_indirect_dma semaphore(%run_scoped3A : memref<!tpu.dma_semaphore, #tpu.memory_space<semaphore_mem>>) src(%arg10 : memref<128x128xf32, #tpu.memory_space<vmem>>) dst(%dma_wait3A_342 : memref<10240x128xf32, #tpu.memory_space<vmem_shared>>)
        tpu.yield
      }) : () -> ()
      %add3A_317 = arith.constant 2 : i32
      %add3A_318 = arith.addi %add3A_301, %add3A_317 : i32
      %add3A_319 = arith.addi %mul3A_2, %add3A_318 : i32
      %min3A_320 = arith.constant 2499 : i32
      %min3A_321 = arith.minsi %add3A_319, %min3A_320 : i32
      %mul3A_322 = arith.constant 128 : i32
      %mul3A_323 = arith.muli %min3A_321, %mul3A_322 : i32
      %multiple_of3A_324 = tpu.assume_multiple %mul3A_323, 128 : i32
      %dma_start3A_325 = arith.constant 0 : i32
      %dma_start3A_326 = tpu.memref_slice %arg3[%arg0, %multiple_of3A_324, %dma_start3A_325] : memref<2x320000x128xf32, #tpu.memory_space<hbm>> -> memref<1x128x128xf32, #tpu.memory_space<hbm>>
      %dma_start3A_327 = tpu.memref_squeeze %dma_start3A_326 : memref<1x128x128xf32, #tpu.memory_space<hbm>> -> memref<128x128xf32, #tpu.memory_space<hbm>>
      %dma_start3A_328 = arith.constant 0 : i32
      %dma_start3A_329 = tpu.memref_slice %arg3[%arg0, %multiple_of3A_324, %dma_start3A_328] : memref<2x320000x128xf32, #tpu.memory_space<hbm>> -> memref<1x128x128xf32, #tpu.memory_space<hbm>>
      %dma_start3A_330 = tpu.memref_squeeze %dma_start3A_329 : memref<1x128x128xf32, #tpu.memory_space<hbm>> -> memref<128x128xf32, #tpu.memory_space<hbm>>
      tpu.enqueue_dma source(%dma_start3A_330 : memref<128x128xf32, #tpu.memory_space<hbm>>) target(%arg10 : memref<128x128xf32, #tpu.memory_space<vmem>>) target_semaphore(%arg12 : memref<!tpu.dma_semaphore, #tpu.memory_space<semaphore_mem>>)
    }
    %scan3A_114 = arith.constant 8 : i32
    %dma_start3A_115 = arith.constant 80 : i32
    %dma_start3A_116 = arith.constant 0 : i32
    %dma_start3A_117 = tpu.memref_slice %arg4[%arg0, %arg1, %dma_start3A_115, %dma_start3A_116] : memref<2x16x160x128xi32, #tpu.memory_space<hbm>> -> memref<1x1x16x128xi32, #tpu.memory_space<hbm>>
    %dma_start3A_118 = tpu.memref_squeeze %dma_start3A_117 : memref<1x1x16x128xi32, #tpu.memory_space<hbm>> -> memref<16x128xi32, #tpu.memory_space<hbm>>
    %dma_start3A_119 = arith.constant 80 : i32
    %dma_start3A_120 = arith.constant 0 : i32
    %dma_start3A_121 = tpu.memref_slice %arg4[%arg0, %arg1, %dma_start3A_119, %dma_start3A_120] : memref<2x16x160x128xi32, #tpu.memory_space<hbm>> -> memref<1x1x16x128xi32, #tpu.memory_space<hbm>>
    %dma_start3A_122 = tpu.memref_squeeze %dma_start3A_121 : memref<1x1x16x128xi32, #tpu.memory_space<hbm>> -> memref<16x128xi32, #tpu.memory_space<hbm>>
    tpu.enqueue_dma source(%dma_start3A_122 : memref<16x128xi32, #tpu.memory_space<hbm>>) target(%arg8 : memref<16x128xi32, #tpu.memory_space<vmem>>) target_semaphore(%arg14 : memref<!tpu.dma_semaphore, #tpu.memory_space<semaphore_mem>>)
    %dma_wait3A_123 = arith.constant 0 : i32
    %dma_wait3A_124 = arith.constant 0 : i32
    %dma_wait3A_125 = tpu.memref_slice %arg4[%arg0, %arg1, %dma_wait3A_123, %dma_wait3A_124] : memref<2x16x160x128xi32, #tpu.memory_space<hbm>> -> memref<1x1x16x128xi32, #tpu.memory_space<hbm>>
    %dma_wait3A_126 = tpu.memref_squeeze %dma_wait3A_125 : memref<1x1x16x128xi32, #tpu.memory_space<hbm>> -> memref<16x128xi32, #tpu.memory_space<hbm>>
    %dma_wait3A_127 = arith.constant 0 : i32
    %dma_wait3A_128 = arith.constant 0 : i32
    %dma_wait3A_129 = tpu.memref_slice %arg4[%arg0, %arg1, %dma_wait3A_127, %dma_wait3A_128] : memref<2x16x160x128xi32, #tpu.memory_space<hbm>> -> memref<1x1x16x128xi32, #tpu.memory_space<hbm>>
    %dma_wait3A_130 = tpu.memref_squeeze %dma_wait3A_129 : memref<1x1x16x128xi32, #tpu.memory_space<hbm>> -> memref<16x128xi32, #tpu.memory_space<hbm>>
    tpu.wait_dma2 semaphore(%arg13 : memref<!tpu.dma_semaphore, #tpu.memory_space<semaphore_mem>>) src(%dma_wait3A_130 : memref<16x128xi32, #tpu.memory_space<hbm>>) dst(%arg7 : memref<16x128xi32, #tpu.memory_space<vmem>>)
    %scan3A_131 = arith.constant 0 : i32
    %scan3A_132 = arith.constant 8 : i32
    %scan3A_133 = arith.addi %scan3A_131, %scan3A_132 : i32
    %scan3A_134 = arith.constant 1 : i32
    scf.for %scan3A_260 = %scan3A_131 to %scan3A_133 step %scan3A_134  : i32 {
      %mul3A_261 = arith.constant 2 : i32
      %mul3A_262 = arith.muli %scan3A_260, %mul3A_261 : i32
      %add3A_263 = arith.constant 0 : i32
      %add3A_264 = arith.addi %add3A_263, %mul3A_262 : i32
      %add3A_265 = arith.constant 64 : i32
      %add3A_266 = arith.addi %add3A_265, %add3A_264 : i32
      %add3A_267 = arith.constant 0 : i32
      %add3A_268 = arith.addi %add3A_266, %add3A_267 : i32
      %add3A_269 = arith.constant 0 : i32
      %add3A_270 = arith.addi %mul3A_2, %add3A_269 : i32
      %min3A_271 = arith.constant 2499 : i32
      %min3A_272 = arith.minsi %add3A_270, %min3A_271 : i32
      %mul3A_273 = arith.constant 128 : i32
      %mul3A_274 = arith.muli %min3A_272, %mul3A_273 : i32
      %multiple_of3A_275 = tpu.assume_multiple %mul3A_274, 128 : i32
      %dma_wait3A_276 = arith.constant 0 : i32
      %dma_wait3A_277 = tpu.memref_slice %arg3[%arg0, %multiple_of3A_275, %dma_wait3A_276] : memref<2x320000x128xf32, #tpu.memory_space<hbm>> -> memref<1x128x128xf32, #tpu.memory_space<hbm>>
      %dma_wait3A_278 = tpu.memref_squeeze %dma_wait3A_277 : memref<1x128x128xf32, #tpu.memory_space<hbm>> -> memref<128x128xf32, #tpu.memory_space<hbm>>
      %dma_wait3A_279 = arith.constant 0 : i32
      %dma_wait3A_280 = tpu.memref_slice %arg3[%arg0, %multiple_of3A_275, %dma_wait3A_279] : memref<2x320000x128xf32, #tpu.memory_space<hbm>> -> memref<1x128x128xf32, #tpu.memory_space<hbm>>
      %dma_wait3A_281 = tpu.memref_squeeze %dma_wait3A_280 : memref<1x128x128xf32, #tpu.memory_space<hbm>> -> memref<128x128xf32, #tpu.memory_space<hbm>>
      tpu.wait_dma2 semaphore(%arg11 : memref<!tpu.dma_semaphore, #tpu.memory_space<semaphore_mem>>) src(%dma_wait3A_281 : memref<128x128xf32, #tpu.memory_space<hbm>>) dst(%arg9 : memref<128x128xf32, #tpu.memory_space<vmem>>)
      %add3A_282 = arith.constant 0 : i32
      %add3A_283 = arith.addi %add3A_264, %add3A_282 : i32
      "tpu.region"() ({
        %run_scoped3A = tpu.sem_alloc : memref<!tpu.dma_semaphore, #tpu.memory_space<semaphore_mem>>
        %dma_start3A_331 = arith.constant 0 : i32
        %dma_start3A_332 = tpu.memref_slice %arg7[%add3A_283, %dma_start3A_331] : memref<16x128xi32, #tpu.memory_space<vmem>> -> memref<1x128xi32, #tpu.memory_space<vmem>>
        %dma_start3A_333 = tpu.memref_squeeze %dma_start3A_332 : memref<1x128xi32, #tpu.memory_space<vmem>> -> memref<128xi32, #tpu.memory_space<vmem>>
        %dma_start3A_334 = arith.constant 0 : i32
        %dma_start3A_335 = arith.constant 0 : i32
        %dma_start3A_336 = tpu.memref_slice %arg6[%dma_start3A_334, %dma_start3A_335] : memref<10240x128xf32, #tpu.memory_space<vmem_shared>> -> memref<10240x128xf32, #tpu.memory_space<vmem_shared>>
        tpu.enqueue_indirect_dma source(%arg9 : memref<128x128xf32, #tpu.memory_space<vmem>>) target(%dma_start3A_336 : memref<10240x128xf32, #tpu.memory_space<vmem_shared>>) offsets(%dma_start3A_333 : memref<128xi32, #tpu.memory_space<vmem>>) semaphore(%run_scoped3A : memref<!tpu.dma_semaphore, #tpu.memory_space<semaphore_mem>>) {add = true}
        %dma_wait3A_337 = arith.constant 0 : i32
        %dma_wait3A_338 = tpu.memref_slice %arg7[%add3A_283, %dma_wait3A_337] : memref<16x128xi32, #tpu.memory_space<vmem>> -> memref<1x128xi32, #tpu.memory_space<vmem>>
        %dma_wait3A_339 = tpu.memref_squeeze %dma_wait3A_338 : memref<1x128xi32, #tpu.memory_space<vmem>> -> memref<128xi32, #tpu.memory_space<vmem>>
        %dma_wait3A_340 = arith.constant 0 : i32
        %dma_wait3A_341 = arith.constant 0 : i32
        %dma_wait3A_342 = tpu.memref_slice %arg6[%dma_wait3A_340, %dma_wait3A_341] : memref<10240x128xf32, #tpu.memory_space<vmem_shared>> -> memref<10240x128xf32, #tpu.memory_space<vmem_shared>>
        tpu.wait_indirect_dma semaphore(%run_scoped3A : memref<!tpu.dma_semaphore, #tpu.memory_space<semaphore_mem>>) src(%arg9 : memref<128x128xf32, #tpu.memory_space<vmem>>) dst(%dma_wait3A_342 : memref<10240x128xf32, #tpu.memory_space<vmem_shared>>)
        tpu.yield
      }) : () -> ()
      %add3A_284 = arith.constant 2 : i32
      %add3A_285 = arith.addi %add3A_268, %add3A_284 : i32
      %add3A_286 = arith.addi %mul3A_2, %add3A_285 : i32
      %min3A_287 = arith.constant 2499 : i32
      %min3A_288 = arith.minsi %add3A_286, %min3A_287 : i32
      %mul3A_289 = arith.constant 128 : i32
      %mul3A_290 = arith.muli %min3A_288, %mul3A_289 : i32
      %multiple_of3A_291 = tpu.assume_multiple %mul3A_290, 128 : i32
      %dma_start3A_292 = arith.constant 0 : i32
      %dma_start3A_293 = tpu.memref_slice %arg3[%arg0, %multiple_of3A_291, %dma_start3A_292] : memref<2x320000x128xf32, #tpu.memory_space<hbm>> -> memref<1x128x128xf32, #tpu.memory_space<hbm>>
      %dma_start3A_294 = tpu.memref_squeeze %dma_start3A_293 : memref<1x128x128xf32, #tpu.memory_space<hbm>> -> memref<128x128xf32, #tpu.memory_space<hbm>>
      %dma_start3A_295 = arith.constant 0 : i32
      %dma_start3A_296 = tpu.memref_slice %arg3[%arg0, %multiple_of3A_291, %dma_start3A_295] : memref<2x320000x128xf32, #tpu.memory_space<hbm>> -> memref<1x128x128xf32, #tpu.memory_space<hbm>>
      %dma_start3A_297 = tpu.memref_squeeze %dma_start3A_296 : memref<1x128x128xf32, #tpu.memory_space<hbm>> -> memref<128x128xf32, #tpu.memory_space<hbm>>
      tpu.enqueue_dma source(%dma_start3A_297 : memref<128x128xf32, #tpu.memory_space<hbm>>) target(%arg9 : memref<128x128xf32, #tpu.memory_space<vmem>>) target_semaphore(%arg11 : memref<!tpu.dma_semaphore, #tpu.memory_space<semaphore_mem>>)
      %add3A_298 = arith.constant 64 : i32
      %add3A_299 = arith.addi %add3A_298, %add3A_264 : i32
      %add3A_300 = arith.constant 1 : i32
      %add3A_301 = arith.addi %add3A_299, %add3A_300 : i32
      %add3A_302 = arith.constant 0 : i32
      %add3A_303 = arith.addi %mul3A_2, %add3A_302 : i32
      %min3A_304 = arith.constant 2499 : i32
      %min3A_305 = arith.minsi %add3A_303, %min3A_304 : i32
      %mul3A_306 = arith.constant 128 : i32
      %mul3A_307 = arith.muli %min3A_305, %mul3A_306 : i32
      %multiple_of3A_308 = tpu.assume_multiple %mul3A_307, 128 : i32
      %dma_wait3A_309 = arith.constant 0 : i32
      %dma_wait3A_310 = tpu.memref_slice %arg3[%arg0, %multiple_of3A_308, %dma_wait3A_309] : memref<2x320000x128xf32, #tpu.memory_space<hbm>> -> memref<1x128x128xf32, #tpu.memory_space<hbm>>
      %dma_wait3A_311 = tpu.memref_squeeze %dma_wait3A_310 : memref<1x128x128xf32, #tpu.memory_space<hbm>> -> memref<128x128xf32, #tpu.memory_space<hbm>>
      %dma_wait3A_312 = arith.constant 0 : i32
      %dma_wait3A_313 = tpu.memref_slice %arg3[%arg0, %multiple_of3A_308, %dma_wait3A_312] : memref<2x320000x128xf32, #tpu.memory_space<hbm>> -> memref<1x128x128xf32, #tpu.memory_space<hbm>>
      %dma_wait3A_314 = tpu.memref_squeeze %dma_wait3A_313 : memref<1x128x128xf32, #tpu.memory_space<hbm>> -> memref<128x128xf32, #tpu.memory_space<hbm>>
      tpu.wait_dma2 semaphore(%arg12 : memref<!tpu.dma_semaphore, #tpu.memory_space<semaphore_mem>>) src(%dma_wait3A_314 : memref<128x128xf32, #tpu.memory_space<hbm>>) dst(%arg10 : memref<128x128xf32, #tpu.memory_space<vmem>>)
      %add3A_315 = arith.constant 1 : i32
      %add3A_316 = arith.addi %add3A_264, %add3A_315 : i32
      "tpu.region"() ({
        %run_scoped3A = tpu.sem_alloc : memref<!tpu.dma_semaphore, #tpu.memory_space<semaphore_mem>>
        %dma_start3A_331 = arith.constant 0 : i32
        %dma_start3A_332 = tpu.memref_slice %arg7[%add3A_316, %dma_start3A_331] : memref<16x128xi32, #tpu.memory_space<vmem>> -> memref<1x128xi32, #tpu.memory_space<vmem>>
        %dma_start3A_333 = tpu.memref_squeeze %dma_start3A_332 : memref<1x128xi32, #tpu.memory_space<vmem>> -> memref<128xi32, #tpu.memory_space<vmem>>
        %dma_start3A_334 = arith.constant 0 : i32
        %dma_start3A_335 = arith.constant 0 : i32
        %dma_start3A_336 = tpu.memref_slice %arg6[%dma_start3A_334, %dma_start3A_335] : memref<10240x128xf32, #tpu.memory_space<vmem_shared>> -> memref<10240x128xf32, #tpu.memory_space<vmem_shared>>
        tpu.enqueue_indirect_dma source(%arg10 : memref<128x128xf32, #tpu.memory_space<vmem>>) target(%dma_start3A_336 : memref<10240x128xf32, #tpu.memory_space<vmem_shared>>) offsets(%dma_start3A_333 : memref<128xi32, #tpu.memory_space<vmem>>) semaphore(%run_scoped3A : memref<!tpu.dma_semaphore, #tpu.memory_space<semaphore_mem>>) {add = true}
        %dma_wait3A_337 = arith.constant 0 : i32
        %dma_wait3A_338 = tpu.memref_slice %arg7[%add3A_316, %dma_wait3A_337] : memref<16x128xi32, #tpu.memory_space<vmem>> -> memref<1x128xi32, #tpu.memory_space<vmem>>
        %dma_wait3A_339 = tpu.memref_squeeze %dma_wait3A_338 : memref<1x128xi32, #tpu.memory_space<vmem>> -> memref<128xi32, #tpu.memory_space<vmem>>
        %dma_wait3A_340 = arith.constant 0 : i32
        %dma_wait3A_341 = arith.constant 0 : i32
        %dma_wait3A_342 = tpu.memref_slice %arg6[%dma_wait3A_340, %dma_wait3A_341] : memref<10240x128xf32, #tpu.memory_space<vmem_shared>> -> memref<10240x128xf32, #tpu.memory_space<vmem_shared>>
        tpu.wait_indirect_dma semaphore(%run_scoped3A : memref<!tpu.dma_semaphore, #tpu.memory_space<semaphore_mem>>) src(%arg10 : memref<128x128xf32, #tpu.memory_space<vmem>>) dst(%dma_wait3A_342 : memref<10240x128xf32, #tpu.memory_space<vmem_shared>>)
        tpu.yield
      }) : () -> ()
      %add3A_317 = arith.constant 2 : i32
      %add3A_318 = arith.addi %add3A_301, %add3A_317 : i32
      %add3A_319 = arith.addi %mul3A_2, %add3A_318 : i32
      %min3A_320 = arith.constant 2499 : i32
      %min3A_321 = arith.minsi %add3A_319, %min3A_320 : i32
      %mul3A_322 = arith.constant 128 : i32
      %mul3A_323 = arith.muli %min3A_321, %mul3A_322 : i32
      %multiple_of3A_324 = tpu.assume_multiple %mul3A_323, 128 : i32
      %dma_start3A_325 = arith.constant 0 : i32
      %dma_start3A_326 = tpu.memref_slice %arg3[%arg0, %multiple_of3A_324, %dma_start3A_325] : memref<2x320000x128xf32, #tpu.memory_space<hbm>> -> memref<1x128x128xf32, #tpu.memory_space<hbm>>
      %dma_start3A_327 = tpu.memref_squeeze %dma_start3A_326 : memref<1x128x128xf32, #tpu.memory_space<hbm>> -> memref<128x128xf32, #tpu.memory_space<hbm>>
      %dma_start3A_328 = arith.constant 0 : i32
      %dma_start3A_329 = tpu.memref_slice %arg3[%arg0, %multiple_of3A_324, %dma_start3A_328] : memref<2x320000x128xf32, #tpu.memory_space<hbm>> -> memref<1x128x128xf32, #tpu.memory_space<hbm>>
      %dma_start3A_330 = tpu.memref_squeeze %dma_start3A_329 : memref<1x128x128xf32, #tpu.memory_space<hbm>> -> memref<128x128xf32, #tpu.memory_space<hbm>>
      tpu.enqueue_dma source(%dma_start3A_330 : memref<128x128xf32, #tpu.memory_space<hbm>>) target(%arg10 : memref<128x128xf32, #tpu.memory_space<vmem>>) target_semaphore(%arg12 : memref<!tpu.dma_semaphore, #tpu.memory_space<semaphore_mem>>)
    }
    %scan3A_135 = arith.constant 8 : i32
    %dma_start3A_136 = arith.constant 96 : i32
    %dma_start3A_137 = arith.constant 0 : i32
    %dma_start3A_138 = tpu.memref_slice %arg4[%arg0, %arg1, %dma_start3A_136, %dma_start3A_137] : memref<2x16x160x128xi32, #tpu.memory_space<hbm>> -> memref<1x1x16x128xi32, #tpu.memory_space<hbm>>
    %dma_start3A_139 = tpu.memref_squeeze %dma_start3A_138 : memref<1x1x16x128xi32, #tpu.memory_space<hbm>> -> memref<16x128xi32, #tpu.memory_space<hbm>>
    %dma_start3A_140 = arith.constant 96 : i32
    %dma_start3A_141 = arith.constant 0 : i32
    %dma_start3A_142 = tpu.memref_slice %arg4[%arg0, %arg1, %dma_start3A_140, %dma_start3A_141] : memref<2x16x160x128xi32, #tpu.memory_space<hbm>> -> memref<1x1x16x128xi32, #tpu.memory_space<hbm>>
    %dma_start3A_143 = tpu.memref_squeeze %dma_start3A_142 : memref<1x1x16x128xi32, #tpu.memory_space<hbm>> -> memref<16x128xi32, #tpu.memory_space<hbm>>
    tpu.enqueue_dma source(%dma_start3A_143 : memref<16x128xi32, #tpu.memory_space<hbm>>) target(%arg7 : memref<16x128xi32, #tpu.memory_space<vmem>>) target_semaphore(%arg13 : memref<!tpu.dma_semaphore, #tpu.memory_space<semaphore_mem>>)
    %dma_wait3A_144 = arith.constant 0 : i32
    %dma_wait3A_145 = arith.constant 0 : i32
    %dma_wait3A_146 = tpu.memref_slice %arg4[%arg0, %arg1, %dma_wait3A_144, %dma_wait3A_145] : memref<2x16x160x128xi32, #tpu.memory_space<hbm>> -> memref<1x1x16x128xi32, #tpu.memory_space<hbm>>
    %dma_wait3A_147 = tpu.memref_squeeze %dma_wait3A_146 : memref<1x1x16x128xi32, #tpu.memory_space<hbm>> -> memref<16x128xi32, #tpu.memory_space<hbm>>
    %dma_wait3A_148 = arith.constant 0 : i32
    %dma_wait3A_149 = arith.constant 0 : i32
    %dma_wait3A_150 = tpu.memref_slice %arg4[%arg0, %arg1, %dma_wait3A_148, %dma_wait3A_149] : memref<2x16x160x128xi32, #tpu.memory_space<hbm>> -> memref<1x1x16x128xi32, #tpu.memory_space<hbm>>
    %dma_wait3A_151 = tpu.memref_squeeze %dma_wait3A_150 : memref<1x1x16x128xi32, #tpu.memory_space<hbm>> -> memref<16x128xi32, #tpu.memory_space<hbm>>
    tpu.wait_dma2 semaphore(%arg14 : memref<!tpu.dma_semaphore, #tpu.memory_space<semaphore_mem>>) src(%dma_wait3A_151 : memref<16x128xi32, #tpu.memory_space<hbm>>) dst(%arg8 : memref<16x128xi32, #tpu.memory_space<vmem>>)
    %scan3A_152 = arith.constant 0 : i32
    %scan3A_153 = arith.constant 8 : i32
    %scan3A_154 = arith.addi %scan3A_152, %scan3A_153 : i32
    %scan3A_155 = arith.constant 1 : i32
    scf.for %scan3A_260 = %scan3A_152 to %scan3A_154 step %scan3A_155  : i32 {
      %mul3A_261 = arith.constant 2 : i32
      %mul3A_262 = arith.muli %scan3A_260, %mul3A_261 : i32
      %add3A_263 = arith.constant 0 : i32
      %add3A_264 = arith.addi %add3A_263, %mul3A_262 : i32
      %add3A_265 = arith.constant 80 : i32
      %add3A_266 = arith.addi %add3A_265, %add3A_264 : i32
      %add3A_267 = arith.constant 0 : i32
      %add3A_268 = arith.addi %add3A_266, %add3A_267 : i32
      %add3A_269 = arith.constant 0 : i32
      %add3A_270 = arith.addi %mul3A_2, %add3A_269 : i32
      %min3A_271 = arith.constant 2499 : i32
      %min3A_272 = arith.minsi %add3A_270, %min3A_271 : i32
      %mul3A_273 = arith.constant 128 : i32
      %mul3A_274 = arith.muli %min3A_272, %mul3A_273 : i32
      %multiple_of3A_275 = tpu.assume_multiple %mul3A_274, 128 : i32
      %dma_wait3A_276 = arith.constant 0 : i32
      %dma_wait3A_277 = tpu.memref_slice %arg3[%arg0, %multiple_of3A_275, %dma_wait3A_276] : memref<2x320000x128xf32, #tpu.memory_space<hbm>> -> memref<1x128x128xf32, #tpu.memory_space<hbm>>
      %dma_wait3A_278 = tpu.memref_squeeze %dma_wait3A_277 : memref<1x128x128xf32, #tpu.memory_space<hbm>> -> memref<128x128xf32, #tpu.memory_space<hbm>>
      %dma_wait3A_279 = arith.constant 0 : i32
      %dma_wait3A_280 = tpu.memref_slice %arg3[%arg0, %multiple_of3A_275, %dma_wait3A_279] : memref<2x320000x128xf32, #tpu.memory_space<hbm>> -> memref<1x128x128xf32, #tpu.memory_space<hbm>>
      %dma_wait3A_281 = tpu.memref_squeeze %dma_wait3A_280 : memref<1x128x128xf32, #tpu.memory_space<hbm>> -> memref<128x128xf32, #tpu.memory_space<hbm>>
      tpu.wait_dma2 semaphore(%arg11 : memref<!tpu.dma_semaphore, #tpu.memory_space<semaphore_mem>>) src(%dma_wait3A_281 : memref<128x128xf32, #tpu.memory_space<hbm>>) dst(%arg9 : memref<128x128xf32, #tpu.memory_space<vmem>>)
      %add3A_282 = arith.constant 0 : i32
      %add3A_283 = arith.addi %add3A_264, %add3A_282 : i32
      "tpu.region"() ({
        %run_scoped3A = tpu.sem_alloc : memref<!tpu.dma_semaphore, #tpu.memory_space<semaphore_mem>>
        %dma_start3A_331 = arith.constant 0 : i32
        %dma_start3A_332 = tpu.memref_slice %arg8[%add3A_283, %dma_start3A_331] : memref<16x128xi32, #tpu.memory_space<vmem>> -> memref<1x128xi32, #tpu.memory_space<vmem>>
        %dma_start3A_333 = tpu.memref_squeeze %dma_start3A_332 : memref<1x128xi32, #tpu.memory_space<vmem>> -> memref<128xi32, #tpu.memory_space<vmem>>
        %dma_start3A_334 = arith.constant 0 : i32
        %dma_start3A_335 = arith.constant 0 : i32
        %dma_start3A_336 = tpu.memref_slice %arg6[%dma_start3A_334, %dma_start3A_335] : memref<10240x128xf32, #tpu.memory_space<vmem_shared>> -> memref<10240x128xf32, #tpu.memory_space<vmem_shared>>
        tpu.enqueue_indirect_dma source(%arg9 : memref<128x128xf32, #tpu.memory_space<vmem>>) target(%dma_start3A_336 : memref<10240x128xf32, #tpu.memory_space<vmem_shared>>) offsets(%dma_start3A_333 : memref<128xi32, #tpu.memory_space<vmem>>) semaphore(%run_scoped3A : memref<!tpu.dma_semaphore, #tpu.memory_space<semaphore_mem>>) {add = true}
        %dma_wait3A_337 = arith.constant 0 : i32
        %dma_wait3A_338 = tpu.memref_slice %arg8[%add3A_283, %dma_wait3A_337] : memref<16x128xi32, #tpu.memory_space<vmem>> -> memref<1x128xi32, #tpu.memory_space<vmem>>
        %dma_wait3A_339 = tpu.memref_squeeze %dma_wait3A_338 : memref<1x128xi32, #tpu.memory_space<vmem>> -> memref<128xi32, #tpu.memory_space<vmem>>
        %dma_wait3A_340 = arith.constant 0 : i32
        %dma_wait3A_341 = arith.constant 0 : i32
        %dma_wait3A_342 = tpu.memref_slice %arg6[%dma_wait3A_340, %dma_wait3A_341] : memref<10240x128xf32, #tpu.memory_space<vmem_shared>> -> memref<10240x128xf32, #tpu.memory_space<vmem_shared>>
        tpu.wait_indirect_dma semaphore(%run_scoped3A : memref<!tpu.dma_semaphore, #tpu.memory_space<semaphore_mem>>) src(%arg9 : memref<128x128xf32, #tpu.memory_space<vmem>>) dst(%dma_wait3A_342 : memref<10240x128xf32, #tpu.memory_space<vmem_shared>>)
        tpu.yield
      }) : () -> ()
      %add3A_284 = arith.constant 2 : i32
      %add3A_285 = arith.addi %add3A_268, %add3A_284 : i32
      %add3A_286 = arith.addi %mul3A_2, %add3A_285 : i32
      %min3A_287 = arith.constant 2499 : i32
      %min3A_288 = arith.minsi %add3A_286, %min3A_287 : i32
      %mul3A_289 = arith.constant 128 : i32
      %mul3A_290 = arith.muli %min3A_288, %mul3A_289 : i32
      %multiple_of3A_291 = tpu.assume_multiple %mul3A_290, 128 : i32
      %dma_start3A_292 = arith.constant 0 : i32
      %dma_start3A_293 = tpu.memref_slice %arg3[%arg0, %multiple_of3A_291, %dma_start3A_292] : memref<2x320000x128xf32, #tpu.memory_space<hbm>> -> memref<1x128x128xf32, #tpu.memory_space<hbm>>
      %dma_start3A_294 = tpu.memref_squeeze %dma_start3A_293 : memref<1x128x128xf32, #tpu.memory_space<hbm>> -> memref<128x128xf32, #tpu.memory_space<hbm>>
      %dma_start3A_295 = arith.constant 0 : i32
      %dma_start3A_296 = tpu.memref_slice %arg3[%arg0, %multiple_of3A_291, %dma_start3A_295] : memref<2x320000x128xf32, #tpu.memory_space<hbm>> -> memref<1x128x128xf32, #tpu.memory_space<hbm>>
      %dma_start3A_297 = tpu.memref_squeeze %dma_start3A_296 : memref<1x128x128xf32, #tpu.memory_space<hbm>> -> memref<128x128xf32, #tpu.memory_space<hbm>>
      tpu.enqueue_dma source(%dma_start3A_297 : memref<128x128xf32, #tpu.memory_space<hbm>>) target(%arg9 : memref<128x128xf32, #tpu.memory_space<vmem>>) target_semaphore(%arg11 : memref<!tpu.dma_semaphore, #tpu.memory_space<semaphore_mem>>)
      %add3A_298 = arith.constant 80 : i32
      %add3A_299 = arith.addi %add3A_298, %add3A_264 : i32
      %add3A_300 = arith.constant 1 : i32
      %add3A_301 = arith.addi %add3A_299, %add3A_300 : i32
      %add3A_302 = arith.constant 0 : i32
      %add3A_303 = arith.addi %mul3A_2, %add3A_302 : i32
      %min3A_304 = arith.constant 2499 : i32
      %min3A_305 = arith.minsi %add3A_303, %min3A_304 : i32
      %mul3A_306 = arith.constant 128 : i32
      %mul3A_307 = arith.muli %min3A_305, %mul3A_306 : i32
      %multiple_of3A_308 = tpu.assume_multiple %mul3A_307, 128 : i32
      %dma_wait3A_309 = arith.constant 0 : i32
      %dma_wait3A_310 = tpu.memref_slice %arg3[%arg0, %multiple_of3A_308, %dma_wait3A_309] : memref<2x320000x128xf32, #tpu.memory_space<hbm>> -> memref<1x128x128xf32, #tpu.memory_space<hbm>>
      %dma_wait3A_311 = tpu.memref_squeeze %dma_wait3A_310 : memref<1x128x128xf32, #tpu.memory_space<hbm>> -> memref<128x128xf32, #tpu.memory_space<hbm>>
      %dma_wait3A_312 = arith.constant 0 : i32
      %dma_wait3A_313 = tpu.memref_slice %arg3[%arg0, %multiple_of3A_308, %dma_wait3A_312] : memref<2x320000x128xf32, #tpu.memory_space<hbm>> -> memref<1x128x128xf32, #tpu.memory_space<hbm>>
      %dma_wait3A_314 = tpu.memref_squeeze %dma_wait3A_313 : memref<1x128x128xf32, #tpu.memory_space<hbm>> -> memref<128x128xf32, #tpu.memory_space<hbm>>
      tpu.wait_dma2 semaphore(%arg12 : memref<!tpu.dma_semaphore, #tpu.memory_space<semaphore_mem>>) src(%dma_wait3A_314 : memref<128x128xf32, #tpu.memory_space<hbm>>) dst(%arg10 : memref<128x128xf32, #tpu.memory_space<vmem>>)
      %add3A_315 = arith.constant 1 : i32
      %add3A_316 = arith.addi %add3A_264, %add3A_315 : i32
      "tpu.region"() ({
        %run_scoped3A = tpu.sem_alloc : memref<!tpu.dma_semaphore, #tpu.memory_space<semaphore_mem>>
        %dma_start3A_331 = arith.constant 0 : i32
        %dma_start3A_332 = tpu.memref_slice %arg8[%add3A_316, %dma_start3A_331] : memref<16x128xi32, #tpu.memory_space<vmem>> -> memref<1x128xi32, #tpu.memory_space<vmem>>
        %dma_start3A_333 = tpu.memref_squeeze %dma_start3A_332 : memref<1x128xi32, #tpu.memory_space<vmem>> -> memref<128xi32, #tpu.memory_space<vmem>>
        %dma_start3A_334 = arith.constant 0 : i32
        %dma_start3A_335 = arith.constant 0 : i32
        %dma_start3A_336 = tpu.memref_slice %arg6[%dma_start3A_334, %dma_start3A_335] : memref<10240x128xf32, #tpu.memory_space<vmem_shared>> -> memref<10240x128xf32, #tpu.memory_space<vmem_shared>>
        tpu.enqueue_indirect_dma source(%arg10 : memref<128x128xf32, #tpu.memory_space<vmem>>) target(%dma_start3A_336 : memref<10240x128xf32, #tpu.memory_space<vmem_shared>>) offsets(%dma_start3A_333 : memref<128xi32, #tpu.memory_space<vmem>>) semaphore(%run_scoped3A : memref<!tpu.dma_semaphore, #tpu.memory_space<semaphore_mem>>) {add = true}
        %dma_wait3A_337 = arith.constant 0 : i32
        %dma_wait3A_338 = tpu.memref_slice %arg8[%add3A_316, %dma_wait3A_337] : memref<16x128xi32, #tpu.memory_space<vmem>> -> memref<1x128xi32, #tpu.memory_space<vmem>>
        %dma_wait3A_339 = tpu.memref_squeeze %dma_wait3A_338 : memref<1x128xi32, #tpu.memory_space<vmem>> -> memref<128xi32, #tpu.memory_space<vmem>>
        %dma_wait3A_340 = arith.constant 0 : i32
        %dma_wait3A_341 = arith.constant 0 : i32
        %dma_wait3A_342 = tpu.memref_slice %arg6[%dma_wait3A_340, %dma_wait3A_341] : memref<10240x128xf32, #tpu.memory_space<vmem_shared>> -> memref<10240x128xf32, #tpu.memory_space<vmem_shared>>
        tpu.wait_indirect_dma semaphore(%run_scoped3A : memref<!tpu.dma_semaphore, #tpu.memory_space<semaphore_mem>>) src(%arg10 : memref<128x128xf32, #tpu.memory_space<vmem>>) dst(%dma_wait3A_342 : memref<10240x128xf32, #tpu.memory_space<vmem_shared>>)
        tpu.yield
      }) : () -> ()
      %add3A_317 = arith.constant 2 : i32
      %add3A_318 = arith.addi %add3A_301, %add3A_317 : i32
      %add3A_319 = arith.addi %mul3A_2, %add3A_318 : i32
      %min3A_320 = arith.constant 2499 : i32
      %min3A_321 = arith.minsi %add3A_319, %min3A_320 : i32
      %mul3A_322 = arith.constant 128 : i32
      %mul3A_323 = arith.muli %min3A_321, %mul3A_322 : i32
      %multiple_of3A_324 = tpu.assume_multiple %mul3A_323, 128 : i32
      %dma_start3A_325 = arith.constant 0 : i32
      %dma_start3A_326 = tpu.memref_slice %arg3[%arg0, %multiple_of3A_324, %dma_start3A_325] : memref<2x320000x128xf32, #tpu.memory_space<hbm>> -> memref<1x128x128xf32, #tpu.memory_space<hbm>>
      %dma_start3A_327 = tpu.memref_squeeze %dma_start3A_326 : memref<1x128x128xf32, #tpu.memory_space<hbm>> -> memref<128x128xf32, #tpu.memory_space<hbm>>
      %dma_start3A_328 = arith.constant 0 : i32
      %dma_start3A_329 = tpu.memref_slice %arg3[%arg0, %multiple_of3A_324, %dma_start3A_328] : memref<2x320000x128xf32, #tpu.memory_space<hbm>> -> memref<1x128x128xf32, #tpu.memory_space<hbm>>
      %dma_start3A_330 = tpu.memref_squeeze %dma_start3A_329 : memref<1x128x128xf32, #tpu.memory_space<hbm>> -> memref<128x128xf32, #tpu.memory_space<hbm>>
      tpu.enqueue_dma source(%dma_start3A_330 : memref<128x128xf32, #tpu.memory_space<hbm>>) target(%arg10 : memref<128x128xf32, #tpu.memory_space<vmem>>) target_semaphore(%arg12 : memref<!tpu.dma_semaphore, #tpu.memory_space<semaphore_mem>>)
    }
    %scan3A_156 = arith.constant 8 : i32
    %dma_start3A_157 = arith.constant 112 : i32
    %dma_start3A_158 = arith.constant 0 : i32
    %dma_start3A_159 = tpu.memref_slice %arg4[%arg0, %arg1, %dma_start3A_157, %dma_start3A_158] : memref<2x16x160x128xi32, #tpu.memory_space<hbm>> -> memref<1x1x16x128xi32, #tpu.memory_space<hbm>>
    %dma_start3A_160 = tpu.memref_squeeze %dma_start3A_159 : memref<1x1x16x128xi32, #tpu.memory_space<hbm>> -> memref<16x128xi32, #tpu.memory_space<hbm>>
    %dma_start3A_161 = arith.constant 112 : i32
    %dma_start3A_162 = arith.constant 0 : i32
    %dma_start3A_163 = tpu.memref_slice %arg4[%arg0, %arg1, %dma_start3A_161, %dma_start3A_162] : memref<2x16x160x128xi32, #tpu.memory_space<hbm>> -> memref<1x1x16x128xi32, #tpu.memory_space<hbm>>
    %dma_start3A_164 = tpu.memref_squeeze %dma_start3A_163 : memref<1x1x16x128xi32, #tpu.memory_space<hbm>> -> memref<16x128xi32, #tpu.memory_space<hbm>>
    tpu.enqueue_dma source(%dma_start3A_164 : memref<16x128xi32, #tpu.memory_space<hbm>>) target(%arg8 : memref<16x128xi32, #tpu.memory_space<vmem>>) target_semaphore(%arg14 : memref<!tpu.dma_semaphore, #tpu.memory_space<semaphore_mem>>)
    %dma_wait3A_165 = arith.constant 0 : i32
    %dma_wait3A_166 = arith.constant 0 : i32
    %dma_wait3A_167 = tpu.memref_slice %arg4[%arg0, %arg1, %dma_wait3A_165, %dma_wait3A_166] : memref<2x16x160x128xi32, #tpu.memory_space<hbm>> -> memref<1x1x16x128xi32, #tpu.memory_space<hbm>>
    %dma_wait3A_168 = tpu.memref_squeeze %dma_wait3A_167 : memref<1x1x16x128xi32, #tpu.memory_space<hbm>> -> memref<16x128xi32, #tpu.memory_space<hbm>>
    %dma_wait3A_169 = arith.constant 0 : i32
    %dma_wait3A_170 = arith.constant 0 : i32
    %dma_wait3A_171 = tpu.memref_slice %arg4[%arg0, %arg1, %dma_wait3A_169, %dma_wait3A_170] : memref<2x16x160x128xi32, #tpu.memory_space<hbm>> -> memref<1x1x16x128xi32, #tpu.memory_space<hbm>>
    %dma_wait3A_172 = tpu.memref_squeeze %dma_wait3A_171 : memref<1x1x16x128xi32, #tpu.memory_space<hbm>> -> memref<16x128xi32, #tpu.memory_space<hbm>>
    tpu.wait_dma2 semaphore(%arg13 : memref<!tpu.dma_semaphore, #tpu.memory_space<semaphore_mem>>) src(%dma_wait3A_172 : memref<16x128xi32, #tpu.memory_space<hbm>>) dst(%arg7 : memref<16x128xi32, #tpu.memory_space<vmem>>)
    %scan3A_173 = arith.constant 0 : i32
    %scan3A_174 = arith.constant 8 : i32
    %scan3A_175 = arith.addi %scan3A_173, %scan3A_174 : i32
    %scan3A_176 = arith.constant 1 : i32
    scf.for %scan3A_260 = %scan3A_173 to %scan3A_175 step %scan3A_176  : i32 {
      %mul3A_261 = arith.constant 2 : i32
      %mul3A_262 = arith.muli %scan3A_260, %mul3A_261 : i32
      %add3A_263 = arith.constant 0 : i32
      %add3A_264 = arith.addi %add3A_263, %mul3A_262 : i32
      %add3A_265 = arith.constant 96 : i32
      %add3A_266 = arith.addi %add3A_265, %add3A_264 : i32
      %add3A_267 = arith.constant 0 : i32
      %add3A_268 = arith.addi %add3A_266, %add3A_267 : i32
      %add3A_269 = arith.constant 0 : i32
      %add3A_270 = arith.addi %mul3A_2, %add3A_269 : i32
      %min3A_271 = arith.constant 2499 : i32
      %min3A_272 = arith.minsi %add3A_270, %min3A_271 : i32
      %mul3A_273 = arith.constant 128 : i32
      %mul3A_274 = arith.muli %min3A_272, %mul3A_273 : i32
      %multiple_of3A_275 = tpu.assume_multiple %mul3A_274, 128 : i32
      %dma_wait3A_276 = arith.constant 0 : i32
      %dma_wait3A_277 = tpu.memref_slice %arg3[%arg0, %multiple_of3A_275, %dma_wait3A_276] : memref<2x320000x128xf32, #tpu.memory_space<hbm>> -> memref<1x128x128xf32, #tpu.memory_space<hbm>>
      %dma_wait3A_278 = tpu.memref_squeeze %dma_wait3A_277 : memref<1x128x128xf32, #tpu.memory_space<hbm>> -> memref<128x128xf32, #tpu.memory_space<hbm>>
      %dma_wait3A_279 = arith.constant 0 : i32
      %dma_wait3A_280 = tpu.memref_slice %arg3[%arg0, %multiple_of3A_275, %dma_wait3A_279] : memref<2x320000x128xf32, #tpu.memory_space<hbm>> -> memref<1x128x128xf32, #tpu.memory_space<hbm>>
      %dma_wait3A_281 = tpu.memref_squeeze %dma_wait3A_280 : memref<1x128x128xf32, #tpu.memory_space<hbm>> -> memref<128x128xf32, #tpu.memory_space<hbm>>
      tpu.wait_dma2 semaphore(%arg11 : memref<!tpu.dma_semaphore, #tpu.memory_space<semaphore_mem>>) src(%dma_wait3A_281 : memref<128x128xf32, #tpu.memory_space<hbm>>) dst(%arg9 : memref<128x128xf32, #tpu.memory_space<vmem>>)
      %add3A_282 = arith.constant 0 : i32
      %add3A_283 = arith.addi %add3A_264, %add3A_282 : i32
      "tpu.region"() ({
        %run_scoped3A = tpu.sem_alloc : memref<!tpu.dma_semaphore, #tpu.memory_space<semaphore_mem>>
        %dma_start3A_331 = arith.constant 0 : i32
        %dma_start3A_332 = tpu.memref_slice %arg7[%add3A_283, %dma_start3A_331] : memref<16x128xi32, #tpu.memory_space<vmem>> -> memref<1x128xi32, #tpu.memory_space<vmem>>
        %dma_start3A_333 = tpu.memref_squeeze %dma_start3A_332 : memref<1x128xi32, #tpu.memory_space<vmem>> -> memref<128xi32, #tpu.memory_space<vmem>>
        %dma_start3A_334 = arith.constant 0 : i32
        %dma_start3A_335 = arith.constant 0 : i32
        %dma_start3A_336 = tpu.memref_slice %arg6[%dma_start3A_334, %dma_start3A_335] : memref<10240x128xf32, #tpu.memory_space<vmem_shared>> -> memref<10240x128xf32, #tpu.memory_space<vmem_shared>>
        tpu.enqueue_indirect_dma source(%arg9 : memref<128x128xf32, #tpu.memory_space<vmem>>) target(%dma_start3A_336 : memref<10240x128xf32, #tpu.memory_space<vmem_shared>>) offsets(%dma_start3A_333 : memref<128xi32, #tpu.memory_space<vmem>>) semaphore(%run_scoped3A : memref<!tpu.dma_semaphore, #tpu.memory_space<semaphore_mem>>) {add = true}
        %dma_wait3A_337 = arith.constant 0 : i32
        %dma_wait3A_338 = tpu.memref_slice %arg7[%add3A_283, %dma_wait3A_337] : memref<16x128xi32, #tpu.memory_space<vmem>> -> memref<1x128xi32, #tpu.memory_space<vmem>>
        %dma_wait3A_339 = tpu.memref_squeeze %dma_wait3A_338 : memref<1x128xi32, #tpu.memory_space<vmem>> -> memref<128xi32, #tpu.memory_space<vmem>>
        %dma_wait3A_340 = arith.constant 0 : i32
        %dma_wait3A_341 = arith.constant 0 : i32
        %dma_wait3A_342 = tpu.memref_slice %arg6[%dma_wait3A_340, %dma_wait3A_341] : memref<10240x128xf32, #tpu.memory_space<vmem_shared>> -> memref<10240x128xf32, #tpu.memory_space<vmem_shared>>
        tpu.wait_indirect_dma semaphore(%run_scoped3A : memref<!tpu.dma_semaphore, #tpu.memory_space<semaphore_mem>>) src(%arg9 : memref<128x128xf32, #tpu.memory_space<vmem>>) dst(%dma_wait3A_342 : memref<10240x128xf32, #tpu.memory_space<vmem_shared>>)
        tpu.yield
      }) : () -> ()
      %add3A_284 = arith.constant 2 : i32
      %add3A_285 = arith.addi %add3A_268, %add3A_284 : i32
      %add3A_286 = arith.addi %mul3A_2, %add3A_285 : i32
      %min3A_287 = arith.constant 2499 : i32
      %min3A_288 = arith.minsi %add3A_286, %min3A_287 : i32
      %mul3A_289 = arith.constant 128 : i32
      %mul3A_290 = arith.muli %min3A_288, %mul3A_289 : i32
      %multiple_of3A_291 = tpu.assume_multiple %mul3A_290, 128 : i32
      %dma_start3A_292 = arith.constant 0 : i32
      %dma_start3A_293 = tpu.memref_slice %arg3[%arg0, %multiple_of3A_291, %dma_start3A_292] : memref<2x320000x128xf32, #tpu.memory_space<hbm>> -> memref<1x128x128xf32, #tpu.memory_space<hbm>>
      %dma_start3A_294 = tpu.memref_squeeze %dma_start3A_293 : memref<1x128x128xf32, #tpu.memory_space<hbm>> -> memref<128x128xf32, #tpu.memory_space<hbm>>
      %dma_start3A_295 = arith.constant 0 : i32
      %dma_start3A_296 = tpu.memref_slice %arg3[%arg0, %multiple_of3A_291, %dma_start3A_295] : memref<2x320000x128xf32, #tpu.memory_space<hbm>> -> memref<1x128x128xf32, #tpu.memory_space<hbm>>
      %dma_start3A_297 = tpu.memref_squeeze %dma_start3A_296 : memref<1x128x128xf32, #tpu.memory_space<hbm>> -> memref<128x128xf32, #tpu.memory_space<hbm>>
      tpu.enqueue_dma source(%dma_start3A_297 : memref<128x128xf32, #tpu.memory_space<hbm>>) target(%arg9 : memref<128x128xf32, #tpu.memory_space<vmem>>) target_semaphore(%arg11 : memref<!tpu.dma_semaphore, #tpu.memory_space<semaphore_mem>>)
      %add3A_298 = arith.constant 96 : i32
      %add3A_299 = arith.addi %add3A_298, %add3A_264 : i32
      %add3A_300 = arith.constant 1 : i32
      %add3A_301 = arith.addi %add3A_299, %add3A_300 : i32
      %add3A_302 = arith.constant 0 : i32
      %add3A_303 = arith.addi %mul3A_2, %add3A_302 : i32
      %min3A_304 = arith.constant 2499 : i32
      %min3A_305 = arith.minsi %add3A_303, %min3A_304 : i32
      %mul3A_306 = arith.constant 128 : i32
      %mul3A_307 = arith.muli %min3A_305, %mul3A_306 : i32
      %multiple_of3A_308 = tpu.assume_multiple %mul3A_307, 128 : i32
      %dma_wait3A_309 = arith.constant 0 : i32
      %dma_wait3A_310 = tpu.memref_slice %arg3[%arg0, %multiple_of3A_308, %dma_wait3A_309] : memref<2x320000x128xf32, #tpu.memory_space<hbm>> -> memref<1x128x128xf32, #tpu.memory_space<hbm>>
      %dma_wait3A_311 = tpu.memref_squeeze %dma_wait3A_310 : memref<1x128x128xf32, #tpu.memory_space<hbm>> -> memref<128x128xf32, #tpu.memory_space<hbm>>
      %dma_wait3A_312 = arith.constant 0 : i32
      %dma_wait3A_313 = tpu.memref_slice %arg3[%arg0, %multiple_of3A_308, %dma_wait3A_312] : memref<2x320000x128xf32, #tpu.memory_space<hbm>> -> memref<1x128x128xf32, #tpu.memory_space<hbm>>
      %dma_wait3A_314 = tpu.memref_squeeze %dma_wait3A_313 : memref<1x128x128xf32, #tpu.memory_space<hbm>> -> memref<128x128xf32, #tpu.memory_space<hbm>>
      tpu.wait_dma2 semaphore(%arg12 : memref<!tpu.dma_semaphore, #tpu.memory_space<semaphore_mem>>) src(%dma_wait3A_314 : memref<128x128xf32, #tpu.memory_space<hbm>>) dst(%arg10 : memref<128x128xf32, #tpu.memory_space<vmem>>)
      %add3A_315 = arith.constant 1 : i32
      %add3A_316 = arith.addi %add3A_264, %add3A_315 : i32
      "tpu.region"() ({
        %run_scoped3A = tpu.sem_alloc : memref<!tpu.dma_semaphore, #tpu.memory_space<semaphore_mem>>
        %dma_start3A_331 = arith.constant 0 : i32
        %dma_start3A_332 = tpu.memref_slice %arg7[%add3A_316, %dma_start3A_331] : memref<16x128xi32, #tpu.memory_space<vmem>> -> memref<1x128xi32, #tpu.memory_space<vmem>>
        %dma_start3A_333 = tpu.memref_squeeze %dma_start3A_332 : memref<1x128xi32, #tpu.memory_space<vmem>> -> memref<128xi32, #tpu.memory_space<vmem>>
        %dma_start3A_334 = arith.constant 0 : i32
        %dma_start3A_335 = arith.constant 0 : i32
        %dma_start3A_336 = tpu.memref_slice %arg6[%dma_start3A_334, %dma_start3A_335] : memref<10240x128xf32, #tpu.memory_space<vmem_shared>> -> memref<10240x128xf32, #tpu.memory_space<vmem_shared>>
        tpu.enqueue_indirect_dma source(%arg10 : memref<128x128xf32, #tpu.memory_space<vmem>>) target(%dma_start3A_336 : memref<10240x128xf32, #tpu.memory_space<vmem_shared>>) offsets(%dma_start3A_333 : memref<128xi32, #tpu.memory_space<vmem>>) semaphore(%run_scoped3A : memref<!tpu.dma_semaphore, #tpu.memory_space<semaphore_mem>>) {add = true}
        %dma_wait3A_337 = arith.constant 0 : i32
        %dma_wait3A_338 = tpu.memref_slice %arg7[%add3A_316, %dma_wait3A_337] : memref<16x128xi32, #tpu.memory_space<vmem>> -> memref<1x128xi32, #tpu.memory_space<vmem>>
        %dma_wait3A_339 = tpu.memref_squeeze %dma_wait3A_338 : memref<1x128xi32, #tpu.memory_space<vmem>> -> memref<128xi32, #tpu.memory_space<vmem>>
        %dma_wait3A_340 = arith.constant 0 : i32
        %dma_wait3A_341 = arith.constant 0 : i32
        %dma_wait3A_342 = tpu.memref_slice %arg6[%dma_wait3A_340, %dma_wait3A_341] : memref<10240x128xf32, #tpu.memory_space<vmem_shared>> -> memref<10240x128xf32, #tpu.memory_space<vmem_shared>>
        tpu.wait_indirect_dma semaphore(%run_scoped3A : memref<!tpu.dma_semaphore, #tpu.memory_space<semaphore_mem>>) src(%arg10 : memref<128x128xf32, #tpu.memory_space<vmem>>) dst(%dma_wait3A_342 : memref<10240x128xf32, #tpu.memory_space<vmem_shared>>)
        tpu.yield
      }) : () -> ()
      %add3A_317 = arith.constant 2 : i32
      %add3A_318 = arith.addi %add3A_301, %add3A_317 : i32
      %add3A_319 = arith.addi %mul3A_2, %add3A_318 : i32
      %min3A_320 = arith.constant 2499 : i32
      %min3A_321 = arith.minsi %add3A_319, %min3A_320 : i32
      %mul3A_322 = arith.constant 128 : i32
      %mul3A_323 = arith.muli %min3A_321, %mul3A_322 : i32
      %multiple_of3A_324 = tpu.assume_multiple %mul3A_323, 128 : i32
      %dma_start3A_325 = arith.constant 0 : i32
      %dma_start3A_326 = tpu.memref_slice %arg3[%arg0, %multiple_of3A_324, %dma_start3A_325] : memref<2x320000x128xf32, #tpu.memory_space<hbm>> -> memref<1x128x128xf32, #tpu.memory_space<hbm>>
      %dma_start3A_327 = tpu.memref_squeeze %dma_start3A_326 : memref<1x128x128xf32, #tpu.memory_space<hbm>> -> memref<128x128xf32, #tpu.memory_space<hbm>>
      %dma_start3A_328 = arith.constant 0 : i32
      %dma_start3A_329 = tpu.memref_slice %arg3[%arg0, %multiple_of3A_324, %dma_start3A_328] : memref<2x320000x128xf32, #tpu.memory_space<hbm>> -> memref<1x128x128xf32, #tpu.memory_space<hbm>>
      %dma_start3A_330 = tpu.memref_squeeze %dma_start3A_329 : memref<1x128x128xf32, #tpu.memory_space<hbm>> -> memref<128x128xf32, #tpu.memory_space<hbm>>
      tpu.enqueue_dma source(%dma_start3A_330 : memref<128x128xf32, #tpu.memory_space<hbm>>) target(%arg10 : memref<128x128xf32, #tpu.memory_space<vmem>>) target_semaphore(%arg12 : memref<!tpu.dma_semaphore, #tpu.memory_space<semaphore_mem>>)
    }
    %scan3A_177 = arith.constant 8 : i32
    %dma_start3A_178 = arith.constant 128 : i32
    %dma_start3A_179 = arith.constant 0 : i32
    %dma_start3A_180 = tpu.memref_slice %arg4[%arg0, %arg1, %dma_start3A_178, %dma_start3A_179] : memref<2x16x160x128xi32, #tpu.memory_space<hbm>> -> memref<1x1x16x128xi32, #tpu.memory_space<hbm>>
    %dma_start3A_181 = tpu.memref_squeeze %dma_start3A_180 : memref<1x1x16x128xi32, #tpu.memory_space<hbm>> -> memref<16x128xi32, #tpu.memory_space<hbm>>
    %dma_start3A_182 = arith.constant 128 : i32
    %dma_start3A_183 = arith.constant 0 : i32
    %dma_start3A_184 = tpu.memref_slice %arg4[%arg0, %arg1, %dma_start3A_182, %dma_start3A_183] : memref<2x16x160x128xi32, #tpu.memory_space<hbm>> -> memref<1x1x16x128xi32, #tpu.memory_space<hbm>>
    %dma_start3A_185 = tpu.memref_squeeze %dma_start3A_184 : memref<1x1x16x128xi32, #tpu.memory_space<hbm>> -> memref<16x128xi32, #tpu.memory_space<hbm>>
    tpu.enqueue_dma source(%dma_start3A_185 : memref<16x128xi32, #tpu.memory_space<hbm>>) target(%arg7 : memref<16x128xi32, #tpu.memory_space<vmem>>) target_semaphore(%arg13 : memref<!tpu.dma_semaphore, #tpu.memory_space<semaphore_mem>>)
    %dma_wait3A_186 = arith.constant 0 : i32
    %dma_wait3A_187 = arith.constant 0 : i32
    %dma_wait3A_188 = tpu.memref_slice %arg4[%arg0, %arg1, %dma_wait3A_186, %dma_wait3A_187] : memref<2x16x160x128xi32, #tpu.memory_space<hbm>> -> memref<1x1x16x128xi32, #tpu.memory_space<hbm>>
    %dma_wait3A_189 = tpu.memref_squeeze %dma_wait3A_188 : memref<1x1x16x128xi32, #tpu.memory_space<hbm>> -> memref<16x128xi32, #tpu.memory_space<hbm>>
    %dma_wait3A_190 = arith.constant 0 : i32
    %dma_wait3A_191 = arith.constant 0 : i32
    %dma_wait3A_192 = tpu.memref_slice %arg4[%arg0, %arg1, %dma_wait3A_190, %dma_wait3A_191] : memref<2x16x160x128xi32, #tpu.memory_space<hbm>> -> memref<1x1x16x128xi32, #tpu.memory_space<hbm>>
    %dma_wait3A_193 = tpu.memref_squeeze %dma_wait3A_192 : memref<1x1x16x128xi32, #tpu.memory_space<hbm>> -> memref<16x128xi32, #tpu.memory_space<hbm>>
    tpu.wait_dma2 semaphore(%arg14 : memref<!tpu.dma_semaphore, #tpu.memory_space<semaphore_mem>>) src(%dma_wait3A_193 : memref<16x128xi32, #tpu.memory_space<hbm>>) dst(%arg8 : memref<16x128xi32, #tpu.memory_space<vmem>>)
    %scan3A_194 = arith.constant 0 : i32
    %scan3A_195 = arith.constant 8 : i32
    %scan3A_196 = arith.addi %scan3A_194, %scan3A_195 : i32
    %scan3A_197 = arith.constant 1 : i32
    scf.for %scan3A_260 = %scan3A_194 to %scan3A_196 step %scan3A_197  : i32 {
      %mul3A_261 = arith.constant 2 : i32
      %mul3A_262 = arith.muli %scan3A_260, %mul3A_261 : i32
      %add3A_263 = arith.constant 0 : i32
      %add3A_264 = arith.addi %add3A_263, %mul3A_262 : i32
      %add3A_265 = arith.constant 112 : i32
      %add3A_266 = arith.addi %add3A_265, %add3A_264 : i32
      %add3A_267 = arith.constant 0 : i32
      %add3A_268 = arith.addi %add3A_266, %add3A_267 : i32
      %add3A_269 = arith.constant 0 : i32
      %add3A_270 = arith.addi %mul3A_2, %add3A_269 : i32
      %min3A_271 = arith.constant 2499 : i32
      %min3A_272 = arith.minsi %add3A_270, %min3A_271 : i32
      %mul3A_273 = arith.constant 128 : i32
      %mul3A_274 = arith.muli %min3A_272, %mul3A_273 : i32
      %multiple_of3A_275 = tpu.assume_multiple %mul3A_274, 128 : i32
      %dma_wait3A_276 = arith.constant 0 : i32
      %dma_wait3A_277 = tpu.memref_slice %arg3[%arg0, %multiple_of3A_275, %dma_wait3A_276] : memref<2x320000x128xf32, #tpu.memory_space<hbm>> -> memref<1x128x128xf32, #tpu.memory_space<hbm>>
      %dma_wait3A_278 = tpu.memref_squeeze %dma_wait3A_277 : memref<1x128x128xf32, #tpu.memory_space<hbm>> -> memref<128x128xf32, #tpu.memory_space<hbm>>
      %dma_wait3A_279 = arith.constant 0 : i32
      %dma_wait3A_280 = tpu.memref_slice %arg3[%arg0, %multiple_of3A_275, %dma_wait3A_279] : memref<2x320000x128xf32, #tpu.memory_space<hbm>> -> memref<1x128x128xf32, #tpu.memory_space<hbm>>
      %dma_wait3A_281 = tpu.memref_squeeze %dma_wait3A_280 : memref<1x128x128xf32, #tpu.memory_space<hbm>> -> memref<128x128xf32, #tpu.memory_space<hbm>>
      tpu.wait_dma2 semaphore(%arg11 : memref<!tpu.dma_semaphore, #tpu.memory_space<semaphore_mem>>) src(%dma_wait3A_281 : memref<128x128xf32, #tpu.memory_space<hbm>>) dst(%arg9 : memref<128x128xf32, #tpu.memory_space<vmem>>)
      %add3A_282 = arith.constant 0 : i32
      %add3A_283 = arith.addi %add3A_264, %add3A_282 : i32
      "tpu.region"() ({
        %run_scoped3A = tpu.sem_alloc : memref<!tpu.dma_semaphore, #tpu.memory_space<semaphore_mem>>
        %dma_start3A_331 = arith.constant 0 : i32
        %dma_start3A_332 = tpu.memref_slice %arg8[%add3A_283, %dma_start3A_331] : memref<16x128xi32, #tpu.memory_space<vmem>> -> memref<1x128xi32, #tpu.memory_space<vmem>>
        %dma_start3A_333 = tpu.memref_squeeze %dma_start3A_332 : memref<1x128xi32, #tpu.memory_space<vmem>> -> memref<128xi32, #tpu.memory_space<vmem>>
        %dma_start3A_334 = arith.constant 0 : i32
        %dma_start3A_335 = arith.constant 0 : i32
        %dma_start3A_336 = tpu.memref_slice %arg6[%dma_start3A_334, %dma_start3A_335] : memref<10240x128xf32, #tpu.memory_space<vmem_shared>> -> memref<10240x128xf32, #tpu.memory_space<vmem_shared>>
        tpu.enqueue_indirect_dma source(%arg9 : memref<128x128xf32, #tpu.memory_space<vmem>>) target(%dma_start3A_336 : memref<10240x128xf32, #tpu.memory_space<vmem_shared>>) offsets(%dma_start3A_333 : memref<128xi32, #tpu.memory_space<vmem>>) semaphore(%run_scoped3A : memref<!tpu.dma_semaphore, #tpu.memory_space<semaphore_mem>>) {add = true}
        %dma_wait3A_337 = arith.constant 0 : i32
        %dma_wait3A_338 = tpu.memref_slice %arg8[%add3A_283, %dma_wait3A_337] : memref<16x128xi32, #tpu.memory_space<vmem>> -> memref<1x128xi32, #tpu.memory_space<vmem>>
        %dma_wait3A_339 = tpu.memref_squeeze %dma_wait3A_338 : memref<1x128xi32, #tpu.memory_space<vmem>> -> memref<128xi32, #tpu.memory_space<vmem>>
        %dma_wait3A_340 = arith.constant 0 : i32
        %dma_wait3A_341 = arith.constant 0 : i32
        %dma_wait3A_342 = tpu.memref_slice %arg6[%dma_wait3A_340, %dma_wait3A_341] : memref<10240x128xf32, #tpu.memory_space<vmem_shared>> -> memref<10240x128xf32, #tpu.memory_space<vmem_shared>>
        tpu.wait_indirect_dma semaphore(%run_scoped3A : memref<!tpu.dma_semaphore, #tpu.memory_space<semaphore_mem>>) src(%arg9 : memref<128x128xf32, #tpu.memory_space<vmem>>) dst(%dma_wait3A_342 : memref<10240x128xf32, #tpu.memory_space<vmem_shared>>)
        tpu.yield
      }) : () -> ()
      %add3A_284 = arith.constant 2 : i32
      %add3A_285 = arith.addi %add3A_268, %add3A_284 : i32
      %add3A_286 = arith.addi %mul3A_2, %add3A_285 : i32
      %min3A_287 = arith.constant 2499 : i32
      %min3A_288 = arith.minsi %add3A_286, %min3A_287 : i32
      %mul3A_289 = arith.constant 128 : i32
      %mul3A_290 = arith.muli %min3A_288, %mul3A_289 : i32
      %multiple_of3A_291 = tpu.assume_multiple %mul3A_290, 128 : i32
      %dma_start3A_292 = arith.constant 0 : i32
      %dma_start3A_293 = tpu.memref_slice %arg3[%arg0, %multiple_of3A_291, %dma_start3A_292] : memref<2x320000x128xf32, #tpu.memory_space<hbm>> -> memref<1x128x128xf32, #tpu.memory_space<hbm>>
      %dma_start3A_294 = tpu.memref_squeeze %dma_start3A_293 : memref<1x128x128xf32, #tpu.memory_space<hbm>> -> memref<128x128xf32, #tpu.memory_space<hbm>>
      %dma_start3A_295 = arith.constant 0 : i32
      %dma_start3A_296 = tpu.memref_slice %arg3[%arg0, %multiple_of3A_291, %dma_start3A_295] : memref<2x320000x128xf32, #tpu.memory_space<hbm>> -> memref<1x128x128xf32, #tpu.memory_space<hbm>>
      %dma_start3A_297 = tpu.memref_squeeze %dma_start3A_296 : memref<1x128x128xf32, #tpu.memory_space<hbm>> -> memref<128x128xf32, #tpu.memory_space<hbm>>
      tpu.enqueue_dma source(%dma_start3A_297 : memref<128x128xf32, #tpu.memory_space<hbm>>) target(%arg9 : memref<128x128xf32, #tpu.memory_space<vmem>>) target_semaphore(%arg11 : memref<!tpu.dma_semaphore, #tpu.memory_space<semaphore_mem>>)
      %add3A_298 = arith.constant 112 : i32
      %add3A_299 = arith.addi %add3A_298, %add3A_264 : i32
      %add3A_300 = arith.constant 1 : i32
      %add3A_301 = arith.addi %add3A_299, %add3A_300 : i32
      %add3A_302 = arith.constant 0 : i32
      %add3A_303 = arith.addi %mul3A_2, %add3A_302 : i32
      %min3A_304 = arith.constant 2499 : i32
      %min3A_305 = arith.minsi %add3A_303, %min3A_304 : i32
      %mul3A_306 = arith.constant 128 : i32
      %mul3A_307 = arith.muli %min3A_305, %mul3A_306 : i32
      %multiple_of3A_308 = tpu.assume_multiple %mul3A_307, 128 : i32
      %dma_wait3A_309 = arith.constant 0 : i32
      %dma_wait3A_310 = tpu.memref_slice %arg3[%arg0, %multiple_of3A_308, %dma_wait3A_309] : memref<2x320000x128xf32, #tpu.memory_space<hbm>> -> memref<1x128x128xf32, #tpu.memory_space<hbm>>
      %dma_wait3A_311 = tpu.memref_squeeze %dma_wait3A_310 : memref<1x128x128xf32, #tpu.memory_space<hbm>> -> memref<128x128xf32, #tpu.memory_space<hbm>>
      %dma_wait3A_312 = arith.constant 0 : i32
      %dma_wait3A_313 = tpu.memref_slice %arg3[%arg0, %multiple_of3A_308, %dma_wait3A_312] : memref<2x320000x128xf32, #tpu.memory_space<hbm>> -> memref<1x128x128xf32, #tpu.memory_space<hbm>>
      %dma_wait3A_314 = tpu.memref_squeeze %dma_wait3A_313 : memref<1x128x128xf32, #tpu.memory_space<hbm>> -> memref<128x128xf32, #tpu.memory_space<hbm>>
      tpu.wait_dma2 semaphore(%arg12 : memref<!tpu.dma_semaphore, #tpu.memory_space<semaphore_mem>>) src(%dma_wait3A_314 : memref<128x128xf32, #tpu.memory_space<hbm>>) dst(%arg10 : memref<128x128xf32, #tpu.memory_space<vmem>>)
      %add3A_315 = arith.constant 1 : i32
      %add3A_316 = arith.addi %add3A_264, %add3A_315 : i32
      "tpu.region"() ({
        %run_scoped3A = tpu.sem_alloc : memref<!tpu.dma_semaphore, #tpu.memory_space<semaphore_mem>>
        %dma_start3A_331 = arith.constant 0 : i32
        %dma_start3A_332 = tpu.memref_slice %arg8[%add3A_316, %dma_start3A_331] : memref<16x128xi32, #tpu.memory_space<vmem>> -> memref<1x128xi32, #tpu.memory_space<vmem>>
        %dma_start3A_333 = tpu.memref_squeeze %dma_start3A_332 : memref<1x128xi32, #tpu.memory_space<vmem>> -> memref<128xi32, #tpu.memory_space<vmem>>
        %dma_start3A_334 = arith.constant 0 : i32
        %dma_start3A_335 = arith.constant 0 : i32
        %dma_start3A_336 = tpu.memref_slice %arg6[%dma_start3A_334, %dma_start3A_335] : memref<10240x128xf32, #tpu.memory_space<vmem_shared>> -> memref<10240x128xf32, #tpu.memory_space<vmem_shared>>
        tpu.enqueue_indirect_dma source(%arg10 : memref<128x128xf32, #tpu.memory_space<vmem>>) target(%dma_start3A_336 : memref<10240x128xf32, #tpu.memory_space<vmem_shared>>) offsets(%dma_start3A_333 : memref<128xi32, #tpu.memory_space<vmem>>) semaphore(%run_scoped3A : memref<!tpu.dma_semaphore, #tpu.memory_space<semaphore_mem>>) {add = true}
        %dma_wait3A_337 = arith.constant 0 : i32
        %dma_wait3A_338 = tpu.memref_slice %arg8[%add3A_316, %dma_wait3A_337] : memref<16x128xi32, #tpu.memory_space<vmem>> -> memref<1x128xi32, #tpu.memory_space<vmem>>
        %dma_wait3A_339 = tpu.memref_squeeze %dma_wait3A_338 : memref<1x128xi32, #tpu.memory_space<vmem>> -> memref<128xi32, #tpu.memory_space<vmem>>
        %dma_wait3A_340 = arith.constant 0 : i32
        %dma_wait3A_341 = arith.constant 0 : i32
        %dma_wait3A_342 = tpu.memref_slice %arg6[%dma_wait3A_340, %dma_wait3A_341] : memref<10240x128xf32, #tpu.memory_space<vmem_shared>> -> memref<10240x128xf32, #tpu.memory_space<vmem_shared>>
        tpu.wait_indirect_dma semaphore(%run_scoped3A : memref<!tpu.dma_semaphore, #tpu.memory_space<semaphore_mem>>) src(%arg10 : memref<128x128xf32, #tpu.memory_space<vmem>>) dst(%dma_wait3A_342 : memref<10240x128xf32, #tpu.memory_space<vmem_shared>>)
        tpu.yield
      }) : () -> ()
      %add3A_317 = arith.constant 2 : i32
      %add3A_318 = arith.addi %add3A_301, %add3A_317 : i32
      %add3A_319 = arith.addi %mul3A_2, %add3A_318 : i32
      %min3A_320 = arith.constant 2499 : i32
      %min3A_321 = arith.minsi %add3A_319, %min3A_320 : i32
      %mul3A_322 = arith.constant 128 : i32
      %mul3A_323 = arith.muli %min3A_321, %mul3A_322 : i32
      %multiple_of3A_324 = tpu.assume_multiple %mul3A_323, 128 : i32
      %dma_start3A_325 = arith.constant 0 : i32
      %dma_start3A_326 = tpu.memref_slice %arg3[%arg0, %multiple_of3A_324, %dma_start3A_325] : memref<2x320000x128xf32, #tpu.memory_space<hbm>> -> memref<1x128x128xf32, #tpu.memory_space<hbm>>
      %dma_start3A_327 = tpu.memref_squeeze %dma_start3A_326 : memref<1x128x128xf32, #tpu.memory_space<hbm>> -> memref<128x128xf32, #tpu.memory_space<hbm>>
      %dma_start3A_328 = arith.constant 0 : i32
      %dma_start3A_329 = tpu.memref_slice %arg3[%arg0, %multiple_of3A_324, %dma_start3A_328] : memref<2x320000x128xf32, #tpu.memory_space<hbm>> -> memref<1x128x128xf32, #tpu.memory_space<hbm>>
      %dma_start3A_330 = tpu.memref_squeeze %dma_start3A_329 : memref<1x128x128xf32, #tpu.memory_space<hbm>> -> memref<128x128xf32, #tpu.memory_space<hbm>>
      tpu.enqueue_dma source(%dma_start3A_330 : memref<128x128xf32, #tpu.memory_space<hbm>>) target(%arg10 : memref<128x128xf32, #tpu.memory_space<vmem>>) target_semaphore(%arg12 : memref<!tpu.dma_semaphore, #tpu.memory_space<semaphore_mem>>)
    }
    %scan3A_198 = arith.constant 8 : i32
    %dma_start3A_199 = arith.constant 144 : i32
    %dma_start3A_200 = arith.constant 0 : i32
    %dma_start3A_201 = tpu.memref_slice %arg4[%arg0, %arg1, %dma_start3A_199, %dma_start3A_200] : memref<2x16x160x128xi32, #tpu.memory_space<hbm>> -> memref<1x1x16x128xi32, #tpu.memory_space<hbm>>
    %dma_start3A_202 = tpu.memref_squeeze %dma_start3A_201 : memref<1x1x16x128xi32, #tpu.memory_space<hbm>> -> memref<16x128xi32, #tpu.memory_space<hbm>>
    %dma_start3A_203 = arith.constant 144 : i32
    %dma_start3A_204 = arith.constant 0 : i32
    %dma_start3A_205 = tpu.memref_slice %arg4[%arg0, %arg1, %dma_start3A_203, %dma_start3A_204] : memref<2x16x160x128xi32, #tpu.memory_space<hbm>> -> memref<1x1x16x128xi32, #tpu.memory_space<hbm>>
    %dma_start3A_206 = tpu.memref_squeeze %dma_start3A_205 : memref<1x1x16x128xi32, #tpu.memory_space<hbm>> -> memref<16x128xi32, #tpu.memory_space<hbm>>
    tpu.enqueue_dma source(%dma_start3A_206 : memref<16x128xi32, #tpu.memory_space<hbm>>) target(%arg8 : memref<16x128xi32, #tpu.memory_space<vmem>>) target_semaphore(%arg14 : memref<!tpu.dma_semaphore, #tpu.memory_space<semaphore_mem>>)
    %dma_wait3A_207 = arith.constant 0 : i32
    %dma_wait3A_208 = arith.constant 0 : i32
    %dma_wait3A_209 = tpu.memref_slice %arg4[%arg0, %arg1, %dma_wait3A_207, %dma_wait3A_208] : memref<2x16x160x128xi32, #tpu.memory_space<hbm>> -> memref<1x1x16x128xi32, #tpu.memory_space<hbm>>
    %dma_wait3A_210 = tpu.memref_squeeze %dma_wait3A_209 : memref<1x1x16x128xi32, #tpu.memory_space<hbm>> -> memref<16x128xi32, #tpu.memory_space<hbm>>
    %dma_wait3A_211 = arith.constant 0 : i32
    %dma_wait3A_212 = arith.constant 0 : i32
    %dma_wait3A_213 = tpu.memref_slice %arg4[%arg0, %arg1, %dma_wait3A_211, %dma_wait3A_212] : memref<2x16x160x128xi32, #tpu.memory_space<hbm>> -> memref<1x1x16x128xi32, #tpu.memory_space<hbm>>
    %dma_wait3A_214 = tpu.memref_squeeze %dma_wait3A_213 : memref<1x1x16x128xi32, #tpu.memory_space<hbm>> -> memref<16x128xi32, #tpu.memory_space<hbm>>
    tpu.wait_dma2 semaphore(%arg13 : memref<!tpu.dma_semaphore, #tpu.memory_space<semaphore_mem>>) src(%dma_wait3A_214 : memref<16x128xi32, #tpu.memory_space<hbm>>) dst(%arg7 : memref<16x128xi32, #tpu.memory_space<vmem>>)
    %scan3A_215 = arith.constant 0 : i32
    %scan3A_216 = arith.constant 8 : i32
    %scan3A_217 = arith.addi %scan3A_215, %scan3A_216 : i32
    %scan3A_218 = arith.constant 1 : i32
    scf.for %scan3A_260 = %scan3A_215 to %scan3A_217 step %scan3A_218  : i32 {
      %mul3A_261 = arith.constant 2 : i32
      %mul3A_262 = arith.muli %scan3A_260, %mul3A_261 : i32
      %add3A_263 = arith.constant 0 : i32
      %add3A_264 = arith.addi %add3A_263, %mul3A_262 : i32
      %add3A_265 = arith.constant 128 : i32
      %add3A_266 = arith.addi %add3A_265, %add3A_264 : i32
      %add3A_267 = arith.constant 0 : i32
      %add3A_268 = arith.addi %add3A_266, %add3A_267 : i32
      %add3A_269 = arith.constant 0 : i32
      %add3A_270 = arith.addi %mul3A_2, %add3A_269 : i32
      %min3A_271 = arith.constant 2499 : i32
      %min3A_272 = arith.minsi %add3A_270, %min3A_271 : i32
      %mul3A_273 = arith.constant 128 : i32
      %mul3A_274 = arith.muli %min3A_272, %mul3A_273 : i32
      %multiple_of3A_275 = tpu.assume_multiple %mul3A_274, 128 : i32
      %dma_wait3A_276 = arith.constant 0 : i32
      %dma_wait3A_277 = tpu.memref_slice %arg3[%arg0, %multiple_of3A_275, %dma_wait3A_276] : memref<2x320000x128xf32, #tpu.memory_space<hbm>> -> memref<1x128x128xf32, #tpu.memory_space<hbm>>
      %dma_wait3A_278 = tpu.memref_squeeze %dma_wait3A_277 : memref<1x128x128xf32, #tpu.memory_space<hbm>> -> memref<128x128xf32, #tpu.memory_space<hbm>>
      %dma_wait3A_279 = arith.constant 0 : i32
      %dma_wait3A_280 = tpu.memref_slice %arg3[%arg0, %multiple_of3A_275, %dma_wait3A_279] : memref<2x320000x128xf32, #tpu.memory_space<hbm>> -> memref<1x128x128xf32, #tpu.memory_space<hbm>>
      %dma_wait3A_281 = tpu.memref_squeeze %dma_wait3A_280 : memref<1x128x128xf32, #tpu.memory_space<hbm>> -> memref<128x128xf32, #tpu.memory_space<hbm>>
      tpu.wait_dma2 semaphore(%arg11 : memref<!tpu.dma_semaphore, #tpu.memory_space<semaphore_mem>>) src(%dma_wait3A_281 : memref<128x128xf32, #tpu.memory_space<hbm>>) dst(%arg9 : memref<128x128xf32, #tpu.memory_space<vmem>>)
      %add3A_282 = arith.constant 0 : i32
      %add3A_283 = arith.addi %add3A_264, %add3A_282 : i32
      "tpu.region"() ({
        %run_scoped3A = tpu.sem_alloc : memref<!tpu.dma_semaphore, #tpu.memory_space<semaphore_mem>>
        %dma_start3A_331 = arith.constant 0 : i32
        %dma_start3A_332 = tpu.memref_slice %arg7[%add3A_283, %dma_start3A_331] : memref<16x128xi32, #tpu.memory_space<vmem>> -> memref<1x128xi32, #tpu.memory_space<vmem>>
        %dma_start3A_333 = tpu.memref_squeeze %dma_start3A_332 : memref<1x128xi32, #tpu.memory_space<vmem>> -> memref<128xi32, #tpu.memory_space<vmem>>
        %dma_start3A_334 = arith.constant 0 : i32
        %dma_start3A_335 = arith.constant 0 : i32
        %dma_start3A_336 = tpu.memref_slice %arg6[%dma_start3A_334, %dma_start3A_335] : memref<10240x128xf32, #tpu.memory_space<vmem_shared>> -> memref<10240x128xf32, #tpu.memory_space<vmem_shared>>
        tpu.enqueue_indirect_dma source(%arg9 : memref<128x128xf32, #tpu.memory_space<vmem>>) target(%dma_start3A_336 : memref<10240x128xf32, #tpu.memory_space<vmem_shared>>) offsets(%dma_start3A_333 : memref<128xi32, #tpu.memory_space<vmem>>) semaphore(%run_scoped3A : memref<!tpu.dma_semaphore, #tpu.memory_space<semaphore_mem>>) {add = true}
        %dma_wait3A_337 = arith.constant 0 : i32
        %dma_wait3A_338 = tpu.memref_slice %arg7[%add3A_283, %dma_wait3A_337] : memref<16x128xi32, #tpu.memory_space<vmem>> -> memref<1x128xi32, #tpu.memory_space<vmem>>
        %dma_wait3A_339 = tpu.memref_squeeze %dma_wait3A_338 : memref<1x128xi32, #tpu.memory_space<vmem>> -> memref<128xi32, #tpu.memory_space<vmem>>
        %dma_wait3A_340 = arith.constant 0 : i32
        %dma_wait3A_341 = arith.constant 0 : i32
        %dma_wait3A_342 = tpu.memref_slice %arg6[%dma_wait3A_340, %dma_wait3A_341] : memref<10240x128xf32, #tpu.memory_space<vmem_shared>> -> memref<10240x128xf32, #tpu.memory_space<vmem_shared>>
        tpu.wait_indirect_dma semaphore(%run_scoped3A : memref<!tpu.dma_semaphore, #tpu.memory_space<semaphore_mem>>) src(%arg9 : memref<128x128xf32, #tpu.memory_space<vmem>>) dst(%dma_wait3A_342 : memref<10240x128xf32, #tpu.memory_space<vmem_shared>>)
        tpu.yield
      }) : () -> ()
      %add3A_284 = arith.constant 2 : i32
      %add3A_285 = arith.addi %add3A_268, %add3A_284 : i32
      %add3A_286 = arith.addi %mul3A_2, %add3A_285 : i32
      %min3A_287 = arith.constant 2499 : i32
      %min3A_288 = arith.minsi %add3A_286, %min3A_287 : i32
      %mul3A_289 = arith.constant 128 : i32
      %mul3A_290 = arith.muli %min3A_288, %mul3A_289 : i32
      %multiple_of3A_291 = tpu.assume_multiple %mul3A_290, 128 : i32
      %dma_start3A_292 = arith.constant 0 : i32
      %dma_start3A_293 = tpu.memref_slice %arg3[%arg0, %multiple_of3A_291, %dma_start3A_292] : memref<2x320000x128xf32, #tpu.memory_space<hbm>> -> memref<1x128x128xf32, #tpu.memory_space<hbm>>
      %dma_start3A_294 = tpu.memref_squeeze %dma_start3A_293 : memref<1x128x128xf32, #tpu.memory_space<hbm>> -> memref<128x128xf32, #tpu.memory_space<hbm>>
      %dma_start3A_295 = arith.constant 0 : i32
      %dma_start3A_296 = tpu.memref_slice %arg3[%arg0, %multiple_of3A_291, %dma_start3A_295] : memref<2x320000x128xf32, #tpu.memory_space<hbm>> -> memref<1x128x128xf32, #tpu.memory_space<hbm>>
      %dma_start3A_297 = tpu.memref_squeeze %dma_start3A_296 : memref<1x128x128xf32, #tpu.memory_space<hbm>> -> memref<128x128xf32, #tpu.memory_space<hbm>>
      tpu.enqueue_dma source(%dma_start3A_297 : memref<128x128xf32, #tpu.memory_space<hbm>>) target(%arg9 : memref<128x128xf32, #tpu.memory_space<vmem>>) target_semaphore(%arg11 : memref<!tpu.dma_semaphore, #tpu.memory_space<semaphore_mem>>)
      %add3A_298 = arith.constant 128 : i32
      %add3A_299 = arith.addi %add3A_298, %add3A_264 : i32
      %add3A_300 = arith.constant 1 : i32
      %add3A_301 = arith.addi %add3A_299, %add3A_300 : i32
      %add3A_302 = arith.constant 0 : i32
      %add3A_303 = arith.addi %mul3A_2, %add3A_302 : i32
      %min3A_304 = arith.constant 2499 : i32
      %min3A_305 = arith.minsi %add3A_303, %min3A_304 : i32
      %mul3A_306 = arith.constant 128 : i32
      %mul3A_307 = arith.muli %min3A_305, %mul3A_306 : i32
      %multiple_of3A_308 = tpu.assume_multiple %mul3A_307, 128 : i32
      %dma_wait3A_309 = arith.constant 0 : i32
      %dma_wait3A_310 = tpu.memref_slice %arg3[%arg0, %multiple_of3A_308, %dma_wait3A_309] : memref<2x320000x128xf32, #tpu.memory_space<hbm>> -> memref<1x128x128xf32, #tpu.memory_space<hbm>>
      %dma_wait3A_311 = tpu.memref_squeeze %dma_wait3A_310 : memref<1x128x128xf32, #tpu.memory_space<hbm>> -> memref<128x128xf32, #tpu.memory_space<hbm>>
      %dma_wait3A_312 = arith.constant 0 : i32
      %dma_wait3A_313 = tpu.memref_slice %arg3[%arg0, %multiple_of3A_308, %dma_wait3A_312] : memref<2x320000x128xf32, #tpu.memory_space<hbm>> -> memref<1x128x128xf32, #tpu.memory_space<hbm>>
      %dma_wait3A_314 = tpu.memref_squeeze %dma_wait3A_313 : memref<1x128x128xf32, #tpu.memory_space<hbm>> -> memref<128x128xf32, #tpu.memory_space<hbm>>
      tpu.wait_dma2 semaphore(%arg12 : memref<!tpu.dma_semaphore, #tpu.memory_space<semaphore_mem>>) src(%dma_wait3A_314 : memref<128x128xf32, #tpu.memory_space<hbm>>) dst(%arg10 : memref<128x128xf32, #tpu.memory_space<vmem>>)
      %add3A_315 = arith.constant 1 : i32
      %add3A_316 = arith.addi %add3A_264, %add3A_315 : i32
      "tpu.region"() ({
        %run_scoped3A = tpu.sem_alloc : memref<!tpu.dma_semaphore, #tpu.memory_space<semaphore_mem>>
        %dma_start3A_331 = arith.constant 0 : i32
        %dma_start3A_332 = tpu.memref_slice %arg7[%add3A_316, %dma_start3A_331] : memref<16x128xi32, #tpu.memory_space<vmem>> -> memref<1x128xi32, #tpu.memory_space<vmem>>
        %dma_start3A_333 = tpu.memref_squeeze %dma_start3A_332 : memref<1x128xi32, #tpu.memory_space<vmem>> -> memref<128xi32, #tpu.memory_space<vmem>>
        %dma_start3A_334 = arith.constant 0 : i32
        %dma_start3A_335 = arith.constant 0 : i32
        %dma_start3A_336 = tpu.memref_slice %arg6[%dma_start3A_334, %dma_start3A_335] : memref<10240x128xf32, #tpu.memory_space<vmem_shared>> -> memref<10240x128xf32, #tpu.memory_space<vmem_shared>>
        tpu.enqueue_indirect_dma source(%arg10 : memref<128x128xf32, #tpu.memory_space<vmem>>) target(%dma_start3A_336 : memref<10240x128xf32, #tpu.memory_space<vmem_shared>>) offsets(%dma_start3A_333 : memref<128xi32, #tpu.memory_space<vmem>>) semaphore(%run_scoped3A : memref<!tpu.dma_semaphore, #tpu.memory_space<semaphore_mem>>) {add = true}
        %dma_wait3A_337 = arith.constant 0 : i32
        %dma_wait3A_338 = tpu.memref_slice %arg7[%add3A_316, %dma_wait3A_337] : memref<16x128xi32, #tpu.memory_space<vmem>> -> memref<1x128xi32, #tpu.memory_space<vmem>>
        %dma_wait3A_339 = tpu.memref_squeeze %dma_wait3A_338 : memref<1x128xi32, #tpu.memory_space<vmem>> -> memref<128xi32, #tpu.memory_space<vmem>>
        %dma_wait3A_340 = arith.constant 0 : i32
        %dma_wait3A_341 = arith.constant 0 : i32
        %dma_wait3A_342 = tpu.memref_slice %arg6[%dma_wait3A_340, %dma_wait3A_341] : memref<10240x128xf32, #tpu.memory_space<vmem_shared>> -> memref<10240x128xf32, #tpu.memory_space<vmem_shared>>
        tpu.wait_indirect_dma semaphore(%run_scoped3A : memref<!tpu.dma_semaphore, #tpu.memory_space<semaphore_mem>>) src(%arg10 : memref<128x128xf32, #tpu.memory_space<vmem>>) dst(%dma_wait3A_342 : memref<10240x128xf32, #tpu.memory_space<vmem_shared>>)
        tpu.yield
      }) : () -> ()
      %add3A_317 = arith.constant 2 : i32
      %add3A_318 = arith.addi %add3A_301, %add3A_317 : i32
      %add3A_319 = arith.addi %mul3A_2, %add3A_318 : i32
      %min3A_320 = arith.constant 2499 : i32
      %min3A_321 = arith.minsi %add3A_319, %min3A_320 : i32
      %mul3A_322 = arith.constant 128 : i32
      %mul3A_323 = arith.muli %min3A_321, %mul3A_322 : i32
      %multiple_of3A_324 = tpu.assume_multiple %mul3A_323, 128 : i32
      %dma_start3A_325 = arith.constant 0 : i32
      %dma_start3A_326 = tpu.memref_slice %arg3[%arg0, %multiple_of3A_324, %dma_start3A_325] : memref<2x320000x128xf32, #tpu.memory_space<hbm>> -> memref<1x128x128xf32, #tpu.memory_space<hbm>>
      %dma_start3A_327 = tpu.memref_squeeze %dma_start3A_326 : memref<1x128x128xf32, #tpu.memory_space<hbm>> -> memref<128x128xf32, #tpu.memory_space<hbm>>
      %dma_start3A_328 = arith.constant 0 : i32
      %dma_start3A_329 = tpu.memref_slice %arg3[%arg0, %multiple_of3A_324, %dma_start3A_328] : memref<2x320000x128xf32, #tpu.memory_space<hbm>> -> memref<1x128x128xf32, #tpu.memory_space<hbm>>
      %dma_start3A_330 = tpu.memref_squeeze %dma_start3A_329 : memref<1x128x128xf32, #tpu.memory_space<hbm>> -> memref<128x128xf32, #tpu.memory_space<hbm>>
      tpu.enqueue_dma source(%dma_start3A_330 : memref<128x128xf32, #tpu.memory_space<hbm>>) target(%arg10 : memref<128x128xf32, #tpu.memory_space<vmem>>) target_semaphore(%arg12 : memref<!tpu.dma_semaphore, #tpu.memory_space<semaphore_mem>>)
    }
    %scan3A_219 = arith.constant 8 : i32
    %dma_wait3A_220 = arith.constant 0 : i32
    %dma_wait3A_221 = arith.constant 0 : i32
    %dma_wait3A_222 = tpu.memref_slice %arg4[%arg0, %arg1, %dma_wait3A_220, %dma_wait3A_221] : memref<2x16x160x128xi32, #tpu.memory_space<hbm>> -> memref<1x1x16x128xi32, #tpu.memory_space<hbm>>
    %dma_wait3A_223 = tpu.memref_squeeze %dma_wait3A_222 : memref<1x1x16x128xi32, #tpu.memory_space<hbm>> -> memref<16x128xi32, #tpu.memory_space<hbm>>
    %dma_wait3A_224 = arith.constant 0 : i32
    %dma_wait3A_225 = arith.constant 0 : i32
    %dma_wait3A_226 = tpu.memref_slice %arg4[%arg0, %arg1, %dma_wait3A_224, %dma_wait3A_225] : memref<2x16x160x128xi32, #tpu.memory_space<hbm>> -> memref<1x1x16x128xi32, #tpu.memory_space<hbm>>
    %dma_wait3A_227 = tpu.memref_squeeze %dma_wait3A_226 : memref<1x1x16x128xi32, #tpu.memory_space<hbm>> -> memref<16x128xi32, #tpu.memory_space<hbm>>
    tpu.wait_dma2 semaphore(%arg14 : memref<!tpu.dma_semaphore, #tpu.memory_space<semaphore_mem>>) src(%dma_wait3A_227 : memref<16x128xi32, #tpu.memory_space<hbm>>) dst(%arg8 : memref<16x128xi32, #tpu.memory_space<vmem>>)
    %scan3A_228 = arith.constant 0 : i32
    %scan3A_229 = arith.constant 8 : i32
    %scan3A_230 = arith.addi %scan3A_228, %scan3A_229 : i32
    %scan3A_231 = arith.constant 1 : i32
    scf.for %scan3A_260 = %scan3A_228 to %scan3A_230 step %scan3A_231  : i32 {
      %mul3A_261 = arith.constant 2 : i32
      %mul3A_262 = arith.muli %scan3A_260, %mul3A_261 : i32
      %add3A_263 = arith.constant 0 : i32
      %add3A_264 = arith.addi %add3A_263, %mul3A_262 : i32
      %add3A_265 = arith.constant 144 : i32
      %add3A_266 = arith.addi %add3A_265, %add3A_264 : i32
      %add3A_267 = arith.constant 0 : i32
      %add3A_268 = arith.addi %add3A_266, %add3A_267 : i32
      %add3A_269 = arith.constant 0 : i32
      %add3A_270 = arith.addi %mul3A_2, %add3A_269 : i32
      %min3A_271 = arith.constant 2499 : i32
      %min3A_272 = arith.minsi %add3A_270, %min3A_271 : i32
      %mul3A_273 = arith.constant 128 : i32
      %mul3A_274 = arith.muli %min3A_272, %mul3A_273 : i32
      %multiple_of3A_275 = tpu.assume_multiple %mul3A_274, 128 : i32
      %dma_wait3A_276 = arith.constant 0 : i32
      %dma_wait3A_277 = tpu.memref_slice %arg3[%arg0, %multiple_of3A_275, %dma_wait3A_276] : memref<2x320000x128xf32, #tpu.memory_space<hbm>> -> memref<1x128x128xf32, #tpu.memory_space<hbm>>
      %dma_wait3A_278 = tpu.memref_squeeze %dma_wait3A_277 : memref<1x128x128xf32, #tpu.memory_space<hbm>> -> memref<128x128xf32, #tpu.memory_space<hbm>>
      %dma_wait3A_279 = arith.constant 0 : i32
      %dma_wait3A_280 = tpu.memref_slice %arg3[%arg0, %multiple_of3A_275, %dma_wait3A_279] : memref<2x320000x128xf32, #tpu.memory_space<hbm>> -> memref<1x128x128xf32, #tpu.memory_space<hbm>>
      %dma_wait3A_281 = tpu.memref_squeeze %dma_wait3A_280 : memref<1x128x128xf32, #tpu.memory_space<hbm>> -> memref<128x128xf32, #tpu.memory_space<hbm>>
      tpu.wait_dma2 semaphore(%arg11 : memref<!tpu.dma_semaphore, #tpu.memory_space<semaphore_mem>>) src(%dma_wait3A_281 : memref<128x128xf32, #tpu.memory_space<hbm>>) dst(%arg9 : memref<128x128xf32, #tpu.memory_space<vmem>>)
      %add3A_282 = arith.constant 0 : i32
      %add3A_283 = arith.addi %add3A_264, %add3A_282 : i32
      "tpu.region"() ({
        %run_scoped3A = tpu.sem_alloc : memref<!tpu.dma_semaphore, #tpu.memory_space<semaphore_mem>>
        %dma_start3A_331 = arith.constant 0 : i32
        %dma_start3A_332 = tpu.memref_slice %arg8[%add3A_283, %dma_start3A_331] : memref<16x128xi32, #tpu.memory_space<vmem>> -> memref<1x128xi32, #tpu.memory_space<vmem>>
        %dma_start3A_333 = tpu.memref_squeeze %dma_start3A_332 : memref<1x128xi32, #tpu.memory_space<vmem>> -> memref<128xi32, #tpu.memory_space<vmem>>
        %dma_start3A_334 = arith.constant 0 : i32
        %dma_start3A_335 = arith.constant 0 : i32
        %dma_start3A_336 = tpu.memref_slice %arg6[%dma_start3A_334, %dma_start3A_335] : memref<10240x128xf32, #tpu.memory_space<vmem_shared>> -> memref<10240x128xf32, #tpu.memory_space<vmem_shared>>
        tpu.enqueue_indirect_dma source(%arg9 : memref<128x128xf32, #tpu.memory_space<vmem>>) target(%dma_start3A_336 : memref<10240x128xf32, #tpu.memory_space<vmem_shared>>) offsets(%dma_start3A_333 : memref<128xi32, #tpu.memory_space<vmem>>) semaphore(%run_scoped3A : memref<!tpu.dma_semaphore, #tpu.memory_space<semaphore_mem>>) {add = true}
        %dma_wait3A_337 = arith.constant 0 : i32
        %dma_wait3A_338 = tpu.memref_slice %arg8[%add3A_283, %dma_wait3A_337] : memref<16x128xi32, #tpu.memory_space<vmem>> -> memref<1x128xi32, #tpu.memory_space<vmem>>
        %dma_wait3A_339 = tpu.memref_squeeze %dma_wait3A_338 : memref<1x128xi32, #tpu.memory_space<vmem>> -> memref<128xi32, #tpu.memory_space<vmem>>
        %dma_wait3A_340 = arith.constant 0 : i32
        %dma_wait3A_341 = arith.constant 0 : i32
        %dma_wait3A_342 = tpu.memref_slice %arg6[%dma_wait3A_340, %dma_wait3A_341] : memref<10240x128xf32, #tpu.memory_space<vmem_shared>> -> memref<10240x128xf32, #tpu.memory_space<vmem_shared>>
        tpu.wait_indirect_dma semaphore(%run_scoped3A : memref<!tpu.dma_semaphore, #tpu.memory_space<semaphore_mem>>) src(%arg9 : memref<128x128xf32, #tpu.memory_space<vmem>>) dst(%dma_wait3A_342 : memref<10240x128xf32, #tpu.memory_space<vmem_shared>>)
        tpu.yield
      }) : () -> ()
      %add3A_284 = arith.constant 2 : i32
      %add3A_285 = arith.addi %add3A_268, %add3A_284 : i32
      %add3A_286 = arith.addi %mul3A_2, %add3A_285 : i32
      %min3A_287 = arith.constant 2499 : i32
      %min3A_288 = arith.minsi %add3A_286, %min3A_287 : i32
      %mul3A_289 = arith.constant 128 : i32
      %mul3A_290 = arith.muli %min3A_288, %mul3A_289 : i32
      %multiple_of3A_291 = tpu.assume_multiple %mul3A_290, 128 : i32
      %dma_start3A_292 = arith.constant 0 : i32
      %dma_start3A_293 = tpu.memref_slice %arg3[%arg0, %multiple_of3A_291, %dma_start3A_292] : memref<2x320000x128xf32, #tpu.memory_space<hbm>> -> memref<1x128x128xf32, #tpu.memory_space<hbm>>
      %dma_start3A_294 = tpu.memref_squeeze %dma_start3A_293 : memref<1x128x128xf32, #tpu.memory_space<hbm>> -> memref<128x128xf32, #tpu.memory_space<hbm>>
      %dma_start3A_295 = arith.constant 0 : i32
      %dma_start3A_296 = tpu.memref_slice %arg3[%arg0, %multiple_of3A_291, %dma_start3A_295] : memref<2x320000x128xf32, #tpu.memory_space<hbm>> -> memref<1x128x128xf32, #tpu.memory_space<hbm>>
      %dma_start3A_297 = tpu.memref_squeeze %dma_start3A_296 : memref<1x128x128xf32, #tpu.memory_space<hbm>> -> memref<128x128xf32, #tpu.memory_space<hbm>>
      tpu.enqueue_dma source(%dma_start3A_297 : memref<128x128xf32, #tpu.memory_space<hbm>>) target(%arg9 : memref<128x128xf32, #tpu.memory_space<vmem>>) target_semaphore(%arg11 : memref<!tpu.dma_semaphore, #tpu.memory_space<semaphore_mem>>)
      %add3A_298 = arith.constant 144 : i32
      %add3A_299 = arith.addi %add3A_298, %add3A_264 : i32
      %add3A_300 = arith.constant 1 : i32
      %add3A_301 = arith.addi %add3A_299, %add3A_300 : i32
      %add3A_302 = arith.constant 0 : i32
      %add3A_303 = arith.addi %mul3A_2, %add3A_302 : i32
      %min3A_304 = arith.constant 2499 : i32
      %min3A_305 = arith.minsi %add3A_303, %min3A_304 : i32
      %mul3A_306 = arith.constant 128 : i32
      %mul3A_307 = arith.muli %min3A_305, %mul3A_306 : i32
      %multiple_of3A_308 = tpu.assume_multiple %mul3A_307, 128 : i32
      %dma_wait3A_309 = arith.constant 0 : i32
      %dma_wait3A_310 = tpu.memref_slice %arg3[%arg0, %multiple_of3A_308, %dma_wait3A_309] : memref<2x320000x128xf32, #tpu.memory_space<hbm>> -> memref<1x128x128xf32, #tpu.memory_space<hbm>>
      %dma_wait3A_311 = tpu.memref_squeeze %dma_wait3A_310 : memref<1x128x128xf32, #tpu.memory_space<hbm>> -> memref<128x128xf32, #tpu.memory_space<hbm>>
      %dma_wait3A_312 = arith.constant 0 : i32
      %dma_wait3A_313 = tpu.memref_slice %arg3[%arg0, %multiple_of3A_308, %dma_wait3A_312] : memref<2x320000x128xf32, #tpu.memory_space<hbm>> -> memref<1x128x128xf32, #tpu.memory_space<hbm>>
      %dma_wait3A_314 = tpu.memref_squeeze %dma_wait3A_313 : memref<1x128x128xf32, #tpu.memory_space<hbm>> -> memref<128x128xf32, #tpu.memory_space<hbm>>
      tpu.wait_dma2 semaphore(%arg12 : memref<!tpu.dma_semaphore, #tpu.memory_space<semaphore_mem>>) src(%dma_wait3A_314 : memref<128x128xf32, #tpu.memory_space<hbm>>) dst(%arg10 : memref<128x128xf32, #tpu.memory_space<vmem>>)
      %add3A_315 = arith.constant 1 : i32
      %add3A_316 = arith.addi %add3A_264, %add3A_315 : i32
      "tpu.region"() ({
        %run_scoped3A = tpu.sem_alloc : memref<!tpu.dma_semaphore, #tpu.memory_space<semaphore_mem>>
        %dma_start3A_331 = arith.constant 0 : i32
        %dma_start3A_332 = tpu.memref_slice %arg8[%add3A_316, %dma_start3A_331] : memref<16x128xi32, #tpu.memory_space<vmem>> -> memref<1x128xi32, #tpu.memory_space<vmem>>
        %dma_start3A_333 = tpu.memref_squeeze %dma_start3A_332 : memref<1x128xi32, #tpu.memory_space<vmem>> -> memref<128xi32, #tpu.memory_space<vmem>>
        %dma_start3A_334 = arith.constant 0 : i32
        %dma_start3A_335 = arith.constant 0 : i32
        %dma_start3A_336 = tpu.memref_slice %arg6[%dma_start3A_334, %dma_start3A_335] : memref<10240x128xf32, #tpu.memory_space<vmem_shared>> -> memref<10240x128xf32, #tpu.memory_space<vmem_shared>>
        tpu.enqueue_indirect_dma source(%arg10 : memref<128x128xf32, #tpu.memory_space<vmem>>) target(%dma_start3A_336 : memref<10240x128xf32, #tpu.memory_space<vmem_shared>>) offsets(%dma_start3A_333 : memref<128xi32, #tpu.memory_space<vmem>>) semaphore(%run_scoped3A : memref<!tpu.dma_semaphore, #tpu.memory_space<semaphore_mem>>) {add = true}
        %dma_wait3A_337 = arith.constant 0 : i32
        %dma_wait3A_338 = tpu.memref_slice %arg8[%add3A_316, %dma_wait3A_337] : memref<16x128xi32, #tpu.memory_space<vmem>> -> memref<1x128xi32, #tpu.memory_space<vmem>>
        %dma_wait3A_339 = tpu.memref_squeeze %dma_wait3A_338 : memref<1x128xi32, #tpu.memory_space<vmem>> -> memref<128xi32, #tpu.memory_space<vmem>>
        %dma_wait3A_340 = arith.constant 0 : i32
        %dma_wait3A_341 = arith.constant 0 : i32
        %dma_wait3A_342 = tpu.memref_slice %arg6[%dma_wait3A_340, %dma_wait3A_341] : memref<10240x128xf32, #tpu.memory_space<vmem_shared>> -> memref<10240x128xf32, #tpu.memory_space<vmem_shared>>
        tpu.wait_indirect_dma semaphore(%run_scoped3A : memref<!tpu.dma_semaphore, #tpu.memory_space<semaphore_mem>>) src(%arg10 : memref<128x128xf32, #tpu.memory_space<vmem>>) dst(%dma_wait3A_342 : memref<10240x128xf32, #tpu.memory_space<vmem_shared>>)
        tpu.yield
      }) : () -> ()
      %add3A_317 = arith.constant 2 : i32
      %add3A_318 = arith.addi %add3A_301, %add3A_317 : i32
      %add3A_319 = arith.addi %mul3A_2, %add3A_318 : i32
      %min3A_320 = arith.constant 2499 : i32
      %min3A_321 = arith.minsi %add3A_319, %min3A_320 : i32
      %mul3A_322 = arith.constant 128 : i32
      %mul3A_323 = arith.muli %min3A_321, %mul3A_322 : i32
      %multiple_of3A_324 = tpu.assume_multiple %mul3A_323, 128 : i32
      %dma_start3A_325 = arith.constant 0 : i32
      %dma_start3A_326 = tpu.memref_slice %arg3[%arg0, %multiple_of3A_324, %dma_start3A_325] : memref<2x320000x128xf32, #tpu.memory_space<hbm>> -> memref<1x128x128xf32, #tpu.memory_space<hbm>>
      %dma_start3A_327 = tpu.memref_squeeze %dma_start3A_326 : memref<1x128x128xf32, #tpu.memory_space<hbm>> -> memref<128x128xf32, #tpu.memory_space<hbm>>
      %dma_start3A_328 = arith.constant 0 : i32
      %dma_start3A_329 = tpu.memref_slice %arg3[%arg0, %multiple_of3A_324, %dma_start3A_328] : memref<2x320000x128xf32, #tpu.memory_space<hbm>> -> memref<1x128x128xf32, #tpu.memory_space<hbm>>
      %dma_start3A_330 = tpu.memref_squeeze %dma_start3A_329 : memref<1x128x128xf32, #tpu.memory_space<hbm>> -> memref<128x128xf32, #tpu.memory_space<hbm>>
      tpu.enqueue_dma source(%dma_start3A_330 : memref<128x128xf32, #tpu.memory_space<hbm>>) target(%arg10 : memref<128x128xf32, #tpu.memory_space<vmem>>) target_semaphore(%arg12 : memref<!tpu.dma_semaphore, #tpu.memory_space<semaphore_mem>>)
    }
    %scan3A_232 = arith.constant 8 : i32
    %add3A_233 = arith.constant 0 : i32
    %add3A_234 = arith.addi %mul3A_2, %add3A_233 : i32
    %min3A_235 = arith.constant 2499 : i32
    %min3A_236 = arith.minsi %add3A_234, %min3A_235 : i32
    %mul3A_237 = arith.constant 128 : i32
    %mul3A_238 = arith.muli %min3A_236, %mul3A_237 : i32
    %multiple_of3A_239 = tpu.assume_multiple %mul3A_238, 128 : i32
    %dma_wait3A_240 = arith.constant 0 : i32
    %dma_wait3A_241 = tpu.memref_slice %arg3[%arg0, %multiple_of3A_239, %dma_wait3A_240] : memref<2x320000x128xf32, #tpu.memory_space<hbm>> -> memref<1x128x128xf32, #tpu.memory_space<hbm>>
    %dma_wait3A_242 = tpu.memref_squeeze %dma_wait3A_241 : memref<1x128x128xf32, #tpu.memory_space<hbm>> -> memref<128x128xf32, #tpu.memory_space<hbm>>
    %dma_wait3A_243 = arith.constant 0 : i32
    %dma_wait3A_244 = tpu.memref_slice %arg3[%arg0, %multiple_of3A_239, %dma_wait3A_243] : memref<2x320000x128xf32, #tpu.memory_space<hbm>> -> memref<1x128x128xf32, #tpu.memory_space<hbm>>
    %dma_wait3A_245 = tpu.memref_squeeze %dma_wait3A_244 : memref<1x128x128xf32, #tpu.memory_space<hbm>> -> memref<128x128xf32, #tpu.memory_space<hbm>>
    tpu.wait_dma2 semaphore(%arg11 : memref<!tpu.dma_semaphore, #tpu.memory_space<semaphore_mem>>) src(%dma_wait3A_245 : memref<128x128xf32, #tpu.memory_space<hbm>>) dst(%arg9 : memref<128x128xf32, #tpu.memory_space<vmem>>)
    %add3A_246 = arith.constant 0 : i32
    %add3A_247 = arith.addi %mul3A_2, %add3A_246 : i32
    %min3A_248 = arith.constant 2499 : i32
    %min3A_249 = arith.minsi %add3A_247, %min3A_248 : i32
    %mul3A_250 = arith.constant 128 : i32
    %mul3A_251 = arith.muli %min3A_249, %mul3A_250 : i32
    %multiple_of3A_252 = tpu.assume_multiple %mul3A_251, 128 : i32
    %dma_wait3A_253 = arith.constant 0 : i32
    %dma_wait3A_254 = tpu.memref_slice %arg3[%arg0, %multiple_of3A_252, %dma_wait3A_253] : memref<2x320000x128xf32, #tpu.memory_space<hbm>> -> memref<1x128x128xf32, #tpu.memory_space<hbm>>
    %dma_wait3A_255 = tpu.memref_squeeze %dma_wait3A_254 : memref<1x128x128xf32, #tpu.memory_space<hbm>> -> memref<128x128xf32, #tpu.memory_space<hbm>>
    %dma_wait3A_256 = arith.constant 0 : i32
    %dma_wait3A_257 = tpu.memref_slice %arg3[%arg0, %multiple_of3A_252, %dma_wait3A_256] : memref<2x320000x128xf32, #tpu.memory_space<hbm>> -> memref<1x128x128xf32, #tpu.memory_space<hbm>>
    %dma_wait3A_258 = tpu.memref_squeeze %dma_wait3A_257 : memref<1x128x128xf32, #tpu.memory_space<hbm>> -> memref<128x128xf32, #tpu.memory_space<hbm>>
    tpu.wait_dma2 semaphore(%arg12 : memref<!tpu.dma_semaphore, #tpu.memory_space<semaphore_mem>>) src(%dma_wait3A_258 : memref<128x128xf32, #tpu.memory_space<hbm>>) dst(%arg10 : memref<128x128xf32, #tpu.memory_space<vmem>>)
    %barrier3A_259 = arith.constant 0 : index
    tpu.barrier barrier_id(%barrier3A_259)
    "tpu.region"() ({
      %run_scoped3A = tpu.sem_alloc : memref<!tpu.dma_semaphore, #tpu.memory_space<semaphore_mem>>
      %dma_start3A_260 = arith.constant 0 : i32
      %dma_start3A_261 = tpu.memref_slice %arg5[%arg0, %mul3A_0, %dma_start3A_260] : memref<2x10240x128xf32, #tpu.memory_space<hbm>> -> memref<1x640x128xf32, #tpu.memory_space<hbm>>
      %dma_start3A_262 = tpu.memref_squeeze %dma_start3A_261 : memref<1x640x128xf32, #tpu.memory_space<hbm>> -> memref<640x128xf32, #tpu.memory_space<hbm>>
      %dma_start3A_263 = arith.constant 0 : i32
      %dma_start3A_264 = tpu.memref_slice %arg6[%mul3A_0, %dma_start3A_263] : memref<10240x128xf32, #tpu.memory_space<vmem_shared>> -> memref<640x128xf32, #tpu.memory_space<vmem_shared>>
      tpu.enqueue_dma source(%dma_start3A_264 : memref<640x128xf32, #tpu.memory_space<vmem_shared>>) target(%dma_start3A_262 : memref<640x128xf32, #tpu.memory_space<hbm>>) target_semaphore(%run_scoped3A : memref<!tpu.dma_semaphore, #tpu.memory_space<semaphore_mem>>)
      %dma_wait3A_265 = arith.constant 0 : i32
      %dma_wait3A_266 = tpu.memref_slice %arg5[%arg0, %mul3A_0, %dma_wait3A_265] : memref<2x10240x128xf32, #tpu.memory_space<hbm>> -> memref<1x640x128xf32, #tpu.memory_space<hbm>>
      %dma_wait3A_267 = tpu.memref_squeeze %dma_wait3A_266 : memref<1x640x128xf32, #tpu.memory_space<hbm>> -> memref<640x128xf32, #tpu.memory_space<hbm>>
      %dma_wait3A_268 = arith.constant 0 : i32
      %dma_wait3A_269 = tpu.memref_slice %arg6[%mul3A_0, %dma_wait3A_268] : memref<10240x128xf32, #tpu.memory_space<vmem_shared>> -> memref<640x128xf32, #tpu.memory_space<vmem_shared>>
      tpu.wait_dma2 semaphore(%run_scoped3A : memref<!tpu.dma_semaphore, #tpu.memory_space<semaphore_mem>>) src(%dma_wait3A_269 : memref<640x128xf32, #tpu.memory_space<vmem_shared>>) dst(%dma_wait3A_267 : memref<640x128xf32, #tpu.memory_space<hbm>>)
      tpu.yield
    }) : () -> ()
    return
  }
}

module attributes {stable_mosaic.version = 14 : i64} {
  func.func @_tr_body(%arg0: i32, %arg1: memref<272x2560xf32, #tpu.memory_space<vmem>>, %arg2: memref<2x2560x128xf32, #tpu.memory_space<vmem>>, %arg3: memref<16x2560xf32, #tpu.memory_space<vmem>>) attributes {dimension_semantics = [#tpu.dimension_semantics<arbitrary>], iteration_bounds = array<i64: 125>, scalar_prefetch = 0 : i64, scratch_operands = 0 : i64, tpu.core_type = #tpu.core_type<tc>, window_params = [{transform_indices = @transform_0, window_bounds = array<i64: 272, 2560>}, {transform_indices = @transform_1, window_bounds = array<i64: 2, 2560, 128>}, {transform_indices = @transform_2, window_bounds = array<i64: 16, 2560>}]} {
    %get3A = arith.constant 0 : index
    %get3A_0 = arith.constant 0 : index
    %get3A_1 = vector.load %arg1[%get3A, %get3A_0] : memref<272x2560xf32, #tpu.memory_space<vmem>>, vector<128x2560xf32>
    %transpose3A = tpu.transpose %get3A_1, [1, 0] : vector<128x2560xf32> -> vector<2560x128xf32>
    %swap3A = arith.constant 0 : index
    %swap3A_2 = arith.constant 0 : index
    %swap3A_3 = arith.constant 0 : index
    %swap3A_4 = vector.load %arg2[%swap3A, %swap3A_2, %swap3A_3] : memref<2x2560x128xf32, #tpu.memory_space<vmem>>, vector<1x2560x128xf32>
    %swap3A_5 = vector.shape_cast %swap3A_4 : vector<1x2560x128xf32> to vector<2560x128xf32>
    %swap3A_6 = vector.shape_cast %transpose3A : vector<2560x128xf32> to vector<1x2560x128xf32>
    tpu.vector_store %arg2[%swap3A, %swap3A_2, %swap3A_3], %swap3A_6 {strides = array<i32>} : memref<2x2560x128xf32, #tpu.memory_space<vmem>>, vector<1x2560x128xf32>,
    %get3A_7 = arith.constant 128 : index
    %get3A_8 = arith.constant 0 : index
    %get3A_9 = vector.load %arg1[%get3A_7, %get3A_8] : memref<272x2560xf32, #tpu.memory_space<vmem>>, vector<128x2560xf32>
    %transpose3A_10 = tpu.transpose %get3A_9, [1, 0] : vector<128x2560xf32> -> vector<2560x128xf32>
    %swap3A_11 = arith.constant 1 : index
    %swap3A_12 = arith.constant 0 : index
    %swap3A_13 = arith.constant 0 : index
    %swap3A_14 = vector.load %arg2[%swap3A_11, %swap3A_12, %swap3A_13] : memref<2x2560x128xf32, #tpu.memory_space<vmem>>, vector<1x2560x128xf32>
    %swap3A_15 = vector.shape_cast %swap3A_14 : vector<1x2560x128xf32> to vector<2560x128xf32>
    %swap3A_16 = vector.shape_cast %transpose3A_10 : vector<2560x128xf32> to vector<1x2560x128xf32>
    tpu.vector_store %arg2[%swap3A_11, %swap3A_12, %swap3A_13], %swap3A_16 {strides = array<i32>} : memref<2x2560x128xf32, #tpu.memory_space<vmem>>, vector<1x2560x128xf32>,
    %get3A_17 = arith.constant 256 : index
    %get3A_18 = arith.constant 0 : index
    %get3A_19 = vector.load %arg1[%get3A_17, %get3A_18] : memref<272x2560xf32, #tpu.memory_space<vmem>>, vector<16x2560xf32>
    %swap3A_20 = arith.constant 0 : index
    %swap3A_21 = arith.constant 0 : index
    %swap3A_22 = vector.load %arg3[%swap3A_20, %swap3A_21] : memref<16x2560xf32, #tpu.memory_space<vmem>>, vector<16x2560xf32>
    tpu.vector_store %arg3[%swap3A_20, %swap3A_21], %get3A_19 {strides = array<i32>} : memref<16x2560xf32, #tpu.memory_space<vmem>>, vector<16x2560xf32>,
    return
  }
  func.func @transform_0(%arg0: i32) -> (i32, i32) {
    %c0_i32 = arith.constant 0 : i32
    %c0_i32_0 = arith.constant 0 : i32
    return %c0_i32, %arg0 : i32, i32
  }
  func.func @transform_1(%arg0: i32) -> (i32, i32, i32) {
    %c0_i32 = arith.constant 0 : i32
    %c0_i32_0 = arith.constant 0 : i32
    %c0_i32_1 = arith.constant 0 : i32
    return %c0_i32, %arg0, %c0_i32_0 : i32, i32, i32
  }
  func.func @transform_2(%arg0: i32) -> (i32, i32) {
    %c0_i32 = arith.constant 0 : i32
    %c0_i32_0 = arith.constant 0 : i32
    return %c0_i32, %arg0 : i32, i32
  }
}

module attributes {stable_mosaic.version = 14 : i64} {
  func.func @_merge_body(%arg0: i32, %arg1: memref<2x400x128xf32, #tpu.memory_space<vmem>>, %arg2: memref<400x128xf32, #tpu.memory_space<vmem>>) attributes {dimension_semantics = [#tpu.dimension_semantics<arbitrary>], iteration_bounds = array<i64: 25>, scalar_prefetch = 0 : i64, scratch_operands = 0 : i64, tpu.core_type = #tpu.core_type<tc>, window_params = [{transform_indices = @transform_0, window_bounds = array<i64: 2, 400, 128>}, {transform_indices = @transform_1, window_bounds = array<i64: 400, 128>}]} {
    %get3A = arith.constant 0 : index
    %get3A_0 = arith.constant 0 : index
    %get3A_1 = arith.constant 0 : index
    %get3A_2 = vector.load %arg1[%get3A, %get3A_0, %get3A_1] : memref<2x400x128xf32, #tpu.memory_space<vmem>>, vector<1x400x128xf32>
    %get3A_3 = vector.shape_cast %get3A_2 : vector<1x400x128xf32> to vector<400x128xf32>
    %get3A_4 = arith.constant 1 : index
    %get3A_5 = arith.constant 0 : index
    %get3A_6 = arith.constant 0 : index
    %get3A_7 = vector.load %arg1[%get3A_4, %get3A_5, %get3A_6] : memref<2x400x128xf32, #tpu.memory_space<vmem>>, vector<1x400x128xf32>
    %get3A_8 = vector.shape_cast %get3A_7 : vector<1x400x128xf32> to vector<400x128xf32>
    %add3A = arith.addf %get3A_3, %get3A_8 : vector<400x128xf32>
    %swap3A = arith.constant 0 : index
    %swap3A_9 = arith.constant 0 : index
    %swap3A_10 = vector.load %arg2[%swap3A, %swap3A_9] : memref<400x128xf32, #tpu.memory_space<vmem>>, vector<400x128xf32>
    tpu.vector_store %arg2[%swap3A, %swap3A_9], %add3A {strides = array<i32>} : memref<400x128xf32, #tpu.memory_space<vmem>>, vector<400x128xf32>,
    return
  }
  func.func @transform_0(%arg0: i32) -> (i32, i32, i32) {
    %c0_i32 = arith.constant 0 : i32
    %c0_i32_0 = arith.constant 0 : i32
    %c0_i32_1 = arith.constant 0 : i32
    return %c0_i32, %arg0, %c0_i32_0 : i32, i32, i32
  }
  func.func @transform_1(%arg0: i32) -> (i32, i32) {
    %c0_i32 = arith.constant 0 : i32
    %c0_i32_0 = arith.constant 0 : i32
    return %arg0, %c0_i32 : i32, i32
  }
}

</mosaic_0001>

<sc_bundles>
// kernel: kernel.5.cloned.1.call-start
scs
__scs_entry_jumppad:
0x0: {  	(pc) =	sbr.rel $0x88, $3  }
0x1: {  	(tag) =	ssettag $0x0;
	lr =	simm.s32 $0x1  }
0x2: {  	[smem:$0x3F9E] =	sst lr;
	_ =	strace $0xD0000000  }
0x3: {  	_ = 	snop  }
0x4: {  	_ = 	snop  }
0x5: {  	_ = 	snop  }
0x6: {  	_ = 	snop  }
0x7: {  	_ = 	snop  }
__scs_overlays_trampoline_lowered:
0x8: {  	[smem:$0x3FAD] =	sst s0  }
0x9: {  	[smem:$0x3FAE] =	sst s1  }
0xa: {  	[smem:$0x3FAF] =	sst s2  }
0xb: {  	[smem:$0x3FB0] =	sst s3  }
0xc: {  	[smem:$0x3FB1] =	sst s4  }
0xd: {  	[smem:$0x3FB2] =	sst s5  }
0xe: {  	[smem:$0x3FB3] =	sst s6  }
0xf: {  	[smem:$0x3FB4] =	sst s7  }
0x10: {  	[smem:$0x3FB5] =	sst s8  }
0x11: {  	[smem:$0x3FB6] =	sst s9;
	s0 =	simm.s32 @!p0 $0x0  }
0x12: {  	s1 =	sld [smem:$0x3F9C];
	s0 =	simm.s32 @p0 $0x1  }
0x13: {  	[smem:$0x3FB7] =	sst s0;
	s0 =	simm.s32 @!p1 $0x0  }
0x14: {  	s2 =	sld [smem:$0x3F9B];
	s0 =	simm.s32 @p1 $0x1  }
0x15: {  	[smem:$0x3FB8] =	sst s0;
	s0 =	simm.s32 @!p2 $0x0  }
0x16: {  	s3 =	sld [smem:$0x3FDB];
	s0 =	simm.s32 @p2 $0x1  }
0x17: {  	s4 =	simm.s32 $0x1BF5;
	[smem:$0x3FBA] =	sst s0  }
0x18: {  	s0 =	sld [smem:$0x3F9D];
	_ =	swait.ge [sflag:s4], $0x0  }
0x19: {  	s7 =	sld [smem:$0x3F9E]  }
0x1a: {  	s8 =	sadd.s32 $0xFFFFE003, lr  }
0x1b: {  	s9 =	sadd.s32 $0xFFFFFEF7, lr;
	s5 =	simm.s32 $0xFFFFFFFF;
	p2 =	slt.u32 s8, $0xFFFFF086  }
0x1c: {  	p1 =	slt.u32 s9, $0xF7A;
	s5 =	simm.s32 @!p2 $0x0  }
0x1d: {  	s5 =	simm.s32 @p1 $0x1;
	p0 =	seq.s32 s7, s2  }
0x1e: {  	s7 =	smul.u32 @!p0 $0xF7A, s2;
	p2 =	seq.s32 @!p0 s5, $0x0  }
0x1f: {  	s9 =	smul.u32 $0xF7A, s1;
	s8 =	simm.s32 @!p0 $0x1BF5;
	p2 =	por !p2, p0  }
0x20: {  	[sflag:s8] =	ssyncset.s32 @!p0 $0xFFFFF086;
	s6 =	sadd.s32 @!p0 s3, s7;
	s7 =	simm.s32 @!p0 $0x108  }
0x21: {  	s3 =	sadd.s32 s3, s9;
	s6 =	sadd.s32 @!p0 $0x88, s6;
	s7 =	simm.s32 @p2 $0x1082  }
0x22: {  	[simem:s7], [sflag:s8] =	dma.local @!p0 [hbm:s6], $0xF7A  }
0x23: {  	s9 =	sor.u32 $0xD0000000, s2;
	s6 =	simm.s32 $0x108;
	_ =	swait.ge @!p0 [sflag:s8], $0x0  }
0x24: {  	s3 =	sadd.s32 $0x88, s3;
	s6 =	simm.s32 @!p1 $0x1082;
	[sflag:s4] =	ssyncset.s32 $0xFFFFF086  }
0x25: {  	[simem:s6], [sflag:s4] =	dma.local [hbm:s3], $0xF7A  }
0x26: {  	[smem:$0x3F9E] =	sst s1;
	(tag) =	ssettag s2;
	_ =	strace s9  }
0x27: {  	s1 =	sld [smem:$0x3FAE]  }
0x28: {  	s2 =	sld [smem:$0x3FAF]  }
0x29: {  	s4 =	sld [smem:$0x3FB1]  }
0x2a: {  	p0 =	seq.s32 s5, $0x0;
	s5 =	sld [smem:$0x3FB2]  }
0x2b: {  	s6 =	sld [smem:$0x3FB3]  }
0x2c: {  	s7 =	sld [smem:$0x3FB4]  }
0x2d: {  	s3 =	simm.s32 $0x108;
	s8 =	sld [smem:$0x3FB5]  }
0x2e: {  	s3 =	simm.s32 @!p0 $0x1082;
	s9 =	sld [smem:$0x3FB6]  }
0x2f: {  	lr =	sadd.s32 s0, s3;
	s0 =	sld [smem:$0x3FAD]  }
0x30: {  	s3 =	sld [smem:$0x3FB0]  }
0x31: {  	[smem:$0x3FB9] =	sst s10  }
0x32: {  	s10 =	sld [smem:$0x3FB7];
	_ =	sdelay $0x3  }
0x33: {  	p0 =	seq.s32 s10, $0x1;
	s10 =	sld [smem:$0x3FB9];
	_ =	sdelay $0x3  }
0x34: {  	[smem:$0x3FB9] =	sst s10  }
0x35: {  	s10 =	sld [smem:$0x3FB8];
	_ =	sdelay $0x3  }
0x36: {  	p1 =	seq.s32 s10, $0x1;
	s10 =	sld [smem:$0x3FB9];
	_ =	sdelay $0x3  }
0x37: {  	[smem:$0x3FB9] =	sst s10  }
0x38: {  	s10 =	sld [smem:$0x3FBA]  }
0x39: {  	_ = 	snop;
	(pc) =	sbr.ind lr, $3  }
0x3a: {  	_ = 	snop  }
0x3b: {  	_ = 	snop  }
0x3c: {  	p2 =	seq.s32 s10, $0x1;
	s10 =	sld [smem:$0x3FB9]  }
0x3d: {  	_ =	shalt  }
0x3e: {  	_ =	shalt  }
0x3f: {  	_ =	shalt  }
0x40: {  	_ =	shalt  }
0x41: {  	_ =	shalt  }
0x42: {  	_ =	shalt  }
0x43: {  	_ =	shalt  }
0x44: {  	_ =	shalt  }
0x45: {  	_ =	shalt  }
0x46: {  	_ =	shalt  }
0x47: {  	_ =	shalt  }
0x48: {  	_ =	shalt  }
0x49: {  	_ =	shalt  }
0x4a: {  	_ =	shalt  }
0x4b: {  	_ =	shalt  }
0x4c: {  	_ =	shalt  }
0x4d: {  	_ =	shalt  }
0x4e: {  	_ =	shalt  }
0x4f: {  	_ =	shalt  }
0x50: {  	_ =	shalt  }
0x51: {  	_ =	shalt  }
0x52: {  	_ =	shalt  }
0x53: {  	_ =	shalt  }
0x54: {  	_ =	shalt  }
0x55: {  	_ =	shalt  }
0x56: {  	_ =	shalt  }
0x57: {  	_ =	shalt  }
0x58: {  	_ =	shalt  }
0x59: {  	_ =	shalt  }
0x5a: {  	_ =	shalt  }
0x5b: {  	_ =	shalt  }
0x5c: {  	_ =	shalt  }
0x5d: {  	_ =	shalt  }
0x5e: {  	_ =	shalt  }
0x5f: {  	_ =	shalt  }
0x60: {  	_ =	shalt  }
0x61: {  	_ =	shalt  }
0x62: {  	_ =	shalt  }
0x63: {  	_ =	shalt  }
0x64: {  	_ =	shalt  }
0x65: {  	_ =	shalt  }
0x66: {  	_ =	shalt  }
0x67: {  	_ =	shalt  }
0x68: {  	_ =	shalt  }
0x69: {  	_ =	shalt  }
0x6a: {  	_ =	shalt  }
0x6b: {  	_ =	shalt  }
0x6c: {  	_ =	shalt  }
0x6d: {  	_ =	shalt  }
0x6e: {  	_ =	shalt  }
0x6f: {  	_ =	shalt  }
0x70: {  	_ =	shalt  }
0x71: {  	_ =	shalt  }
0x72: {  	_ =	shalt  }
0x73: {  	_ =	shalt  }
0x74: {  	_ =	shalt  }
0x75: {  	_ =	shalt  }
0x76: {  	_ =	shalt  }
0x77: {  	_ =	shalt  }
0x78: {  	_ =	shalt  }
0x79: {  	_ =	shalt  }
0x7a: {  	_ =	shalt  }
0x7b: {  	_ =	shalt  }
0x7c: {  	_ =	shalt  }
0x7d: {  	_ =	shalt  }
0x7e: {  	_ =	shalt  }
0x7f: {  	_ =	shalt  }
0x80: {  	_ =	shalt  }
0x81: {  	_ =	shalt  }
0x82: {  	_ =	shalt  }
0x83: {  	_ =	shalt  }
0x84: {  	_ =	shalt  }
0x85: {  	_ =	shalt  }
0x86: {  	_ =	shalt  }
0x87: {  	_ =	shalt  }
.Lfunc_end0:
.L_simem_size_0:
called_computation_lowered:
.L_overlay_start_0:
0x88: {  	s2 =	sld [smem:$0x3FD9]  }
0x89: {  	s3 =	sld [smem:$0x3FFE];
	_ =	sdelay $0x1  }
0x8a: {  	s1 =	srdreg.scid  }
0x8b: {  	s0 =	sand.u32 $0x1, s1  }
0x8c: {  	s14 =	sshll.u32 s0, $0xA;
	s2 =	sadd.s32 s3, s2  }
0x8d: {  	s2 =	sadd.s32 s2, s14  }
0x8e: {  	[smem:$0x3FC5] =	sst s2  }
0x8f: {  	_ = 	snop  }
0x90: {  	s2 =	sld [smem:$0x3FD0];
	_ =	sdelay $0x2  }
0x91: {  	s15 =	simm.s32 $0xA;
	s4 =	simm.s32 $0x10  }
0x92: {  	[smem:s4], [sflag:s15] =	dma.local [hbm:s2], $0x1  }
0x93: {  	_ =	swait.eq [sflag:s15], $0x1  }
0x94: {  	[sflag:s15] =	ssyncset.done $0x0  }
0x95: {  	[sflag:s15] =	ssyncadd.s32 $0xFFFFFFFF  }
0x96: {  	s16 =	sld [smem:$0x10];
	(tm) =	ssettm $0x1  }
0x97: {  	s17 =	sld [smem:$0x3FFB];
	_ =	sdelay $0x3  }
0x98: {  	_ =	strace s17  }
0x99: {  	s3 =	sld [smem:$0x3FFC];
	_ =	sdelay $0x3  }
0x9a: {  	_ =	strace s3  }
0x9b: {  	s3 =	sld [smem:$0x3FFD];
	_ =	sdelay $0x3  }
0x9c: {  	_ =	strace s3  }
0x9d: {  	_ =	strace $0x8FFFFFFF  }
0x9e: {  	s18 =	sld [smem:$0x3FDB];
	_ =	sdelay $0x1  }
0x9f: {  	s19 =	simm.s32 $_scs_section_size  }
0xa0: {  	s5 =	simm.s32 $_size__tile_overlayer_lowered;
	s6 =	simm.s32 $_tile_overlayer_lowered  }
0xa1: {  	s22 =	simm.s32 $0x1BFF;
	s21 =	sshll.u32 s6, $0x1;
	s3 =	sadd.s32 s19, s18  }
0xa2: {  	s7 =	simm.s32 $0x0;
	s20 =	sshll.u32 s5, $0x1;
	s5 =	sadd.s32 s21, s3  }
0xa3: {  	[timem:s7], [sflag:s22] =	dma.local [hbm:s5], s20  }
0xa4: {  	_ =	swait.ge [sflag:s22], s20  }
0xa5: {  	s4 =	ssub.s32 $0x0, s20;
	[sflag:s22] =	ssyncset.done $0x0  }
0xa6: {  	[sflag:s22] =	ssyncadd.s32 s4;
	_ =	sdelay $0x1  }
0xa7: {  	s23 =	simm.s32 $0x1B8B  }
0xa8: {  	_ =	swait.ge [sflag:s23], $0x1  }
0xa9: {  	[sflag:s23] =	ssyncset.done $0x0  }
0xaa: {  	s25 =	simm.s32 $0x1B8E;
	s24 =	sld [smem:$0x3FFE];
	[sflag:s23] =	ssyncadd.s32 $0xFFFFFFFF  }
0xab: {  	s26 =	simm.s32 $execute0_lowered;
	[smem:$0x3FD2] =	sst s25  }
0xac: {  	s5 =	sshll.u32 s26, $0x1;
	_ =	strace $0x80000046;
	[dreg:$0x1] =	wrdreg $0xFFFFFFFF  }
0xad: {  	s28 =	simm.s32 $_size_execute0_lowered;
	s3 =	sadd.s32 s3, s5;
	[dreg:$0x0] =	wrdreg $0x0  }
0xae: {  	s5 =	sshll.u32 s28, $0x1;
	[dreg:$0x2] =	wrdreg s3  }
0xaf: {  	[dreg:$0x3] =	wrdreg s5  }
0xb0: {  	[dreg:$0x4] =	wrdreg $0xC0  }
0xb1: {  	_ =	task [dreg:s7], $0x5FFFF  }
0xb2: {  	[dreg:$0x1] =	wrdreg $0xFFFFFFFF  }
0xb3: {  	[dreg:$0x0] =	wrdreg $0x60  }
0xb4: {  	[dreg:$0x2] =	wrdreg s24  }
0xb5: {  	[dreg:$0x3] =	wrdreg s16  }
0xb6: {  	[dreg:$0x4] =	wrdreg $0x0  }
0xb7: {  	[dreg:$0x5] =	wrdreg $0x9  }
0xb8: {  	_ =	task.clear_ibuf [dreg:s7], $0x6FFFF;
	_ =	strace $0x90000046  }
0xb9: {  	s29 =	simm.s32 $0x9;
	_ =	strace $0x80000048  }
0xba: {  	_ =	swait.ge [sflag:s29], $0x1  }
0xbb: {  	[sflag:s29] =	ssyncadd.s32 $0xFFFFFFFF  }
0xbc: {  	_ =	strace $0x90000048  }
0xbd: {  	_ =	sfence  }
0xbe: {  	s30 =	sld [smem:$0x0];
	_ =	sdelay $0x2  }
0xbf: {  	s31 =	sshll.u32 s1, $0xD;
	s1 =	sshrl.u32 s1, $0x2  }
0xc0: {  	s3 =	sand.u32 $0x4000, s31;
	s1 =	sadd.s32 s1, s30  }
0xc1: {  	s0 =	sor.u32 s3, s0;
	s1 =	sshll.u32 s1, $0x11  }
0xc2: {  	s0 =	sor.u32 s1, s0  }
0xc3: {  	s0 =	sadd.s32 $0x8F2B, s0  }
0xc4: {  	[sflag:s0] =	ssyncadd.remote.s32 $0x1  }
0xc5: {  	_ =	sfence.sel $0xFFFF  }
0xc6: {  	[dreg:$0x0] =	wrdreg $0xFFFFFFFF;
	(pc) =	sbr.abs _section_cstart, $3  }
0xc7: {  	[dreg:$0x1] =	wrdreg $0xFFFFFFFF  }
0xc8: {  	_ =	task.clear_ibuf [dreg:s7], $0x2FFFF;
	_ =	strace $0x9FFFFFFF  }
0xc9: {  	(tm) =	ssettm $0x7FFFFFFF  }
tec
execute0_lowered:
.L_overlay_start_1:
0x0: {  	(tag) =	ssettag $0x1  }
0x1: {  	s0 =	rddreg [dreg:$0x0]  }
0x2: {  	s1 =	rddreg [dreg:$0x1];
	s11 =	stileid.u32  }
0x3: {  	s3 =	srdreg.scid;
	s6 =	smul.u32 $0x14000, s11  }
0x4: {  	s2 =	rddreg [dreg:$0x2];
	s8 =	smul.u32 $0x5000, s11  }
0x5: {  	s29 =	simm.s32 $0x14000;
	s30 =	simm.s32 $0x14800;
	s10 =	smul.u32 $0x280000, s11  }
0x6: {  	s4 =	sand.u32 $0x1, s3;
	s3 =	simm.s32 $0x0;
	s28 =	smul.u32 $0x50000, s11  }
0x7: {  	s9 =	sadd.s32 $0x9C4800, s0;
	s5 =	smul.u32 $0x140000, s4;
	[smem:$0x7FF] =	sst s3  }
0x8: {  	s7 =	smul.u32 $0x50000, s4;
	_ =	strace $0x80000047;
	[dreg:$0x4] =	wrdreg s9  }
0x9: {  	s9 =	sshrl.u32 s28, $0x2;
	s6 =	sadd.s32 s6, s5;
	s5 =	smul.u32 $0x2710000, s4  }
0xa: {  	s4 =	ssub.s32 $0x2, s4;
	s7 =	sadd.s32 s8, s7;
	s13 =	sadd.s32 s9, s2  }
0xb: {  	s24 =	sshrl.u32 s6, $0x3;
	s6 =	sadd.s32 $0x800, s0;
	s25 =	sshrl.u32 s4, $0x1  }
0xc: {  	s7 =	sshrl.u32 s7, $0x3;
	[dreg:$0x8] =	wrdreg s13;
	s0 =	sadd.s32 s24, s0  }
0xd: {  	s4 =	ssub.s32 s4, s25;
	s8 =	sadd.s32 s5, s10;
	s12 =	sadd.s32 s1, s7  }
0xe: {  	s10 =	sshll.u32 s11, $0x6;
	s11 =	smul.u32 $0xA0, s11;
	s26 =	sshrl.u32 s8, $0x3  }
0xf: {  	s7 =	sor.u32 $0x4000, s8;
	s0 =	sadd.s32 $0x9C7000, s0;
	s14 =	smax.u32 s4, $0x1  }
0x10: {  	s15 =	sor.u32 $0xC000, s8;
	s16 =	sor.u32 $0x8000, s8;
	s17 =	sadd.s32 $0x4C000, s8  }
0x11: {  	s20 =	sadd.s32 $0x48000, s8;
	s21 =	sadd.s32 $0x8C000, s8;
	s22 =	sadd.s32 $0x88000, s8  }
0x12: {  	s25 =	sadd.s32 $0xCC000, s8;
	s28 =	sadd.s32 $0xC8000, s8;
	[dreg:$0x5] =	wrdreg s12  }
0x13: {  	s9 =	sadd.s32 $0x14C000, s8;
	s31 =	sadd.s32 s6, s26;
	[dreg:$0xa] =	wrdreg s0  }
0x14: {  	s1 =	sshrl.u32 s7, $0x3;
	s26 =	sor.u32 $0x1C05, s10;
	[dreg:$0xb] =	wrdreg s14  }
0x15: {  	s0 =	sshrl.u32 s15, $0x3;
	s18 =	sshrl.u32 s16, $0x3;
	s19 =	sshrl.u32 s17, $0x3  }
0x16: {  	s23 =	sshrl.u32 s21, $0x3;
	s24 =	sshrl.u32 s22, $0x3;
	s7 =	sadd.s32 $0x108000, s8  }
0x17: {  	s10 =	sadd.s32 $0x148000, s8;
	s13 =	sadd.s32 $0x63, s11;
	[dreg:$0x6] =	wrdreg s31  }
0x18: {  	s1 =	sadd.s32 s6, s1;
	s14 =	sadd.s32 s0, s6;
	s15 =	sadd.s32 s18, s6  }
0x19: {  	s16 =	sadd.s32 s19, s6;
	s0 =	sshrl.u32 s20, $0x3;
	s18 =	sadd.s32 s23, s6  }
0x1a: {  	s19 =	sadd.s32 s24, s6;
	s31 =	sadd.s32 $0x10C000, s8;
	[dreg:$0xc] =	wrdreg s13  }
0x1b: {  	s8 =	sadd.s32 $0x300, s12;
	s13 =	sadd.s32 $0x700, s12;
	[dreg:$0x9] =	wrdreg s26  }
0x1c: {  	[dreg:$0x7] =	wrdreg s1;
	s17 =	sadd.s32 s0, s6;
	s0 =	sshrl.u32 s25, $0x3  }
0x1d: {  	s1 =	sshrl.u32 s28, $0x3;
	s4 =	sshrl.u32 s31, $0x3;
	[dreg:$0x11] =	wrdreg s8  }
0x1e: {  	s28 =	sadd.s32 $0x73, s11;
	s31 =	sadd.s32 $0x83, s11;
	[dreg:$0x15] =	wrdreg s13  }
0x1f: {  	s8 =	simm.s32 $0x5;
	s13 =	simm.s32 $0x2;
	s20 =	sadd.s32 s0, s6  }
0x20: {  	s21 =	sadd.s32 s1, s6;
	s22 =	sadd.s32 s4, s6;
	[dreg:$0xd] =	wrdreg s28  }
0x21: {  	s0 =	sshrl.u32 s7, $0x3;
	[dreg:$0xe] =	wrdreg s31;
	s7 =	sadd.s32 $0x200, s12  }
0x22: {  	s1 =	sshrl.u32 s9, $0x3;
	s9 =	sadd.s32 $0x400, s12;
	[dreg:$0x10] =	wrdreg s7  }
0x23: {  	s4 =	sshrl.u32 s10, $0x3;
	s10 =	sadd.s32 $0x500, s12;
	[dreg:$0x12] =	wrdreg s9  }
0x24: {  	s28 =	sadd.s32 $0x800, s12;
	s31 =	sadd.s32 $0x900, s12;
	[dreg:$0x13] =	wrdreg s10  }
0x25: {  	s23 =	sadd.s32 s0, s6;
	s24 =	sadd.s32 s1, s6;
	[dreg:$0x16] =	wrdreg s28  }
0x26: {  	s25 =	sadd.s32 s4, s6;
	s1 =	sadd.s32 $0x93, s11;
	[dreg:$0x17] =	wrdreg s31  }
0x27: {  	s4 =	sadd.s32 $0x100, s12;
	s11 =	sadd.s32 $0x600, s12;
	[dreg:$0x18] =	wrdreg s1  }
0x28: {  	s9 =	simm.s32 $0x3;
	s10 =	simm.s32 $0x1;
	[dreg:$0xf] =	wrdreg s4  }
0x29: {  	s12 =	simm.s32 $0x80;
	s7 =	simm.s32 $0x4;
	[dreg:$0x14] =	wrdreg s11  }
0x2a: {  	s1 =	simm.s32 $0x15000;
	s4 =	simm.s32 $0x19000;
	s11 =	simm.s32 $0x0  }
.LBB2_1:
0x2b: {  	s0 =	rddreg [dreg:$0x5]  }
0x2c: {  	[tilespmem:s29], [sflag:$0x3] =	stream.linear.gather [hbm4b:s0+s3], $0x800, $0x38;
	[tilespmem:$0x1D000] =	vst v63  }
0x2d: {  	s28 =	rddreg [dreg:$0xf]  }
0x2e: {  	[tilespmem:s30], [sflag:$0x4] =	stream.linear.gather [hbm4b:s28+s3], $0x800, $0x38;
	[tilespmem:$0x1D000] =	vst v63  }
0x2f: {  	s28 =	rddreg [dreg:$0x6]  }
0x30: {  	[tilespmem:s1], [sflag:$0x1] =	stream.linear.gather [hbm4b:s28+s3], $0x4000, $0x38;
	[tilespmem:$0x1D000] =	vst v63  }
0x31: {  	s28 =	rddreg [dreg:$0x7]  }
0x32: {  	[tilespmem:s4], [sflag:$0x2] =	stream.linear.gather [hbm4b:s28+s3], $0x4000, $0x38;
	[tilespmem:$0x1D000] =	vst v63  }
0x33: {  	s28 =	rddreg [dreg:$0x8]  }
0x34: {  	s0 =	rddreg [dreg:$0x4];
	s28 =	sshrl.u32 s28, $0x3  }
0x35: {  	[dreg:$0x19] =	wrdreg s28  }
0x36: {  	[spmem:s28], [sflag:s26] =	dma.local [hbm:s0], $0x2800  }
0x37: {  	_ =	swait.ge [sflag:s8], $0x2800  }
0x38: {  	[sflag:s8] =	ssyncset.done $0x0  }
0x39: {  	[sflag:s8] =	ssyncadd.s32 $0xFFFFD800  }
0x3a: {  	[bflag:$0x0] =	sbarrier.arrive $0xFFFF  }
0x3b: {  	_ =	swait.ge [sflag:s9], $0x800  }
0x3c: {  	[sflag:s9] =	ssyncset.done $0x0  }
0x3d: {  	[sflag:s9] =	ssyncadd.s32 $0xFFFFF800  }
0x3e: {  	_ =	swait.ge [sflag:s10], $0x4000  }
0x3f: {  	[sflag:s10] =	ssyncset.done $0x0  }
0x40: {  	s28 =	simm.s32 $0x14000;
	[sflag:s10] =	ssyncadd.s32 $0xFFFFC000  }
0x41: {  	[spmem:s2] =	stream.indirect.scatter.add.f32 [tilespmem:s1], [sflag:$0x5], $0x80, s28, s12, $0xb8;
	[tilespmem:$0x1D000] =	vst v63  }
0x42: {  	_ =	swait.ge [sflag:s8], $0x4000  }
0x43: {  	[sflag:s8] =	ssyncset.done $0x0  }
0x44: {  	s26 =	sadd.s32 $0x0, s15;
	[sflag:s8] =	ssyncadd.s32 $0xFFFFC000  }
0x45: {  	[tilespmem:s1], [sflag:$0x1] =	stream.linear.gather [hbm4b:s26+s3], $0x4000, $0x38;
	[tilespmem:$0x1D000] =	vst v63  }
0x46: {  	_ =	swait.ge [sflag:s13], $0x4000  }
0x47: {  	[sflag:s13] =	ssyncset.done $0x0  }
0x48: {  	s28 =	simm.s32 $0x14080;
	[sflag:s13] =	ssyncadd.s32 $0xFFFFC000  }
0x49: {  	[spmem:s2] =	stream.indirect.scatter.add.f32 [tilespmem:s4], [sflag:$0x5], $0x80, s28, s12, $0xb8;
	[tilespmem:$0x1D000] =	vst v63  }
0x4a: {  	_ =	swait.ge [sflag:s8], $0x4000  }
0x4b: {  	s31 =	sadd.s32 $0x0, s14;
	[sflag:s8] =	ssyncset.done $0x0  }
0x4c: {  	s0 =	simm.s32 $0x1000;
	s26 =	simm.s32 $0x14180;
	[sflag:s8] =	ssyncadd.s32 $0xFFFFC000  }
.LBB2_2:
0x4d: {  	[tilespmem:s4], [sflag:$0x2] =	stream.linear.gather [hbm4b:s31+s3], $0x4000, $0x38;
	[tilespmem:$0x1D000] =	vst v63  }
0x4e: {  	s31 =	smov.u32 s0  }
0x4f: {  	p0 =	sne.s32 s0, $0x7000;
	s0 =	sadd.s32 $0x1000, s0;
	_ =	swait.ge [sflag:s10], $0x4000  }
0x50: {  	[sflag:s10] =	ssyncset.done $0x0  }
0x51: {  	s28 =	sadd.s32 $0xFFFFFF80, s26;
	[sflag:s10] =	ssyncadd.s32 $0xFFFFC000  }
0x52: {  	[spmem:s2] =	stream.indirect.scatter.add.f32 [tilespmem:s1], [sflag:$0x5], $0x80, s28, s12, $0xb8;
	[tilespmem:$0x1D000] =	vst v63  }
0x53: {  	_ =	swait.ge [sflag:s8], $0x4000  }
0x54: {  	[sflag:s8] =	ssyncset.done $0x0  }
0x55: {  	s28 =	sadd.s32 s31, s15;
	[sflag:s8] =	ssyncadd.s32 $0xFFFFC000  }
0x56: {  	[tilespmem:s1], [sflag:$0x1] =	stream.linear.gather [hbm4b:s28+s3], $0x4000, $0x38;
	[tilespmem:$0x1D000] =	vst v63  }
0x57: {  	_ =	swait.ge [sflag:s13], $0x4000  }
0x58: {  	[sflag:s13] =	ssyncset.done $0x0  }
.Ltmp0:
0x59: {  	[sflag:s13] =	ssyncadd.s32 $0xFFFFC000;
	(pc) =	sbr.rel @p0 .LBB2_2-.Ltmp0, $4  }
0x5a: {  	[spmem:s2] =	stream.indirect.scatter.add.f32 [tilespmem:s4], [sflag:$0x5], $0x80, s26, s12, $0xb8;
	[tilespmem:$0x1D000] =	vst v63  }
0x5b: {  	_ =	swait.ge [sflag:s8], $0x4000  }
0x5c: {  	[sflag:s8] =	ssyncset.done $0x0  }
0x5d: {  	s31 =	sadd.s32 s31, s14;
	s26 =	sadd.s32 $0x100, s26;
	[sflag:s8] =	ssyncadd.s32 $0xFFFFC000  }
0x5e: {  	[tilespmem:s4], [sflag:$0x2] =	stream.linear.gather [hbm4b:s31+s3], $0x4000, $0x38;
	[tilespmem:$0x1D000] =	vst v63  }
0x5f: {  	s0 =	simm.s32 $0x0;
	s26 =	rddreg [dreg:$0x10]  }
0x60: {  	[tilespmem:s29], [sflag:$0x3] =	stream.linear.gather [hbm4b:s26+s0], $0x800, $0x38;
	[tilespmem:$0x1D000] =	vst v63  }
0x61: {  	_ =	swait.ge [sflag:s7], $0x800  }
0x62: {  	[sflag:s7] =	ssyncset.done $0x0  }
0x63: {  	[sflag:s7] =	ssyncadd.s32 $0xFFFFF800  }
0x64: {  	_ =	swait.ge [sflag:s10], $0x4000  }
0x65: {  	[sflag:s10] =	ssyncset.done $0x0  }
0x66: {  	s28 =	simm.s32 $0x14800;
	[sflag:s10] =	ssyncadd.s32 $0xFFFFC000  }
0x67: {  	[spmem:s2] =	stream.indirect.scatter.add.f32 [tilespmem:s1], [sflag:$0x5], $0x80, s28, s12, $0xb8;
	[tilespmem:$0x1D000] =	vst v63  }
0x68: {  	_ =	swait.ge [sflag:s8], $0x4000  }
0x69: {  	[sflag:s8] =	ssyncset.done $0x0  }
0x6a: {  	s26 =	sadd.s32 $0x0, s17;
	[sflag:s8] =	ssyncadd.s32 $0xFFFFC000  }
0x6b: {  	[tilespmem:s1], [sflag:$0x1] =	stream.linear.gather [hbm4b:s26+s3], $0x4000, $0x38;
	[tilespmem:$0x1D000] =	vst v63  }
0x6c: {  	_ =	swait.ge [sflag:s13], $0x4000  }
0x6d: {  	[sflag:s13] =	ssyncset.done $0x0  }
0x6e: {  	s28 =	simm.s32 $0x14880;
	[sflag:s13] =	ssyncadd.s32 $0xFFFFC000  }
0x6f: {  	[spmem:s2] =	stream.indirect.scatter.add.f32 [tilespmem:s4], [sflag:$0x5], $0x80, s28, s12, $0xb8;
	[tilespmem:$0x1D000] =	vst v63  }
0x70: {  	_ =	swait.ge [sflag:s8], $0x4000  }
0x71: {  	s31 =	sadd.s32 $0x0, s16;
	[sflag:s8] =	ssyncset.done $0x0  }
0x72: {  	s0 =	simm.s32 $0x1000;
	s26 =	simm.s32 $0x14980;
	[sflag:s8] =	ssyncadd.s32 $0xFFFFC000  }
.LBB2_4:
0x73: {  	[tilespmem:s4], [sflag:$0x2] =	stream.linear.gather [hbm4b:s31+s3], $0x4000, $0x38;
	[tilespmem:$0x1D000] =	vst v63  }
0x74: {  	s28 =	smov.u32 s0  }
0x75: {  	p0 =	sne.s32 s0, $0x7000;
	s0 =	sadd.s32 $0x1000, s0;
	_ =	swait.ge [sflag:s10], $0x4000  }
0x76: {  	[sflag:s10] =	ssyncset.done $0x0  }
0x77: {  	s31 =	sadd.s32 $0xFFFFFF80, s26;
	[sflag:s10] =	ssyncadd.s32 $0xFFFFC000  }
0x78: {  	[spmem:s2] =	stream.indirect.scatter.add.f32 [tilespmem:s1], [sflag:$0x5], $0x80, s31, s12, $0xb8;
	[tilespmem:$0x1D000] =	vst v63  }
0x79: {  	_ =	swait.ge [sflag:s8], $0x4000  }
0x7a: {  	[sflag:s8] =	ssyncset.done $0x0  }
0x7b: {  	s31 =	sadd.s32 s28, s17;
	[sflag:s8] =	ssyncadd.s32 $0xFFFFC000  }
0x7c: {  	[tilespmem:s1], [sflag:$0x1] =	stream.linear.gather [hbm4b:s31+s3], $0x4000, $0x38;
	[tilespmem:$0x1D000] =	vst v63  }
0x7d: {  	_ =	swait.ge [sflag:s13], $0x4000  }
0x7e: {  	[sflag:s13] =	ssyncset.done $0x0  }
.Ltmp1:
0x7f: {  	[sflag:s13] =	ssyncadd.s32 $0xFFFFC000;
	(pc) =	sbr.rel @p0 .LBB2_4-.Ltmp1, $4  }
0x80: {  	[spmem:s2] =	stream.indirect.scatter.add.f32 [tilespmem:s4], [sflag:$0x5], $0x80, s26, s12, $0xb8;
	[tilespmem:$0x1D000] =	vst v63  }
0x81: {  	_ =	swait.ge [sflag:s8], $0x4000  }
0x82: {  	[sflag:s8] =	ssyncset.done $0x0  }
0x83: {  	s31 =	sadd.s32 s28, s16;
	s26 =	sadd.s32 $0x100, s26;
	[sflag:s8] =	ssyncadd.s32 $0xFFFFC000  }
0x84: {  	[tilespmem:s4], [sflag:$0x2] =	stream.linear.gather [hbm4b:s31+s3], $0x4000, $0x38;
	[tilespmem:$0x1D000] =	vst v63  }
0x85: {  	s0 =	simm.s32 $0x0;
	s26 =	rddreg [dreg:$0x11]  }
0x86: {  	[tilespmem:s30], [sflag:$0x4] =	stream.linear.gather [hbm4b:s26+s0], $0x800, $0x38;
	[tilespmem:$0x1D000] =	vst v63  }
0x87: {  	_ =	swait.ge [sflag:s9], $0x800  }
0x88: {  	[sflag:s9] =	ssyncset.done $0x0  }
0x89: {  	[sflag:s9] =	ssyncadd.s32 $0xFFFFF800  }
0x8a: {  	_ =	swait.ge [sflag:s10], $0x4000  }
0x8b: {  	[sflag:s10] =	ssyncset.done $0x0  }
0x8c: {  	s28 =	simm.s32 $0x14000;
	[sflag:s10] =	ssyncadd.s32 $0xFFFFC000  }
0x8d: {  	[spmem:s2] =	stream.indirect.scatter.add.f32 [tilespmem:s1], [sflag:$0x5], $0x80, s28, s12, $0xb8;
	[tilespmem:$0x1D000] =	vst v63  }
0x8e: {  	_ =	swait.ge [sflag:s8], $0x4000  }
0x8f: {  	[sflag:s8] =	ssyncset.done $0x0  }
0x90: {  	s26 =	sadd.s32 $0x0, s19;
	[sflag:s8] =	ssyncadd.s32 $0xFFFFC000  }
0x91: {  	[tilespmem:s1], [sflag:$0x1] =	stream.linear.gather [hbm4b:s26+s3], $0x4000, $0x38;
	[tilespmem:$0x1D000] =	vst v63  }
0x92: {  	_ =	swait.ge [sflag:s13], $0x4000  }
0x93: {  	[sflag:s13] =	ssyncset.done $0x0  }
0x94: {  	s28 =	simm.s32 $0x14080;
	[sflag:s13] =	ssyncadd.s32 $0xFFFFC000  }
0x95: {  	[spmem:s2] =	stream.indirect.scatter.add.f32 [tilespmem:s4], [sflag:$0x5], $0x80, s28, s12, $0xb8;
	[tilespmem:$0x1D000] =	vst v63  }
0x96: {  	_ =	swait.ge [sflag:s8], $0x4000  }
0x97: {  	s31 =	sadd.s32 $0x0, s18;
	[sflag:s8] =	ssyncset.done $0x0  }
0x98: {  	s0 =	simm.s32 $0x1000;
	s26 =	simm.s32 $0x14180;
	[sflag:s8] =	ssyncadd.s32 $0xFFFFC000  }
.LBB2_6:
0x99: {  	[tilespmem:s4], [sflag:$0x2] =	stream.linear.gather [hbm4b:s31+s3], $0x4000, $0x38;
	[tilespmem:$0x1D000] =	vst v63  }
0x9a: {  	s28 =	smov.u32 s0  }
0x9b: {  	p0 =	sne.s32 s0, $0x7000;
	s0 =	sadd.s32 $0x1000, s0;
	_ =	swait.ge [sflag:s10], $0x4000  }
0x9c: {  	[sflag:s10] =	ssyncset.done $0x0  }
0x9d: {  	s31 =	sadd.s32 $0xFFFFFF80, s26;
	[sflag:s10] =	ssyncadd.s32 $0xFFFFC000  }
0x9e: {  	[spmem:s2] =	stream.indirect.scatter.add.f32 [tilespmem:s1], [sflag:$0x5], $0x80, s31, s12, $0xb8;
	[tilespmem:$0x1D000] =	vst v63  }
0x9f: {  	_ =	swait.ge [sflag:s8], $0x4000  }
0xa0: {  	[sflag:s8] =	ssyncset.done $0x0  }
0xa1: {  	s31 =	sadd.s32 s28, s19;
	[sflag:s8] =	ssyncadd.s32 $0xFFFFC000  }
0xa2: {  	[tilespmem:s1], [sflag:$0x1] =	stream.linear.gather [hbm4b:s31+s3], $0x4000, $0x38;
	[tilespmem:$0x1D000] =	vst v63  }
0xa3: {  	_ =	swait.ge [sflag:s13], $0x4000  }
0xa4: {  	[sflag:s13] =	ssyncset.done $0x0  }
.Ltmp2:
0xa5: {  	[sflag:s13] =	ssyncadd.s32 $0xFFFFC000;
	(pc) =	sbr.rel @p0 .LBB2_6-.Ltmp2, $4  }
0xa6: {  	[spmem:s2] =	stream.indirect.scatter.add.f32 [tilespmem:s4], [sflag:$0x5], $0x80, s26, s12, $0xb8;
	[tilespmem:$0x1D000] =	vst v63  }
0xa7: {  	_ =	swait.ge [sflag:s8], $0x4000  }
0xa8: {  	[sflag:s8] =	ssyncset.done $0x0  }
0xa9: {  	s31 =	sadd.s32 s28, s18;
	s26 =	sadd.s32 $0x100, s26;
	[sflag:s8] =	ssyncadd.s32 $0xFFFFC000  }
0xaa: {  	[tilespmem:s4], [sflag:$0x2] =	stream.linear.gather [hbm4b:s31+s3], $0x4000, $0x38;
	[tilespmem:$0x1D000] =	vst v63  }
0xab: {  	s0 =	simm.s32 $0x0;
	s26 =	rddreg [dreg:$0x12]  }
0xac: {  	[tilespmem:s29], [sflag:$0x3] =	stream.linear.gather [hbm4b:s26+s0], $0x800, $0x38;
	[tilespmem:$0x1D000] =	vst v63  }
0xad: {  	_ =	swait.ge [sflag:s7], $0x800  }
0xae: {  	[sflag:s7] =	ssyncset.done $0x0  }
0xaf: {  	[sflag:s7] =	ssyncadd.s32 $0xFFFFF800  }
0xb0: {  	_ =	swait.ge [sflag:s10], $0x4000  }
0xb1: {  	[sflag:s10] =	ssyncset.done $0x0  }
0xb2: {  	s28 =	simm.s32 $0x14800;
	[sflag:s10] =	ssyncadd.s32 $0xFFFFC000  }
0xb3: {  	[spmem:s2] =	stream.indirect.scatter.add.f32 [tilespmem:s1], [sflag:$0x5], $0x80, s28, s12, $0xb8;
	[tilespmem:$0x1D000] =	vst v63  }
0xb4: {  	_ =	swait.ge [sflag:s8], $0x4000  }
0xb5: {  	[sflag:s8] =	ssyncset.done $0x0  }
0xb6: {  	s26 =	sadd.s32 $0x0, s21;
	[sflag:s8] =	ssyncadd.s32 $0xFFFFC000  }
0xb7: {  	[tilespmem:s1], [sflag:$0x1] =	stream.linear.gather [hbm4b:s26+s3], $0x4000, $0x38;
	[tilespmem:$0x1D000] =	vst v63  }
0xb8: {  	_ =	swait.ge [sflag:s13], $0x4000  }
0xb9: {  	[sflag:s13] =	ssyncset.done $0x0  }
0xba: {  	s28 =	simm.s32 $0x14880;
	[sflag:s13] =	ssyncadd.s32 $0xFFFFC000  }
0xbb: {  	[spmem:s2] =	stream.indirect.scatter.add.f32 [tilespmem:s4], [sflag:$0x5], $0x80, s28, s12, $0xb8;
	[tilespmem:$0x1D000] =	vst v63  }
0xbc: {  	_ =	swait.ge [sflag:s8], $0x4000  }
0xbd: {  	s31 =	sadd.s32 $0x0, s20;
	[sflag:s8] =	ssyncset.done $0x0  }
0xbe: {  	s0 =	simm.s32 $0x1000;
	s26 =	simm.s32 $0x14980;
	[sflag:s8] =	ssyncadd.s32 $0xFFFFC000  }
.LBB2_8:
0xbf: {  	[tilespmem:s4], [sflag:$0x2] =	stream.linear.gather [hbm4b:s31+s3], $0x4000, $0x38;
	[tilespmem:$0x1D000] =	vst v63  }
0xc0: {  	s28 =	smov.u32 s0  }
0xc1: {  	p0 =	sne.s32 s0, $0x7000;
	s0 =	sadd.s32 $0x1000, s0;
	_ =	swait.ge [sflag:s10], $0x4000  }
0xc2: {  	[sflag:s10] =	ssyncset.done $0x0  }
0xc3: {  	s31 =	sadd.s32 $0xFFFFFF80, s26;
	[sflag:s10] =	ssyncadd.s32 $0xFFFFC000  }
0xc4: {  	[spmem:s2] =	stream.indirect.scatter.add.f32 [tilespmem:s1], [sflag:$0x5], $0x80, s31, s12, $0xb8;
	[tilespmem:$0x1D000] =	vst v63  }
0xc5: {  	_ =	swait.ge [sflag:s8], $0x4000  }
0xc6: {  	[sflag:s8] =	ssyncset.done $0x0  }
0xc7: {  	s31 =	sadd.s32 s28, s21;
	[sflag:s8] =	ssyncadd.s32 $0xFFFFC000  }
0xc8: {  	[tilespmem:s1], [sflag:$0x1] =	stream.linear.gather [hbm4b:s31+s3], $0x4000, $0x38;
	[tilespmem:$0x1D000] =	vst v63  }
0xc9: {  	_ =	swait.ge [sflag:s13], $0x4000  }
0xca: {  	[sflag:s13] =	ssyncset.done $0x0  }
.Ltmp3:
0xcb: {  	[sflag:s13] =	ssyncadd.s32 $0xFFFFC000;
	(pc) =	sbr.rel @p0 .LBB2_8-.Ltmp3, $4  }
0xcc: {  	[spmem:s2] =	stream.indirect.scatter.add.f32 [tilespmem:s4], [sflag:$0x5], $0x80, s26, s12, $0xb8;
	[tilespmem:$0x1D000] =	vst v63  }
0xcd: {  	_ =	swait.ge [sflag:s8], $0x4000  }
0xce: {  	[sflag:s8] =	ssyncset.done $0x0  }
0xcf: {  	s31 =	sadd.s32 s28, s20;
	s26 =	sadd.s32 $0x100, s26;
	[sflag:s8] =	ssyncadd.s32 $0xFFFFC000  }
0xd0: {  	[tilespmem:s4], [sflag:$0x2] =	stream.linear.gather [hbm4b:s31+s3], $0x4000, $0x38;
	[tilespmem:$0x1D000] =	vst v63  }
0xd1: {  	s0 =	simm.s32 $0x0;
	s26 =	rddreg [dreg:$0x13]  }
0xd2: {  	[tilespmem:s30], [sflag:$0x4] =	stream.linear.gather [hbm4b:s26+s0], $0x800, $0x38;
	[tilespmem:$0x1D000] =	vst v63  }
0xd3: {  	_ =	swait.ge [sflag:s9], $0x800  }
0xd4: {  	[sflag:s9] =	ssyncset.done $0x0  }
0xd5: {  	[sflag:s9] =	ssyncadd.s32 $0xFFFFF800  }
0xd6: {  	_ =	swait.ge [sflag:s10], $0x4000  }
0xd7: {  	[sflag:s10] =	ssyncset.done $0x0  }
0xd8: {  	s26 =	simm.s32 $0x14000;
	[sflag:s10] =	ssyncadd.s32 $0xFFFFC000  }
0xd9: {  	[spmem:s2] =	stream.indirect.scatter.add.f32 [tilespmem:s1], [sflag:$0x5], $0x80, s26, s12, $0xb8;
	[tilespmem:$0x1D000] =	vst v63  }
0xda: {  	_ =	swait.ge [sflag:s8], $0x4000  }
0xdb: {  	[sflag:s8] =	ssyncset.done $0x0  }
0xdc: {  	s28 =	sadd.s32 $0x0, s23;
	[sflag:s8] =	ssyncadd.s32 $0xFFFFC000  }
0xdd: {  	[tilespmem:s1], [sflag:$0x1] =	stream.linear.gather [hbm4b:s28+s3], $0x4000, $0x38;
	[tilespmem:$0x1D000] =	vst v63  }
0xde: {  	_ =	swait.ge [sflag:s13], $0x4000  }
0xdf: {  	[sflag:s13] =	ssyncset.done $0x0  }
0xe0: {  	s30 =	simm.s32 $0x14080;
	[sflag:s13] =	ssyncadd.s32 $0xFFFFC000  }
0xe1: {  	[spmem:s2] =	stream.indirect.scatter.add.f32 [tilespmem:s4], [sflag:$0x5], $0x80, s30, s12, $0xb8;
	[tilespmem:$0x1D000] =	vst v63  }
0xe2: {  	_ =	swait.ge [sflag:s8], $0x4000  }
0xe3: {  	s31 =	sadd.s32 $0x0, s22;
	[sflag:s8] =	ssyncset.done $0x0  }
0xe4: {  	s0 =	simm.s32 $0x1000;
	s26 =	simm.s32 $0x14180;
	[sflag:s8] =	ssyncadd.s32 $0xFFFFC000  }
.LBB2_10:
0xe5: {  	[tilespmem:s4], [sflag:$0x2] =	stream.linear.gather [hbm4b:s31+s3], $0x4000, $0x38;
	[tilespmem:$0x1D000] =	vst v63  }
0xe6: {  	s28 =	smov.u32 s0  }
0xe7: {  	p0 =	sne.s32 s0, $0x7000;
	s0 =	sadd.s32 $0x1000, s0;
	_ =	swait.ge [sflag:s10], $0x4000  }
0xe8: {  	[sflag:s10] =	ssyncset.done $0x0  }
0xe9: {  	s31 =	sadd.s32 $0xFFFFFF80, s26;
	[sflag:s10] =	ssyncadd.s32 $0xFFFFC000  }
0xea: {  	[spmem:s2] =	stream.indirect.scatter.add.f32 [tilespmem:s1], [sflag:$0x5], $0x80, s31, s12, $0xb8;
	[tilespmem:$0x1D000] =	vst v63  }
0xeb: {  	_ =	swait.ge [sflag:s8], $0x4000  }
0xec: {  	[sflag:s8] =	ssyncset.done $0x0  }
0xed: {  	s31 =	sadd.s32 s28, s23;
	[sflag:s8] =	ssyncadd.s32 $0xFFFFC000  }
0xee: {  	[tilespmem:s1], [sflag:$0x1] =	stream.linear.gather [hbm4b:s31+s3], $0x4000, $0x38;
	[tilespmem:$0x1D000] =	vst v63  }
0xef: {  	_ =	swait.ge [sflag:s13], $0x4000  }
0xf0: {  	[sflag:s13] =	ssyncset.done $0x0  }
.Ltmp4:
0xf1: {  	[sflag:s13] =	ssyncadd.s32 $0xFFFFC000;
	(pc) =	sbr.rel @p0 .LBB2_10-.Ltmp4, $4  }
0xf2: {  	[spmem:s2] =	stream.indirect.scatter.add.f32 [tilespmem:s4], [sflag:$0x5], $0x80, s26, s12, $0xb8;
	[tilespmem:$0x1D000] =	vst v63  }
0xf3: {  	_ =	swait.ge [sflag:s8], $0x4000  }
0xf4: {  	[sflag:s8] =	ssyncset.done $0x0  }
0xf5: {  	s31 =	sadd.s32 s28, s22;
	s26 =	sadd.s32 $0x100, s26;
	[sflag:s8] =	ssyncadd.s32 $0xFFFFC000  }
0xf6: {  	[tilespmem:s4], [sflag:$0x2] =	stream.linear.gather [hbm4b:s31+s3], $0x4000, $0x38;
	[tilespmem:$0x1D000] =	vst v63  }
0xf7: {  	s0 =	simm.s32 $0x0;
	s26 =	rddreg [dreg:$0x14]  }
0xf8: {  	[tilespmem:s29], [sflag:$0x3] =	stream.linear.gather [hbm4b:s26+s0], $0x800, $0x38;
	[tilespmem:$0x1D000] =	vst v63  }
0xf9: {  	_ =	swait.ge [sflag:s7], $0x800  }
0xfa: {  	[sflag:s7] =	ssyncset.done $0x0  }
0xfb: {  	[sflag:s7] =	ssyncadd.s32 $0xFFFFF800  }
0xfc: {  	_ =	swait.ge [sflag:s10], $0x4000  }
0xfd: {  	[sflag:s10] =	ssyncset.done $0x0  }
0xfe: {  	s26 =	simm.s32 $0x14800;
	[sflag:s10] =	ssyncadd.s32 $0xFFFFC000  }
0xff: {  	[spmem:s2] =	stream.indirect.scatter.add.f32 [tilespmem:s1], [sflag:$0x5], $0x80, s26, s12, $0xb8;
	[tilespmem:$0x1D000] =	vst v63  }
0x100: {  	_ =	swait.ge [sflag:s8], $0x4000  }
0x101: {  	[sflag:s8] =	ssyncset.done $0x0  }
0x102: {  	s28 =	sadd.s32 $0x0, s25;
	[sflag:s8] =	ssyncadd.s32 $0xFFFFC000  }
0x103: {  	[tilespmem:s1], [sflag:$0x1] =	stream.linear.gather [hbm4b:s28+s3], $0x4000, $0x38;
	[tilespmem:$0x1D000] =	vst v63  }
0x104: {  	_ =	swait.ge [sflag:s13], $0x4000  }
0x105: {  	[sflag:s13] =	ssyncset.done $0x0  }
0x106: {  	s29 =	simm.s32 $0x14880;
	[sflag:s13] =	ssyncadd.s32 $0xFFFFC000  }
0x107: {  	[spmem:s2] =	stream.indirect.scatter.add.f32 [tilespmem:s4], [sflag:$0x5], $0x80, s29, s12, $0xb8;
	[tilespmem:$0x1D000] =	vst v63  }
0x108: {  	_ =	swait.ge [sflag:s8], $0x4000  }
0x109: {  	s30 =	simm.s32 $0x14000;
	s31 =	sadd.s32 $0x0, s24;
	[sflag:s8] =	ssyncset.done $0x0  }
0x10a: {  	s0 =	simm.s32 $0x1000;
	s26 =	simm.s32 $0x14980;
	[sflag:s8] =	ssyncadd.s32 $0xFFFFC000  }
.LBB2_12:
0x10b: {  	[tilespmem:s4], [sflag:$0x2] =	stream.linear.gather [hbm4b:s31+s3], $0x4000, $0x38;
	[tilespmem:$0x1D000] =	vst v63  }
0x10c: {  	s28 =	smov.u32 s0  }
0x10d: {  	p0 =	sne.s32 s0, $0x7000;
	s0 =	sadd.s32 $0x1000, s0;
	_ =	swait.ge [sflag:s10], $0x4000  }
0x10e: {  	[sflag:s10] =	ssyncset.done $0x0  }
0x10f: {  	s31 =	sadd.s32 $0xFFFFFF80, s26;
	[sflag:s10] =	ssyncadd.s32 $0xFFFFC000  }
0x110: {  	[spmem:s2] =	stream.indirect.scatter.add.f32 [tilespmem:s1], [sflag:$0x5], $0x80, s31, s12, $0xb8;
	[tilespmem:$0x1D000] =	vst v63  }
0x111: {  	_ =	swait.ge [sflag:s8], $0x4000  }
0x112: {  	[sflag:s8] =	ssyncset.done $0x0  }
0x113: {  	s31 =	sadd.s32 s28, s25;
	[sflag:s8] =	ssyncadd.s32 $0xFFFFC000  }
0x114: {  	[tilespmem:s1], [sflag:$0x1] =	stream.linear.gather [hbm4b:s31+s3], $0x4000, $0x38;
	[tilespmem:$0x1D000] =	vst v63  }
0x115: {  	_ =	swait.ge [sflag:s13], $0x4000  }
0x116: {  	[sflag:s13] =	ssyncset.done $0x0  }
.Ltmp5:
0x117: {  	[sflag:s13] =	ssyncadd.s32 $0xFFFFC000;
	(pc) =	sbr.rel @p0 .LBB2_12-.Ltmp5, $4  }
0x118: {  	[spmem:s2] =	stream.indirect.scatter.add.f32 [tilespmem:s4], [sflag:$0x5], $0x80, s26, s12, $0xb8;
	[tilespmem:$0x1D000] =	vst v63  }
0x119: {  	_ =	swait.ge [sflag:s8], $0x4000  }
0x11a: {  	[sflag:s8] =	ssyncset.done $0x0  }
0x11b: {  	s31 =	sadd.s32 s28, s24;
	s26 =	sadd.s32 $0x100, s26;
	[sflag:s8] =	ssyncadd.s32 $0xFFFFC000  }
0x11c: {  	[tilespmem:s4], [sflag:$0x2] =	stream.linear.gather [hbm4b:s31+s3], $0x4000, $0x38;
	[tilespmem:$0x1D000] =	vst v63  }
0x11d: {  	s0 =	simm.s32 $0x0;
	s26 =	rddreg [dreg:$0x15];
	s28 =	simm.s32 $0x14800  }
0x11e: {  	[tilespmem:s28], [sflag:$0x4] =	stream.linear.gather [hbm4b:s26+s0], $0x800, $0x38;
	[tilespmem:$0x1D000] =	vst v63  }
0x11f: {  	_ =	swait.ge [sflag:s9], $0x800  }
0x120: {  	[sflag:s9] =	ssyncset.done $0x0  }
0x121: {  	[sflag:s9] =	ssyncadd.s32 $0xFFFFF800  }
0x122: {  	_ =	swait.ge [sflag:s10], $0x4000  }
0x123: {  	s28 =	rddreg [dreg:$0xc]  }
0x124: {  	[sflag:s10] =	ssyncset.done $0x0;
	s0 =	sadd.s32 $0xFFFFFFFF, s28  }
0x125: {  	s29 =	simm.s32 $0x14000;
	[sflag:s10] =	ssyncadd.s32 $0xFFFFC000;
	p0 =	slt.s32 s0, $0x9C3  }
0x126: {  	[spmem:s2] =	stream.indirect.scatter.add.f32 [tilespmem:s1], [sflag:$0x5], $0x80, s29, s12, $0xb8;
	[tilespmem:$0x1D000] =	vst v63  }
0x127: {  	s0 =	simm.s32 @!p0 $0x9C3  }
0x128: {  	s0 =	sshll.u32 s0, $0xE  }
0x129: {  	_ =	swait.ge [sflag:s8], $0x4000;
	s0 =	sadd.s32 s5, s0  }
0x12a: {  	[sflag:s8] =	ssyncset.done $0x0;
	s0 =	sshrl.u32 s0, $0x3  }
0x12b: {  	[sflag:s8] =	ssyncadd.s32 $0xFFFFC000;
	s0 =	sadd.s32 s6, s0  }
0x12c: {  	[tilespmem:s1], [sflag:$0x1] =	stream.linear.gather [hbm4b:s0+s3], $0x4000, $0x38;
	[tilespmem:$0x1D000] =	vst v63  }
0x12d: {  	p0 =	slt.s32 s28, $0x9C3;
	s0 =	smov.u32 s28;
	_ =	swait.ge [sflag:s13], $0x4000  }
0x12e: {  	s0 =	simm.s32 @!p0 $0x9C3;
	[sflag:s13] =	ssyncset.done $0x0  }
0x12f: {  	s29 =	simm.s32 $0x14080;
	s0 =	sshll.u32 s0, $0xE;
	[sflag:s13] =	ssyncadd.s32 $0xFFFFC000  }
0x130: {  	[spmem:s2] =	stream.indirect.scatter.add.f32 [tilespmem:s4], [sflag:$0x5], $0x80, s29, s12, $0xb8;
	[tilespmem:$0x1D000] =	vst v63  }
0x131: {  	s26 =	smov.u32 s28;
	s29 =	sadd.s32 s5, s0;
	_ =	swait.ge [sflag:s8], $0x4000  }
0x132: {  	s0 =	simm.s32 $0x400;
	s31 =	sshrl.u32 s29, $0x3;
	[sflag:s8] =	ssyncset.done $0x0  }
.LBB2_14:
0x133: {  	[sflag:s8] =	ssyncadd.s32 $0xFFFFC000;
	s28 =	sadd.s32 s6, s31;
	s26 =	sadd.s32 $0x2, s26  }
0x134: {  	[tilespmem:s4], [sflag:$0x2] =	stream.linear.gather [hbm4b:s28+s3], $0x4000, $0x38;
	[tilespmem:$0x1D000] =	vst v63  }
0x135: {  	p0 =	sne.s32 s0, $0x1C00;
	s28 =	sadd.s32 $0xFFFFFFFF, s26;
	_ =	swait.ge [sflag:s10], $0x4000  }
0x136: {  	s31 =	sshra.s32 s0, $0x2;
	p1 =	slt.s32 s28, $0x9C3;
	[sflag:s10] =	ssyncset.done $0x0  }
0x137: {  	s29 =	sadd.s32 $0x14000, s31;
	s28 =	simm.s32 @!p1 $0x9C3;
	[sflag:s10] =	ssyncadd.s32 $0xFFFFC000  }
0x138: {  	[spmem:s2] =	stream.indirect.scatter.add.f32 [tilespmem:s1], [sflag:$0x5], $0x80, s29, s12, $0xb8;
	[tilespmem:$0x1D000] =	vst v63  }
0x139: {  	s0 =	sadd.s32 $0x400, s0;
	s28 =	sshll.u32 s28, $0xE;
	_ =	swait.ge [sflag:s8], $0x4000  }
0x13a: {  	s28 =	sadd.s32 s5, s28;
	[sflag:s8] =	ssyncset.done $0x0  }
0x13b: {  	s28 =	sshrl.u32 s28, $0x3;
	[sflag:s8] =	ssyncadd.s32 $0xFFFFC000  }
0x13c: {  	p1 =	slt.s32 s26, $0x9C3;
	s29 =	smov.u32 s26;
	s28 =	sadd.s32 s6, s28  }
0x13d: {  	[tilespmem:s1], [sflag:$0x1] =	stream.linear.gather [hbm4b:s28+s3], $0x4000, $0x38;
	[tilespmem:$0x1D000] =	vst v63  }
0x13e: {  	s29 =	simm.s32 @!p1 $0x9C3;
	_ =	swait.ge [sflag:s13], $0x4000  }
.Ltmp6:
0x13f: {  	s28 =	sadd.s32 $0x14080, s31;
	[sflag:s13] =	ssyncset.done $0x0;
	(pc) =	sbr.rel @p0 .LBB2_14-.Ltmp6, $4  }
0x140: {  	s29 =	sshll.u32 s29, $0xE;
	[sflag:s13] =	ssyncadd.s32 $0xFFFFC000  }
0x141: {  	[spmem:s2] =	stream.indirect.scatter.add.f32 [tilespmem:s4], [sflag:$0x5], $0x80, s28, s12, $0xb8;
	[tilespmem:$0x1D000] =	vst v63  }
0x142: {  	s28 =	sadd.s32 s5, s29;
	_ =	swait.ge [sflag:s8], $0x4000  }
0x143: {  	s31 =	sshrl.u32 s28, $0x3;
	[sflag:s8] =	ssyncset.done $0x0  }
0x144: {  	[sflag:s8] =	ssyncadd.s32 $0xFFFFC000;
	s0 =	sadd.s32 s6, s31  }
0x145: {  	[tilespmem:s4], [sflag:$0x2] =	stream.linear.gather [hbm4b:s0+s3], $0x4000, $0x38;
	[tilespmem:$0x1D000] =	vst v63  }
0x146: {  	s29 =	simm.s32 $0x0;
	s26 =	rddreg [dreg:$0x16]  }
0x147: {  	[tilespmem:s30], [sflag:$0x3] =	stream.linear.gather [hbm4b:s26+s29], $0x800, $0x38;
	[tilespmem:$0x1D000] =	vst v63  }
0x148: {  	_ =	swait.ge [sflag:s7], $0x800  }
0x149: {  	[sflag:s7] =	ssyncset.done $0x0  }
0x14a: {  	[sflag:s7] =	ssyncadd.s32 $0xFFFFF800  }
0x14b: {  	_ =	swait.ge [sflag:s10], $0x4000  }
0x14c: {  	s28 =	rddreg [dreg:$0xd]  }
0x14d: {  	[sflag:s10] =	ssyncset.done $0x0;
	s0 =	sadd.s32 $0xFFFFFFFF, s28  }
0x14e: {  	s30 =	simm.s32 $0x14800;
	[sflag:s10] =	ssyncadd.s32 $0xFFFFC000;
	p0 =	slt.s32 s0, $0x9C3  }
0x14f: {  	[spmem:s2] =	stream.indirect.scatter.add.f32 [tilespmem:s1], [sflag:$0x5], $0x80, s30, s12, $0xb8;
	[tilespmem:$0x1D000] =	vst v63  }
0x150: {  	s0 =	simm.s32 @!p0 $0x9C3  }
0x151: {  	s0 =	sshll.u32 s0, $0xE  }
0x152: {  	_ =	swait.ge [sflag:s8], $0x4000;
	s0 =	sadd.s32 s5, s0  }
0x153: {  	[sflag:s8] =	ssyncset.done $0x0;
	s0 =	sshrl.u32 s0, $0x3  }
0x154: {  	[sflag:s8] =	ssyncadd.s32 $0xFFFFC000;
	s0 =	sadd.s32 s6, s0  }
0x155: {  	[tilespmem:s1], [sflag:$0x1] =	stream.linear.gather [hbm4b:s0+s3], $0x4000, $0x38;
	[tilespmem:$0x1D000] =	vst v63  }
0x156: {  	p0 =	slt.s32 s28, $0x9C3;
	s0 =	smov.u32 s28;
	_ =	swait.ge [sflag:s13], $0x4000  }
0x157: {  	s0 =	simm.s32 @!p0 $0x9C3;
	[sflag:s13] =	ssyncset.done $0x0  }
0x158: {  	s29 =	simm.s32 $0x14880;
	s0 =	sshll.u32 s0, $0xE;
	[sflag:s13] =	ssyncadd.s32 $0xFFFFC000  }
0x159: {  	[spmem:s2] =	stream.indirect.scatter.add.f32 [tilespmem:s4], [sflag:$0x5], $0x80, s29, s12, $0xb8;
	[tilespmem:$0x1D000] =	vst v63  }
0x15a: {  	s26 =	smov.u32 s28;
	s30 =	sadd.s32 s5, s0;
	_ =	swait.ge [sflag:s8], $0x4000  }
0x15b: {  	s0 =	simm.s32 $0x400;
	s31 =	sshrl.u32 s30, $0x3;
	[sflag:s8] =	ssyncset.done $0x0  }
.LBB2_16:
0x15c: {  	[sflag:s8] =	ssyncadd.s32 $0xFFFFC000;
	s28 =	sadd.s32 s6, s31;
	s26 =	sadd.s32 $0x2, s26  }
0x15d: {  	[tilespmem:s4], [sflag:$0x2] =	stream.linear.gather [hbm4b:s28+s3], $0x4000, $0x38;
	[tilespmem:$0x1D000] =	vst v63  }
0x15e: {  	p0 =	sne.s32 s0, $0x1C00;
	s28 =	sadd.s32 $0xFFFFFFFF, s26;
	_ =	swait.ge [sflag:s10], $0x4000  }
0x15f: {  	s29 =	sshra.s32 s0, $0x2;
	p1 =	slt.s32 s28, $0x9C3;
	[sflag:s10] =	ssyncset.done $0x0  }
0x160: {  	s31 =	sadd.s32 $0x14800, s29;
	s28 =	simm.s32 @!p1 $0x9C3;
	[sflag:s10] =	ssyncadd.s32 $0xFFFFC000  }
0x161: {  	[spmem:s2] =	stream.indirect.scatter.add.f32 [tilespmem:s1], [sflag:$0x5], $0x80, s31, s12, $0xb8;
	[tilespmem:$0x1D000] =	vst v63  }
0x162: {  	s0 =	sadd.s32 $0x400, s0;
	s28 =	sshll.u32 s28, $0xE;
	_ =	swait.ge [sflag:s8], $0x4000  }
0x163: {  	s28 =	sadd.s32 s5, s28;
	[sflag:s8] =	ssyncset.done $0x0  }
0x164: {  	s28 =	sshrl.u32 s28, $0x3;
	[sflag:s8] =	ssyncadd.s32 $0xFFFFC000  }
0x165: {  	p1 =	slt.s32 s26, $0x9C3;
	s28 =	sadd.s32 s6, s28  }
0x166: {  	[tilespmem:s1], [sflag:$0x1] =	stream.linear.gather [hbm4b:s28+s3], $0x4000, $0x38;
	[tilespmem:$0x1D000] =	vst v63  }
0x167: {  	s28 =	sadd.s32 $0x14880, s29;
	s29 =	smov.u32 s26;
	_ =	swait.ge [sflag:s13], $0x4000  }
.Ltmp7:
0x168: {  	s29 =	simm.s32 @!p1 $0x9C3;
	[sflag:s13] =	ssyncset.done $0x0;
	(pc) =	sbr.rel @p0 .LBB2_16-.Ltmp7, $4  }
0x169: {  	s29 =	sshll.u32 s29, $0xE;
	[sflag:s13] =	ssyncadd.s32 $0xFFFFC000  }
0x16a: {  	[spmem:s2] =	stream.indirect.scatter.add.f32 [tilespmem:s4], [sflag:$0x5], $0x80, s28, s12, $0xb8;
	[tilespmem:$0x1D000] =	vst v63  }
0x16b: {  	s28 =	sadd.s32 s5, s29;
	_ =	swait.ge [sflag:s8], $0x4000  }
0x16c: {  	s31 =	sshrl.u32 s28, $0x3;
	[sflag:s8] =	ssyncset.done $0x0  }
0x16d: {  	[sflag:s8] =	ssyncadd.s32 $0xFFFFC000;
	s0 =	sadd.s32 s6, s31  }
0x16e: {  	[tilespmem:s4], [sflag:$0x2] =	stream.linear.gather [hbm4b:s0+s3], $0x4000, $0x38;
	[tilespmem:$0x1D000] =	vst v63  }
0x16f: {  	s28 =	simm.s32 $0x0;
	s26 =	rddreg [dreg:$0x17];
	s30 =	simm.s32 $0x14800  }
0x170: {  	[tilespmem:s30], [sflag:$0x4] =	stream.linear.gather [hbm4b:s26+s28], $0x800, $0x38;
	[tilespmem:$0x1D000] =	vst v63  }
0x171: {  	_ =	swait.ge [sflag:s9], $0x800  }
0x172: {  	[sflag:s9] =	ssyncset.done $0x0  }
0x173: {  	[sflag:s9] =	ssyncadd.s32 $0xFFFFF800  }
0x174: {  	_ =	swait.ge [sflag:s10], $0x4000  }
0x175: {  	s28 =	rddreg [dreg:$0xe]  }
0x176: {  	[sflag:s10] =	ssyncset.done $0x0;
	s0 =	sadd.s32 $0xFFFFFFFF, s28  }
0x177: {  	s29 =	simm.s32 $0x14000;
	[sflag:s10] =	ssyncadd.s32 $0xFFFFC000;
	p0 =	slt.s32 s0, $0x9C3  }
0x178: {  	[spmem:s2] =	stream.indirect.scatter.add.f32 [tilespmem:s1], [sflag:$0x5], $0x80, s29, s12, $0xb8;
	[tilespmem:$0x1D000] =	vst v63  }
0x179: {  	s0 =	simm.s32 @!p0 $0x9C3  }
0x17a: {  	s0 =	sshll.u32 s0, $0xE  }
0x17b: {  	_ =	swait.ge [sflag:s8], $0x4000;
	s0 =	sadd.s32 s5, s0  }
0x17c: {  	[sflag:s8] =	ssyncset.done $0x0;
	s0 =	sshrl.u32 s0, $0x3  }
0x17d: {  	[sflag:s8] =	ssyncadd.s32 $0xFFFFC000;
	s0 =	sadd.s32 s6, s0  }
0x17e: {  	[tilespmem:s1], [sflag:$0x1] =	stream.linear.gather [hbm4b:s0+s3], $0x4000, $0x38;
	[tilespmem:$0x1D000] =	vst v63  }
0x17f: {  	p0 =	slt.s32 s28, $0x9C3;
	s0 =	smov.u32 s28;
	_ =	swait.ge [sflag:s13], $0x4000  }
0x180: {  	s0 =	simm.s32 @!p0 $0x9C3;
	[sflag:s13] =	ssyncset.done $0x0  }
0x181: {  	s29 =	simm.s32 $0x14080;
	s0 =	sshll.u32 s0, $0xE;
	[sflag:s13] =	ssyncadd.s32 $0xFFFFC000  }
0x182: {  	[spmem:s2] =	stream.indirect.scatter.add.f32 [tilespmem:s4], [sflag:$0x5], $0x80, s29, s12, $0xb8;
	[tilespmem:$0x1D000] =	vst v63  }
0x183: {  	s26 =	smov.u32 s28;
	s29 =	sadd.s32 s5, s0;
	_ =	swait.ge [sflag:s8], $0x4000  }
0x184: {  	s0 =	simm.s32 $0x400;
	s31 =	sshrl.u32 s29, $0x3;
	[sflag:s8] =	ssyncset.done $0x0  }
.LBB2_18:
0x185: {  	[sflag:s8] =	ssyncadd.s32 $0xFFFFC000;
	s28 =	sadd.s32 s6, s31;
	s26 =	sadd.s32 $0x2, s26  }
0x186: {  	[tilespmem:s4], [sflag:$0x2] =	stream.linear.gather [hbm4b:s28+s3], $0x4000, $0x38;
	[tilespmem:$0x1D000] =	vst v63  }
0x187: {  	p0 =	sne.s32 s0, $0x1C00;
	s28 =	sadd.s32 $0xFFFFFFFF, s26;
	_ =	swait.ge [sflag:s10], $0x4000  }
0x188: {  	s29 =	sshra.s32 s0, $0x2;
	p1 =	slt.s32 s28, $0x9C3;
	[sflag:s10] =	ssyncset.done $0x0  }
0x189: {  	s31 =	sadd.s32 $0x14000, s29;
	s28 =	simm.s32 @!p1 $0x9C3;
	[sflag:s10] =	ssyncadd.s32 $0xFFFFC000  }
0x18a: {  	[spmem:s2] =	stream.indirect.scatter.add.f32 [tilespmem:s1], [sflag:$0x5], $0x80, s31, s12, $0xb8;
	[tilespmem:$0x1D000] =	vst v63  }
0x18b: {  	s0 =	sadd.s32 $0x400, s0;
	s28 =	sshll.u32 s28, $0xE;
	_ =	swait.ge [sflag:s8], $0x4000  }
0x18c: {  	s28 =	sadd.s32 s5, s28;
	[sflag:s8] =	ssyncset.done $0x0  }
0x18d: {  	s28 =	sshrl.u32 s28, $0x3;
	[sflag:s8] =	ssyncadd.s32 $0xFFFFC000  }
0x18e: {  	p1 =	slt.s32 s26, $0x9C3;
	s28 =	sadd.s32 s6, s28  }
0x18f: {  	[tilespmem:s1], [sflag:$0x1] =	stream.linear.gather [hbm4b:s28+s3], $0x4000, $0x38;
	[tilespmem:$0x1D000] =	vst v63  }
0x190: {  	s28 =	sadd.s32 $0x14080, s29;
	s29 =	smov.u32 s26;
	_ =	swait.ge [sflag:s13], $0x4000  }
.Ltmp8:
0x191: {  	s29 =	simm.s32 @!p1 $0x9C3;
	[sflag:s13] =	ssyncset.done $0x0;
	(pc) =	sbr.rel @p0 .LBB2_18-.Ltmp8, $4  }
0x192: {  	s29 =	sshll.u32 s29, $0xE;
	[sflag:s13] =	ssyncadd.s32 $0xFFFFC000  }
0x193: {  	[spmem:s2] =	stream.indirect.scatter.add.f32 [tilespmem:s4], [sflag:$0x5], $0x80, s28, s12, $0xb8;
	[tilespmem:$0x1D000] =	vst v63  }
0x194: {  	s28 =	sadd.s32 s5, s29;
	_ =	swait.ge [sflag:s8], $0x4000  }
0x195: {  	s31 =	sshrl.u32 s28, $0x3;
	[sflag:s8] =	ssyncset.done $0x0  }
0x196: {  	[sflag:s8] =	ssyncadd.s32 $0xFFFFC000;
	s0 =	sadd.s32 s6, s31  }
0x197: {  	[tilespmem:s4], [sflag:$0x2] =	stream.linear.gather [hbm4b:s0+s3], $0x4000, $0x38;
	[tilespmem:$0x1D000] =	vst v63  }
0x198: {  	_ =	swait.ge [sflag:s7], $0x800  }
0x199: {  	[sflag:s7] =	ssyncset.done $0x0  }
0x19a: {  	[sflag:s7] =	ssyncadd.s32 $0xFFFFF800  }
0x19b: {  	_ =	swait.ge [sflag:s10], $0x4000  }
0x19c: {  	s28 =	rddreg [dreg:$0x18]  }
0x19d: {  	[sflag:s10] =	ssyncset.done $0x0;
	s0 =	sadd.s32 $0xFFFFFFFF, s28  }
0x19e: {  	s26 =	simm.s32 $0x14800;
	[sflag:s10] =	ssyncadd.s32 $0xFFFFC000;
	p0 =	slt.s32 s0, $0x9C3  }
0x19f: {  	[spmem:s2] =	stream.indirect.scatter.add.f32 [tilespmem:s1], [sflag:$0x5], $0x80, s26, s12, $0xb8;
	[tilespmem:$0x1D000] =	vst v63  }
0x1a0: {  	s0 =	simm.s32 @!p0 $0x9C3  }
0x1a1: {  	s0 =	sshll.u32 s0, $0xE  }
0x1a2: {  	_ =	swait.ge [sflag:s8], $0x4000;
	s0 =	sadd.s32 s5, s0  }
0x1a3: {  	[sflag:s8] =	ssyncset.done $0x0;
	s0 =	sshrl.u32 s0, $0x3  }
0x1a4: {  	[sflag:s8] =	ssyncadd.s32 $0xFFFFC000;
	s0 =	sadd.s32 s6, s0  }
0x1a5: {  	[tilespmem:s1], [sflag:$0x1] =	stream.linear.gather [hbm4b:s0+s3], $0x4000, $0x38;
	[tilespmem:$0x1D000] =	vst v63  }
0x1a6: {  	p0 =	slt.s32 s28, $0x9C3;
	s0 =	smov.u32 s28;
	_ =	swait.ge [sflag:s13], $0x4000  }
0x1a7: {  	s0 =	simm.s32 @!p0 $0x9C3;
	[sflag:s13] =	ssyncset.done $0x0  }
0x1a8: {  	s29 =	simm.s32 $0x14880;
	s0 =	sshll.u32 s0, $0xE;
	[sflag:s13] =	ssyncadd.s32 $0xFFFFC000  }
0x1a9: {  	[spmem:s2] =	stream.indirect.scatter.add.f32 [tilespmem:s4], [sflag:$0x5], $0x80, s29, s12, $0xb8;
	[tilespmem:$0x1D000] =	vst v63  }
0x1aa: {  	s26 =	smov.u32 s28;
	s29 =	sadd.s32 s5, s0;
	_ =	swait.ge [sflag:s8], $0x4000  }
0x1ab: {  	s0 =	simm.s32 $0x400;
	s31 =	sshrl.u32 s29, $0x3;
	[sflag:s8] =	ssyncset.done $0x0  }
.LBB2_20:
0x1ac: {  	[sflag:s8] =	ssyncadd.s32 $0xFFFFC000;
	s28 =	sadd.s32 s6, s31;
	s26 =	sadd.s32 $0x2, s26  }
0x1ad: {  	[tilespmem:s4], [sflag:$0x2] =	stream.linear.gather [hbm4b:s28+s3], $0x4000, $0x38;
	[tilespmem:$0x1D000] =	vst v63  }
0x1ae: {  	p0 =	sne.s32 s0, $0x1C00;
	s28 =	sadd.s32 $0xFFFFFFFF, s26;
	_ =	swait.ge [sflag:s10], $0x4000  }
0x1af: {  	s29 =	sshra.s32 s0, $0x2;
	p1 =	slt.s32 s28, $0x9C3;
	[sflag:s10] =	ssyncset.done $0x0  }
0x1b0: {  	s31 =	sadd.s32 $0x14800, s29;
	s28 =	simm.s32 @!p1 $0x9C3;
	[sflag:s10] =	ssyncadd.s32 $0xFFFFC000  }
0x1b1: {  	[spmem:s2] =	stream.indirect.scatter.add.f32 [tilespmem:s1], [sflag:$0x5], $0x80, s31, s12, $0xb8;
	[tilespmem:$0x1D000] =	vst v63  }
0x1b2: {  	s0 =	sadd.s32 $0x400, s0;
	s28 =	sshll.u32 s28, $0xE;
	_ =	swait.ge [sflag:s8], $0x4000  }
0x1b3: {  	s28 =	sadd.s32 s5, s28;
	[sflag:s8] =	ssyncset.done $0x0  }
0x1b4: {  	s28 =	sshrl.u32 s28, $0x3;
	[sflag:s8] =	ssyncadd.s32 $0xFFFFC000  }
0x1b5: {  	p1 =	slt.s32 s26, $0x9C3;
	s28 =	sadd.s32 s6, s28  }
0x1b6: {  	[tilespmem:s1], [sflag:$0x1] =	stream.linear.gather [hbm4b:s28+s3], $0x4000, $0x38;
	[tilespmem:$0x1D000] =	vst v63  }
0x1b7: {  	s28 =	sadd.s32 $0x14880, s29;
	s29 =	smov.u32 s26;
	_ =	swait.ge [sflag:s13], $0x4000  }
.Ltmp9:
0x1b8: {  	s29 =	simm.s32 @!p1 $0x9C3;
	[sflag:s13] =	ssyncset.done $0x0;
	(pc) =	sbr.rel @p0 .LBB2_20-.Ltmp9, $4  }
0x1b9: {  	s29 =	sshll.u32 s29, $0xE;
	[sflag:s13] =	ssyncadd.s32 $0xFFFFC000  }
0x1ba: {  	[spmem:s2] =	stream.indirect.scatter.add.f32 [tilespmem:s4], [sflag:$0x5], $0x80, s28, s12, $0xb8;
	[tilespmem:$0x1D000] =	vst v63  }
0x1bb: {  	s28 =	sadd.s32 s5, s29;
	_ =	swait.ge [sflag:s8], $0x4000  }
0x1bc: {  	s31 =	sshrl.u32 s28, $0x3;
	[sflag:s8] =	ssyncset.done $0x0  }
0x1bd: {  	[sflag:s8] =	ssyncadd.s32 $0xFFFFC000;
	s0 =	sadd.s32 s6, s31  }
0x1be: {  	[tilespmem:s4], [sflag:$0x2] =	stream.linear.gather [hbm4b:s0+s3], $0x4000, $0x38;
	[tilespmem:$0x1D000] =	vst v63  }
0x1bf: {  	_ =	swait.ge [sflag:s10], $0x4000  }
0x1c0: {  	[sflag:s10] =	ssyncset.done $0x0  }
0x1c1: {  	[sflag:s10] =	ssyncadd.s32 $0xFFFFC000  }
0x1c2: {  	_ =	swait.ge [sflag:s13], $0x4000  }
0x1c3: {  	[sflag:s13] =	ssyncset.done $0x0  }
0x1c4: {  	[sflag:s13] =	ssyncadd.s32 $0xFFFFC000  }
0x1c5: {  	[bflag:$0x0] =	sbarrier.arrive $0xFFFF  }
0x1c6: {  	s26 =	rddreg [dreg:$0x9]  }
0x1c7: {  	s31 =	rddreg [dreg:$0xa]  }
0x1c8: {  	s28 =	rddreg [dreg:$0x19]  }
0x1c9: {  	[hbm:s31], [sflag:s26] =	dma.local [spmem:s28], $0x2800  }
0x1ca: {  	_ =	swait.ge [sflag:s8], $0x2800  }
0x1cb: {  	s11 =	sadd.s32 $0x1, s11;
	s31 =	rddreg [dreg:$0xb]  }
0x1cc: {  	p0 =	sne.s32 s11, s31  }
.Ltmp10:
0x1cd: {  	_ = 	snop;
	(pc) =	sbr.rel @p0 .LBB2_1-.Ltmp10, $3  }
0x1ce: {  	_ =	sdelay $0x1  }
0x1cf: {  	[sflag:s8] =	ssyncset.done $0x0  }
0x1d0: {  	s29 =	simm.s32 $0x14000;
	[sflag:s8] =	ssyncadd.s32 $0xFFFFD800  }
0x1d1: {  	_ =	sfence.sel $0x180000  }
0x1d2: {  	[bflag:$0x0] =	sbarrier.arrive $0xFFFF  }
0x1d3: {  	_ =	strace $0x90000047  }
0x1d4: {  	s0 =	stileid.u32;
	[bflag:$0x2] =	sbarrier.arrive $0xFFFF  }
0x1d5: {  	p0 =	sne.s32 s0, $0x0;
	s0 =	rddreg [dreg:$0x3]  }
0x1d6: {  	s0 =	sadd.s32 @!p0 $0x100000, s0  }
0x1d7: {  	[sflag:s0] =	ssyncadd.tile.s32 @!p0 $0x1;
	_ =	shalt  }
.Lfunc_end2:
_tile_overlayer_lowered:
.L_overlay_start_2:
0x1d8: {  	(tag) =	ssettag $0x2  }
0x1d9: {  	s0 =	rddreg [dreg:$0x0];
	s2 =	stileid.u32  }
0x1da: {  	s1 =	rddreg [dreg:$0x1];
	p0 =	sne.s32 s2, $0x0  }
0x1db: {  	s3 =	rddreg [dreg:$0x2];
	[bflag:$0x3] =	sbarrier.arrive $0xFFFF;
	s2 =	simm.s32 @!p0 $0x1C05  }
0x1dc: {  	[timem:s3], [sflag:s2] =	dma.local @!p0 [hbm:s0], s1  }
0x1dd: {  	s0 =	simm.s32 @!p0 $0x5  }
0x1de: {  	_ =	swait.ge @!p0 [sflag:s0], s1  }
0x1df: {  	s1 =	ssub.s32 @!p0 $0x0, s1;
	[sflag:s0] =	ssyncset.done @!p0 $0x0  }
0x1e0: {  	[sflag:s0] =	ssyncadd.s32 @!p0 s1  }
0x1e1: {  	[bflag:$0x3] =	sbarrier.arrive $0xFFFF  }
0x1e2: {  	_ =	shalt  }

</sc_bundles>
